<compile_context>
chip_gen: v7x
topology: tpu7x:2x2x1
jax: 0.10.2.dev20260603
libtpu: 0.0.44.dev20260713+nightly
codegen_flags: <defaults>
</compile_context>

<pallas_src>
import functools

import jax
import jax.numpy as jnp
import numpy as np
from jax import lax
from jax.experimental import pallas as pl
from jax.experimental.pallas import tpu as pltpu
from jax.experimental.pallas import tpu_sc as plsc

N = 10000
E = 320000
XD = 128
ED = 16
H = 128
B = 64
QD = 6
TV = 8
L = 3

NC = 2
NS = 16
NW = NC * NS
EPT = E // NW
K = 40
CHUNKS = EPT // K
RING = 3
T2 = (CHUNKS - 1) // RING
NP = 10240
RPT = NP // NS
ZR = 128
NZ = RPT // ZR

LANES = 16
HP = H // 2

_C64 = np.arange(HP)
_PK_LO = 32 * (_C64 // 16) + (_C64 % 16)
_PK_HI = _PK_LO + 16


def _sc_body(h_hbm, ep_hbm, src_hbm, dst_hbm, out_hbm,
             sidx, didx, epv, msg, aggr_sh,
             sem_g, sem_e, sem_s, sem_d, sem_si):
    cid = lax.axis_index("c")
    sid = lax.axis_index("s")
    wid = cid * NS + sid
    e0 = wid * EPT
    row0 = sid * RPT

    zeros16 = jnp.zeros((LANES,), jnp.float32)

    def zrow(r, carry):
        for j in range(H // LANES):
            msg[0][r, pl.ds(j * LANES, LANES)] = zeros16
        return carry

    lax.fori_loop(0, K, zrow, 0)

    def zcopy(i, carry):
        pltpu.sync_copy(msg[0], aggr_sh.at[pl.ds(row0 + i * K, K)])
        return carry

    lax.fori_loop(0, RPT // K, zcopy, 0)
    plsc.subcore_barrier()

    def issue_si(c, b):
        pltpu.async_copy(src_hbm.at[pl.ds(e0 + c * K, K)], sidx[b],
                         sem_si.at[b])

    def wait_si(b):
        pltpu.make_async_copy(
            src_hbm.at[pl.ds(0, K)], sidx[b], sem_si.at[b]).wait()

    def issue_ge(c, b):
        pltpu.async_copy(h_hbm.at[sidx[b]], msg[b], sem_g.at[b])
        pltpu.async_copy(ep_hbm.at[pl.ds(e0 + c * K, K)], epv[b],
                         sem_e.at[b])

    def wait_ge(b):
        pltpu.make_async_copy(
            h_hbm.at[sidx[b]], msg[b], sem_g.at[b]).wait()
        pltpu.make_async_copy(
            ep_hbm.at[pl.ds(0, K)], epv[b], sem_e.at[b]).wait()

    def wait_scatter(b):
        pltpu.make_async_copy(
            msg[b], aggr_sh.at[didx[b]], sem_s.at[b]).wait()

    def compute(b):
        ek, mk = epv[b], msg[b]
        mask = jnp.int32(-65536)

        @plsc.parallel_loop(0, K, unroll=2)
        def rowfn(r):
            for j in range(H // (2 * LANES)):
                ve = ek[r, pl.ds(LANES * j, LANES)]
                elo = plsc.bitcast(ve << 16, jnp.float32)
                ehi = plsc.bitcast(ve & mask, jnp.float32)
                sl0 = pl.ds(2 * LANES * j, LANES)
                sl1 = pl.ds(2 * LANES * j + LANES, LANES)
                mk[r, sl0] = jnp.maximum(mk[r, sl0] + elo, 0.0)
                mk[r, sl1] = jnp.maximum(mk[r, sl1] + ehi, 0.0)

    def chunk_body(t2, c, b, q):
        wait_ge(b)
        if q == 0:
            issue_si(c + RING, b)
        else:
            @pl.when(t2 < T2 - 1)
            def _():
                issue_si(c + RING, b)
        pltpu.async_copy(dst_hbm.at[pl.ds(e0 + c * K, K)], didx[b],
                         sem_d.at[b])
        bn = (b + 2) % RING

        def prefetch():
            wait_scatter(bn)
            wait_si(bn)
            issue_ge(c + 2, bn)

        if q == 0:
            @pl.when(t2 > 0)
            def _():
                wait_scatter(bn)
                wait_si(bn)
                issue_ge(c + 2, bn)

            @pl.when(t2 == 0)
            def _():
                wait_si(bn)
                issue_ge(c + 2, bn)
        elif q == 1:
            prefetch()
        else:
            @pl.when(t2 < T2 - 1)
            def _():
                prefetch()
        compute(b)
        pltpu.make_async_copy(
            dst_hbm.at[pl.ds(0, K)], didx[b], sem_d.at[b]).wait()
        pltpu.async_copy(msg[b], aggr_sh.at[didx[b]], sem_s.at[b], add=True)

    issue_si(0, 0)
    issue_si(1, 1)
    issue_si(2, 2)
    wait_si(0)
    issue_ge(0, 0)
    wait_si(1)
    issue_ge(1, 1)

    def step(t2, carry):
        chunk_body(t2, 3 * t2, 0, 0)
        chunk_body(t2, 3 * t2 + 1, 1, 1)
        chunk_body(t2, 3 * t2 + 2, 2, 2)
        return carry

    lax.fori_loop(0, T2, step, 0)

    cL = CHUNKS - 1
    wait_ge(0)
    pltpu.async_copy(dst_hbm.at[pl.ds(e0 + cL * K, K)], didx[0], sem_d.at[0])
    wait_scatter(2)
    compute(0)
    pltpu.make_async_copy(dst_hbm.at[pl.ds(0, K)], didx[0], sem_d.at[0]).wait()
    pltpu.async_copy(msg[0], aggr_sh.at[didx[0]], sem_s.at[0], add=True)
    wait_scatter(1)
    wait_scatter(0)
    plsc.subcore_barrier()

    def wcopy(i, carry):
        sl = pl.ds(row0 + i * ZR, ZR)
        pltpu.sync_copy(aggr_sh.at[sl], out_hbm.at[cid, sl])
        return carry

    lax.fori_loop(0, NZ, wcopy, 0)


@jax.jit
def _sc_aggr(h, ep, src, dst):
    mesh = plsc.VectorSubcoreMesh(
        core_axis_name="c", subcore_axis_name="s",
        num_cores=NC, num_subcores=NS)
    fn = pl.kernel(
        _sc_body,
        out_type=jax.ShapeDtypeStruct((NC, NP, H), jnp.float32),
        mesh=mesh,
        scratch_types=[
            [pltpu.VMEM((K,), jnp.int32)] * RING,
            [pltpu.VMEM((K,), jnp.int32)] * RING,
            [pltpu.VMEM((K, HP), jnp.int32)] * RING,
            [pltpu.VMEM((K, H), jnp.float32)] * RING,
            pltpu.VMEM_SHARED((NP, H), jnp.float32),
            pltpu.SemaphoreType.DMA((RING,)),
            pltpu.SemaphoreType.DMA((RING,)),
            pltpu.SemaphoreType.DMA((RING,)),
            pltpu.SemaphoreType.DMA((RING,)),
            pltpu.SemaphoreType.DMA((RING,)),
        ],
        compiler_params=pltpu.CompilerParams(needs_layout_passes=False),
        name="gine_sc_aggr",
    )
    return fn(h, ep, src, dst)


_MBLK = 2000


def _pack_i32(lo, hi):
    lo16 = lax.bitcast_convert_type(lo.astype(jnp.bfloat16), jnp.uint16)
    hi16 = lax.bitcast_convert_type(hi.astype(jnp.bfloat16), jnp.uint16)
    packed = lo16.astype(jnp.uint32) | (hi16.astype(jnp.uint32) << 16)
    return lax.bitcast_convert_type(packed, jnp.int32)


def _h0_body(x_ref, w_ref, b_ref, o_ref):
    o_ref[...] = jnp.dot(x_ref[...], w_ref[...],
                         preferred_element_type=jnp.float32) + b_ref[...]


def _tc_h0(x, Wx, bx):
    return pl.pallas_call(
        _h0_body,
        grid=(N // _MBLK,),
        in_specs=[
            pl.BlockSpec((_MBLK, XD), lambda i: (i, 0)),
            pl.BlockSpec((XD, H), lambda i: (0, 0)),
            pl.BlockSpec((1, H), lambda i: (0, 0)),
        ],
        out_specs=pl.BlockSpec((_MBLK, H), lambda i: (i, 0)),
        out_shape=jax.ShapeDtypeStruct((N, H), jnp.float32),
    )(x, Wx, bx.reshape(1, H))


_EBLK = 4000


def _ep_body(ea_ref, wa_ref, ba_ref, wb_ref, bb_ref, o_ref):
    ea = ea_ref[...]
    lo = jnp.dot(ea, wa_ref[...], preferred_element_type=jnp.float32) \
        + ba_ref[...]
    hi = jnp.dot(ea, wb_ref[...], preferred_element_type=jnp.float32) \
        + bb_ref[...]
    o_ref[...] = _pack_i32(lo, hi)


def _tc_ep(edge_attr, We_l, be_l):
    return pl.pallas_call(
        _ep_body,
        grid=(E // _EBLK,),
        in_specs=[
            pl.BlockSpec((_EBLK, ED), lambda i: (i, 0)),
            pl.BlockSpec((ED, HP), lambda i: (0, 0)),
            pl.BlockSpec((1, HP), lambda i: (0, 0)),
            pl.BlockSpec((ED, HP), lambda i: (0, 0)),
            pl.BlockSpec((1, HP), lambda i: (0, 0)),
        ],
        out_specs=pl.BlockSpec((_EBLK, HP), lambda i: (i, 0)),
        out_shape=jax.ShapeDtypeStruct((E, HP), jnp.int32),
    )(edge_attr, We_l[:, _PK_LO], be_l[_PK_LO].reshape(1, HP),
      We_l[:, _PK_HI], be_l[_PK_HI].reshape(1, HP))


def _mlp_body(h_ref, a_ref, w1_ref, b1_ref, w2_ref, b2_ref, o_ref):
    hin = h_ref[...] + a_ref[0] + a_ref[1]
    t = jnp.maximum(
        jnp.dot(hin, w1_ref[...], preferred_element_type=jnp.float32)
        + b1_ref[...], 0.0)
    o_ref[...] = jnp.maximum(
        jnp.dot(t, w2_ref[...], preferred_element_type=jnp.float32)
        + b2_ref[...], 0.0)


def _tc_mlp(h, aggr2, W1_l, b1_l, W2_l, b2_l):
    return pl.pallas_call(
        _mlp_body,
        grid=(N // _MBLK,),
        in_specs=[
            pl.BlockSpec((_MBLK, H), lambda i: (i, 0)),
            pl.BlockSpec((NC, _MBLK, H), lambda i: (0, i, 0)),
            pl.BlockSpec((H, H), lambda i: (0, 0)),
            pl.BlockSpec((1, H), lambda i: (0, 0)),
            pl.BlockSpec((H, H), lambda i: (0, 0)),
            pl.BlockSpec((1, H), lambda i: (0, 0)),
        ],
        out_specs=pl.BlockSpec((_MBLK, H), lambda i: (i, 0)),
        out_shape=jax.ShapeDtypeStruct((N, H), jnp.float32),
    )(h, aggr2, W1_l, b1_l.reshape(1, H), W2_l, b2_l.reshape(1, H))


def _head_body(h_ref, batch_ref, q_ref, tc_ref, temb_ref,
               wq1_ref, bq1_ref, wq2_ref, bq2_ref,
               wy1g_ref, wy1q_ref, wy1t_ref, by1_ref, wy2_ref, by2_ref,
               wa1g_ref, wa1q_ref, wa1t_ref, ba1_ref, wa2_ref, ba2_ref,
               y_ref, ax_ref):
    f32 = jnp.float32
    oh = (lax.broadcasted_iota(jnp.int32, (N, B), 1)
          == batch_ref[...]).astype(f32)
    h = h_ref[...]
    g = lax.dot_general(oh, h, (((0,), (0,)), ((), ())),
                        preferred_element_type=f32)
    ones = jnp.ones((N, 1), f32)
    cnt = lax.dot_general(oh, ones, (((0,), (0,)), ((), ())),
                          preferred_element_type=f32)
    g = g / jnp.maximum(cnt, 1.0)

    qh = jnp.maximum(
        jnp.dot(q_ref[...], wq1_ref[...], preferred_element_type=f32)
        + bq1_ref[...], 0.0)
    qh = jnp.dot(qh, wq2_ref[...], preferred_element_type=f32) + bq2_ref[...]

    oht = (lax.broadcasted_iota(jnp.int32, (B, TV), 1)
           == tc_ref[...]).astype(f32)
    th = jnp.dot(oht, temb_ref[...], preferred_element_type=f32)

    zy = jnp.maximum(
        jnp.dot(g, wy1g_ref[...], preferred_element_type=f32)
        + jnp.dot(qh, wy1q_ref[...], preferred_element_type=f32)
        + jnp.dot(th, wy1t_ref[...], preferred_element_type=f32)
        + by1_ref[...], 0.0)
    y_ref[...] = jnp.dot(zy, wy2_ref[...], preferred_element_type=f32) \
        + by2_ref[...]

    za = jnp.maximum(
        jnp.dot(g, wa1g_ref[...], preferred_element_type=f32)
        + jnp.dot(qh, wa1q_ref[...], preferred_element_type=f32)
        + jnp.dot(th, wa1t_ref[...], preferred_element_type=f32)
        + ba1_ref[...], 0.0)
    ax_ref[...] = jnp.dot(za, wa2_ref[...], preferred_element_type=f32) \
        + ba2_ref[...]


def _tc_head(h, batch, q, tclass, Temb,
             Wq1, bq1, Wq2, bq2, Wy1, by1, Wy2, by2, Wa1, ba1, Wa2, ba2):
    y, ax = pl.pallas_call(
        _head_body,
        out_shape=(
            jax.ShapeDtypeStruct((B, 1), jnp.float32),
            jax.ShapeDtypeStruct((B, 6), jnp.float32),
        ),
    )(h, batch.reshape(N, 1), q, tclass.reshape(B, 1), Temb,
      Wq1, bq1.reshape(1, H), Wq2, bq2.reshape(1, H),
      Wy1[:H], Wy1[H:2 * H], Wy1[2 * H:], by1.reshape(1, H),
      Wy2, by2.reshape(1, 1),
      Wa1[:H], Wa1[H:2 * H], Wa1[2 * H:], ba1.reshape(1, H),
      Wa2, ba2.reshape(1, 6))
    return y.reshape(-1), ax


def kernel(x, edge_index, edge_attr, q, tclass, batch,
           Wx, bx, We, be, W1, b1, W2, b2, Wq1, bq1, Wq2, bq2, Temb,
           Wy1, by1, Wy2, by2, Wa1, ba1, Wa2, ba2):
    src = edge_index[0]
    dst = edge_index[1]
    h = _tc_h0(x, Wx, bx)
    for l in range(L):
        ep = _tc_ep(edge_attr, We[l], be[l])
        aggr2 = _sc_aggr(h, ep, src, dst)
        h = _tc_mlp(h, aggr2, W1[l], b1[l], W2[l], b2[l])
    return _tc_head(h, batch, q, tclass, Temb,
                    Wq1, bq1, Wq2, bq2, Wy1, by1, Wy2, by2,
                    Wa1, ba1, Wa2, ba2)

# --- scband reference (transcript-rebuilt; emitter-appended) ---
"""Pipeline reference for scband-layer2-gineno-path-stats-27616639714047 (READ-ONLY COPY).

The authoritative reference and input builder live on the scoring server;
editing this copy changes nothing except your own understanding.
"""

import jax, jax.numpy as jnp
import numpy as np

N = 10000
E = 320000
XD = 128
ED = 16
H = 128
B = 64
QD = 6
TV = 8
TE = 16
L = 3
FUSED = H + H + TE


def setup_inputs(seed: int = 0) -> dict:
    key = jax.random.key(seed)
    ks = jax.random.split(key, 40)
    inp = {}
    inp['x'] = jax.random.normal(ks[0], (N, XD), jnp.float32)
    inp['edge_index'] = jax.random.randint(ks[1], (2, E), 0, N, jnp.int32)
    inp['edge_attr'] = jax.random.normal(ks[2], (E, ED), jnp.float32)
    inp['q'] = jax.random.normal(ks[3], (B, QD), jnp.float32)
    inp['tclass'] = jax.random.randint(ks[4], (B,), 0, TV, jnp.int32)
    inp['batch'] = jnp.sort(jax.random.randint(ks[5], (N,), 0, B, jnp.int32))
    s = 0.05
    inp['Wx'] = jax.random.normal(ks[6], (XD, H), jnp.float32) * s
    inp['bx'] = jnp.zeros((H,), jnp.float32)
    inp['We'] = jax.random.normal(ks[7], (L, ED, H), jnp.float32) * s
    inp['be'] = jnp.zeros((L, H), jnp.float32)
    inp['W1'] = jax.random.normal(ks[8], (L, H, H), jnp.float32) * s
    inp['b1'] = jnp.zeros((L, H), jnp.float32)
    inp['W2'] = jax.random.normal(ks[9], (L, H, H), jnp.float32) * s
    inp['b2'] = jnp.zeros((L, H), jnp.float32)
    inp['Wq1'] = jax.random.normal(ks[10], (QD, H), jnp.float32) * s
    inp['bq1'] = jnp.zeros((H,), jnp.float32)
    inp['Wq2'] = jax.random.normal(ks[11], (H, H), jnp.float32) * s
    inp['bq2'] = jnp.zeros((H,), jnp.float32)
    inp['Temb'] = jax.random.normal(ks[12], (TV, TE), jnp.float32) * s
    inp['Wy1'] = jax.random.normal(ks[13], (FUSED, H), jnp.float32) * s
    inp['by1'] = jnp.zeros((H,), jnp.float32)
    inp['Wy2'] = jax.random.normal(ks[14], (H, 1), jnp.float32) * s
    inp['by2'] = jnp.zeros((1,), jnp.float32)
    inp['Wa1'] = jax.random.normal(ks[15], (FUSED, H), jnp.float32) * s
    inp['ba1'] = jnp.zeros((H,), jnp.float32)
    inp['Wa2'] = jax.random.normal(ks[16], (H, 6), jnp.float32) * s
    inp['ba2'] = jnp.zeros((6,), jnp.float32)
    return inp


def reference(x, edge_index, edge_attr, q, tclass, batch, Wx, bx, We, be, W1, b1, W2, b2, Wq1, bq1, Wq2, bq2, Temb, Wy1, by1, Wy2, by2, Wa1, ba1, Wa2, ba2):
    src = edge_index[0]
    dst = edge_index[1]
    h = x @ Wx + bx
    for l in range(L):
        # GINEConv (eps=0): msg = relu(x_src + lin_edge(edge_attr)); aggr = sum over dst
        ep = edge_attr @ We[l] + be[l]
        msg = jax.nn.relu(h[src] + ep)
        aggr = jax.ops.segment_sum(msg, dst, num_segments=N)
        hin = h + aggr
        h = jax.nn.relu(hin @ W1[l] + b1[l]) @ W2[l] + b2[l]
        h = jax.nn.relu(h)
    counts = jax.ops.segment_sum(jnp.ones((N, 1), jnp.float32), batch, num_segments=B)
    g = jax.ops.segment_sum(h, batch, num_segments=B) / jnp.clip(counts, 1.0)
    qh = jax.nn.relu(q @ Wq1 + bq1) @ Wq2 + bq2
    th = Temb[tclass]
    z = jnp.concatenate([g, qh, th], axis=-1)
    y_logit = (jax.nn.relu(z @ Wy1 + by1) @ Wy2 + by2).reshape(-1)
    axis_logit = jax.nn.relu(z @ Wa1 + ba1) @ Wa2 + ba2
    return (y_logit, axis_logit)

if __name__ == "__main__":
    import jax
    _d = setup_inputs()
    print(jax.jit(kernel)(*tuple(_d.values())))

</pallas_src>

<mosaic_0001>
#map = affine_map<(d0, d1) -> (0, 0)>
#map1 = affine_map<(d0, d1) -> (0)>
#map2 = affine_map<(d0, d1) -> (0, 0, 0)>
module attributes {stable_mosaic.version = 14 : i64} {
  func.func @gine_sc_aggr(%arg0: i32, %arg1: i32, %arg2: memref<10000x128xf32, #tpu.memory_space<hbm>>, %arg3: memref<320000x64xi32, #tpu.memory_space<hbm>>, %arg4: memref<320000xi32, #tpu.memory_space<hbm>>, %arg5: memref<320000xi32, #tpu.memory_space<hbm>>, %arg6: memref<2x10240x128xf32, #tpu.memory_space<hbm>>, %arg7: memref<40xi32, #tpu.memory_space<vmem>>, %arg8: memref<40xi32, #tpu.memory_space<vmem>>, %arg9: memref<40xi32, #tpu.memory_space<vmem>>, %arg10: memref<40xi32, #tpu.memory_space<vmem>>, %arg11: memref<40xi32, #tpu.memory_space<vmem>>, %arg12: memref<40xi32, #tpu.memory_space<vmem>>, %arg13: memref<40x64xi32, #tpu.memory_space<vmem>>, %arg14: memref<40x64xi32, #tpu.memory_space<vmem>>, %arg15: memref<40x64xi32, #tpu.memory_space<vmem>>, %arg16: memref<40x128xf32, #tpu.memory_space<vmem>>, %arg17: memref<40x128xf32, #tpu.memory_space<vmem>>, %arg18: memref<40x128xf32, #tpu.memory_space<vmem>>, %arg19: memref<10240x128xf32, #tpu.memory_space<vmem_shared>>, %arg20: memref<3x!tpu.dma_semaphore, #tpu.memory_space<semaphore_mem>>, %arg21: memref<3x!tpu.dma_semaphore, #tpu.memory_space<semaphore_mem>>, %arg22: memref<3x!tpu.dma_semaphore, #tpu.memory_space<semaphore_mem>>, %arg23: memref<3x!tpu.dma_semaphore, #tpu.memory_space<semaphore_mem>>, %arg24: memref<3x!tpu.dma_semaphore, #tpu.memory_space<semaphore_mem>>) attributes {dimension_semantics = [#tpu.dimension_semantics<core_parallel>, #tpu.dimension_semantics<subcore_parallel>], iteration_bounds = array<i64: 2, 16>, scalar_prefetch = 0 : i64, scratch_operands = 18 : i64, tpu.core_type = #tpu.core_type<sc_vector_subcore>, window_params = [{transform_indices = #map}, {transform_indices = #map}, {transform_indices = #map1}, {transform_indices = #map1}, {transform_indices = #map2}]} {
    %mul3A = arith.constant 16 : i32
    %mul3A_0 = arith.muli %arg0, %mul3A : i32
    %add3A = arith.addi %mul3A_0, %arg1 : i32
    %mul3A_1 = arith.constant 10000 : i32
    %mul3A_2 = arith.muli %add3A, %mul3A_1 : i32
    %mul3A_3 = arith.constant 640 : i32
    %mul3A_4 = arith.muli %arg1, %mul3A_3 : i32
    %broadcast_in_dim3A = arith.constant 0.000000e+00 : f32
    %broadcast_in_dim3A_5 = vector.broadcast %broadcast_in_dim3A : f32 to vector<16xf32>
    %scan3A = arith.constant 0 : i32
    %scan3A_6 = arith.constant 0 : i32
    %scan3A_7 = arith.constant 40 : i32
    %scan3A_8 = arith.addi %scan3A_6, %scan3A_7 : i32
    %scan3A_9 = arith.constant 1 : i32
    scf.for %scan3A_149 = %scan3A_6 to %scan3A_8 step %scan3A_9  : i32 {
      %swap3A = arith.index_cast %scan3A_149 : i32 to index
      %swap3A_150 = arith.constant 0 : index
      %swap3A_151 = tpu.vector_load %arg16[%swap3A, %swap3A_150] {strides = array<i32>} : memref<40x128xf32, #tpu.memory_space<vmem>>, vector<16xf32>,
      tpu.vector_store %arg16[%swap3A, %swap3A_150], %broadcast_in_dim3A_5 {strides = array<i32>} : memref<40x128xf32, #tpu.memory_space<vmem>>, vector<16xf32>,
      %swap3A_152 = arith.index_cast %scan3A_149 : i32 to index
      %swap3A_153 = arith.constant 16 : index
      %swap3A_154 = tpu.vector_load %arg16[%swap3A_152, %swap3A_153] {strides = array<i32>} : memref<40x128xf32, #tpu.memory_space<vmem>>, vector<16xf32>,
      tpu.vector_store %arg16[%swap3A_152, %swap3A_153], %broadcast_in_dim3A_5 {strides = array<i32>} : memref<40x128xf32, #tpu.memory_space<vmem>>, vector<16xf32>,
      %swap3A_155 = arith.index_cast %scan3A_149 : i32 to index
      %swap3A_156 = arith.constant 32 : index
      %swap3A_157 = tpu.vector_load %arg16[%swap3A_155, %swap3A_156] {strides = array<i32>} : memref<40x128xf32, #tpu.memory_space<vmem>>, vector<16xf32>,
      tpu.vector_store %arg16[%swap3A_155, %swap3A_156], %broadcast_in_dim3A_5 {strides = array<i32>} : memref<40x128xf32, #tpu.memory_space<vmem>>, vector<16xf32>,
      %swap3A_158 = arith.index_cast %scan3A_149 : i32 to index
      %swap3A_159 = arith.constant 48 : index
      %swap3A_160 = tpu.vector_load %arg16[%swap3A_158, %swap3A_159] {strides = array<i32>} : memref<40x128xf32, #tpu.memory_space<vmem>>, vector<16xf32>,
      tpu.vector_store %arg16[%swap3A_158, %swap3A_159], %broadcast_in_dim3A_5 {strides = array<i32>} : memref<40x128xf32, #tpu.memory_space<vmem>>, vector<16xf32>,
      %swap3A_161 = arith.index_cast %scan3A_149 : i32 to index
      %swap3A_162 = arith.constant 64 : index
      %swap3A_163 = tpu.vector_load %arg16[%swap3A_161, %swap3A_162] {strides = array<i32>} : memref<40x128xf32, #tpu.memory_space<vmem>>, vector<16xf32>,
      tpu.vector_store %arg16[%swap3A_161, %swap3A_162], %broadcast_in_dim3A_5 {strides = array<i32>} : memref<40x128xf32, #tpu.memory_space<vmem>>, vector<16xf32>,
      %swap3A_164 = arith.index_cast %scan3A_149 : i32 to index
      %swap3A_165 = arith.constant 80 : index
      %swap3A_166 = tpu.vector_load %arg16[%swap3A_164, %swap3A_165] {strides = array<i32>} : memref<40x128xf32, #tpu.memory_space<vmem>>, vector<16xf32>,
      tpu.vector_store %arg16[%swap3A_164, %swap3A_165], %broadcast_in_dim3A_5 {strides = array<i32>} : memref<40x128xf32, #tpu.memory_space<vmem>>, vector<16xf32>,
      %swap3A_167 = arith.index_cast %scan3A_149 : i32 to index
      %swap3A_168 = arith.constant 96 : index
      %swap3A_169 = tpu.vector_load %arg16[%swap3A_167, %swap3A_168] {strides = array<i32>} : memref<40x128xf32, #tpu.memory_space<vmem>>, vector<16xf32>,
      tpu.vector_store %arg16[%swap3A_167, %swap3A_168], %broadcast_in_dim3A_5 {strides = array<i32>} : memref<40x128xf32, #tpu.memory_space<vmem>>, vector<16xf32>,
      %swap3A_170 = arith.index_cast %scan3A_149 : i32 to index
      %swap3A_171 = arith.constant 112 : index
      %swap3A_172 = tpu.vector_load %arg16[%swap3A_170, %swap3A_171] {strides = array<i32>} : memref<40x128xf32, #tpu.memory_space<vmem>>, vector<16xf32>,
      tpu.vector_store %arg16[%swap3A_170, %swap3A_171], %broadcast_in_dim3A_5 {strides = array<i32>} : memref<40x128xf32, #tpu.memory_space<vmem>>, vector<16xf32>,
    }
    %scan3A_10 = arith.constant 40 : i32
    %scan3A_11 = arith.constant 0 : i32
    %scan3A_12 = arith.constant 0 : i32
    %scan3A_13 = arith.constant 16 : i32
    %scan3A_14 = arith.addi %scan3A_12, %scan3A_13 : i32
    %scan3A_15 = arith.constant 1 : i32
    scf.for %scan3A_149 = %scan3A_12 to %scan3A_14 step %scan3A_15  : i32 {
      %mul3A_150 = arith.constant 40 : i32
      %mul3A_151 = arith.muli %scan3A_149, %mul3A_150 : i32
      %add3A_152 = arith.addi %mul3A_4, %mul3A_151 : i32
      "tpu.region"() ({
        %run_scoped3A = tpu.sem_alloc : memref<!tpu.dma_semaphore, #tpu.memory_space<semaphore_mem>>
        %dma_start3A_153 = arith.constant 0 : i32
        %dma_start3A_154 = tpu.memref_slice %arg19[%add3A_152, %dma_start3A_153] : memref<10240x128xf32, #tpu.memory_space<vmem_shared>> -> memref<40x128xf32, #tpu.memory_space<vmem_shared>>
        %dma_start3A_155 = arith.constant 0 : i32
        %dma_start3A_156 = tpu.memref_slice %arg19[%add3A_152, %dma_start3A_155] : memref<10240x128xf32, #tpu.memory_space<vmem_shared>> -> memref<40x128xf32, #tpu.memory_space<vmem_shared>>
        tpu.enqueue_dma source(%arg16 : memref<40x128xf32, #tpu.memory_space<vmem>>) target(%dma_start3A_156 : memref<40x128xf32, #tpu.memory_space<vmem_shared>>) target_semaphore(%run_scoped3A : memref<!tpu.dma_semaphore, #tpu.memory_space<semaphore_mem>>)
        %dma_wait3A_157 = arith.constant 0 : i32
        %dma_wait3A_158 = tpu.memref_slice %arg19[%add3A_152, %dma_wait3A_157] : memref<10240x128xf32, #tpu.memory_space<vmem_shared>> -> memref<40x128xf32, #tpu.memory_space<vmem_shared>>
        %dma_wait3A_159 = arith.constant 0 : i32
        %dma_wait3A_160 = tpu.memref_slice %arg19[%add3A_152, %dma_wait3A_159] : memref<10240x128xf32, #tpu.memory_space<vmem_shared>> -> memref<40x128xf32, #tpu.memory_space<vmem_shared>>
        tpu.wait_dma2 semaphore(%run_scoped3A : memref<!tpu.dma_semaphore, #tpu.memory_space<semaphore_mem>>) src(%arg16 : memref<40x128xf32, #tpu.memory_space<vmem>>) dst(%dma_wait3A_160 : memref<40x128xf32, #tpu.memory_space<vmem_shared>>)
        tpu.yield
      }) : () -> ()
    }
    %scan3A_16 = arith.constant 16 : i32
    %barrier3A = arith.constant 0 : index
    tpu.barrier barrier_id(%barrier3A)
    %add3A_17 = arith.constant 0 : i32
    %add3A_18 = arith.addi %mul3A_2, %add3A_17 : i32
    %dma_start3A = arith.constant 0 : i32
    %dma_start3A_19 = tpu.memref_slice %arg4[%add3A_18] : memref<320000xi32, #tpu.memory_space<hbm>> -> memref<40xi32, #tpu.memory_space<hbm>>
    %dma_start3A_20 = tpu.memref_slice %arg24[%dma_start3A] : memref<3x!tpu.dma_semaphore, #tpu.memory_space<semaphore_mem>> -> memref<1x!tpu.dma_semaphore, #tpu.memory_space<semaphore_mem>>
    %dma_start3A_21 = tpu.memref_squeeze %dma_start3A_20 : memref<1x!tpu.dma_semaphore, #tpu.memory_space<semaphore_mem>> -> memref<!tpu.dma_semaphore, #tpu.memory_space<semaphore_mem>>
    %dma_start3A_22 = tpu.memref_slice %arg4[%add3A_18] : memref<320000xi32, #tpu.memory_space<hbm>> -> memref<40xi32, #tpu.memory_space<hbm>>
    tpu.enqueue_dma source(%dma_start3A_22 : memref<40xi32, #tpu.memory_space<hbm>>) target(%arg7 : memref<40xi32, #tpu.memory_space<vmem>>) target_semaphore(%dma_start3A_21 : memref<!tpu.dma_semaphore, #tpu.memory_space<semaphore_mem>>)
    %add3A_23 = arith.constant 40 : i32
    %add3A_24 = arith.addi %mul3A_2, %add3A_23 : i32
    %dma_start3A_25 = arith.constant 1 : i32
    %dma_start3A_26 = tpu.memref_slice %arg4[%add3A_24] : memref<320000xi32, #tpu.memory_space<hbm>> -> memref<40xi32, #tpu.memory_space<hbm>>
    %dma_start3A_27 = tpu.memref_slice %arg24[%dma_start3A_25] : memref<3x!tpu.dma_semaphore, #tpu.memory_space<semaphore_mem>> -> memref<1x!tpu.dma_semaphore, #tpu.memory_space<semaphore_mem>>
    %dma_start3A_28 = tpu.memref_squeeze %dma_start3A_27 : memref<1x!tpu.dma_semaphore, #tpu.memory_space<semaphore_mem>> -> memref<!tpu.dma_semaphore, #tpu.memory_space<semaphore_mem>>
    %dma_start3A_29 = tpu.memref_slice %arg4[%add3A_24] : memref<320000xi32, #tpu.memory_space<hbm>> -> memref<40xi32, #tpu.memory_space<hbm>>
    tpu.enqueue_dma source(%dma_start3A_29 : memref<40xi32, #tpu.memory_space<hbm>>) target(%arg8 : memref<40xi32, #tpu.memory_space<vmem>>) target_semaphore(%dma_start3A_28 : memref<!tpu.dma_semaphore, #tpu.memory_space<semaphore_mem>>)
    %add3A_30 = arith.constant 80 : i32
    %add3A_31 = arith.addi %mul3A_2, %add3A_30 : i32
    %dma_start3A_32 = arith.constant 2 : i32
    %dma_start3A_33 = tpu.memref_slice %arg4[%add3A_31] : memref<320000xi32, #tpu.memory_space<hbm>> -> memref<40xi32, #tpu.memory_space<hbm>>
    %dma_start3A_34 = tpu.memref_slice %arg24[%dma_start3A_32] : memref<3x!tpu.dma_semaphore, #tpu.memory_space<semaphore_mem>> -> memref<1x!tpu.dma_semaphore, #tpu.memory_space<semaphore_mem>>
    %dma_start3A_35 = tpu.memref_squeeze %dma_start3A_34 : memref<1x!tpu.dma_semaphore, #tpu.memory_space<semaphore_mem>> -> memref<!tpu.dma_semaphore, #tpu.memory_space<semaphore_mem>>
    %dma_start3A_36 = tpu.memref_slice %arg4[%add3A_31] : memref<320000xi32, #tpu.memory_space<hbm>> -> memref<40xi32, #tpu.memory_space<hbm>>
    tpu.enqueue_dma source(%dma_start3A_36 : memref<40xi32, #tpu.memory_space<hbm>>) target(%arg9 : memref<40xi32, #tpu.memory_space<vmem>>) target_semaphore(%dma_start3A_35 : memref<!tpu.dma_semaphore, #tpu.memory_space<semaphore_mem>>)
    %dma_wait3A = arith.constant 0 : i32
    %dma_wait3A_37 = arith.constant 0 : i32
    %dma_wait3A_38 = tpu.memref_slice %arg4[%dma_wait3A_37] : memref<320000xi32, #tpu.memory_space<hbm>> -> memref<40xi32, #tpu.memory_space<hbm>>
    %dma_wait3A_39 = tpu.memref_slice %arg24[%dma_wait3A] : memref<3x!tpu.dma_semaphore, #tpu.memory_space<semaphore_mem>> -> memref<1x!tpu.dma_semaphore, #tpu.memory_space<semaphore_mem>>
    %dma_wait3A_40 = tpu.memref_squeeze %dma_wait3A_39 : memref<1x!tpu.dma_semaphore, #tpu.memory_space<semaphore_mem>> -> memref<!tpu.dma_semaphore, #tpu.memory_space<semaphore_mem>>
    %dma_wait3A_41 = arith.constant 0 : i32
    %dma_wait3A_42 = tpu.memref_slice %arg4[%dma_wait3A_41] : memref<320000xi32, #tpu.memory_space<hbm>> -> memref<40xi32, #tpu.memory_space<hbm>>
    tpu.wait_dma2 semaphore(%dma_wait3A_40 : memref<!tpu.dma_semaphore, #tpu.memory_space<semaphore_mem>>) src(%dma_wait3A_42 : memref<40xi32, #tpu.memory_space<hbm>>) dst(%arg7 : memref<40xi32, #tpu.memory_space<vmem>>)
    %dma_start3A_43 = arith.constant 0 : i32
    %dma_start3A_44 = arith.constant 0 : i32
    %dma_start3A_45 = arith.constant 0 : i32
    %dma_start3A_46 = tpu.memref_slice %arg2[%dma_start3A_44, %dma_start3A_45] : memref<10000x128xf32, #tpu.memory_space<hbm>> -> memref<10000x128xf32, #tpu.memory_space<hbm>>
    %dma_start3A_47 = tpu.memref_slice %arg20[%dma_start3A_43] : memref<3x!tpu.dma_semaphore, #tpu.memory_space<semaphore_mem>> -> memref<1x!tpu.dma_semaphore, #tpu.memory_space<semaphore_mem>>
    %dma_start3A_48 = tpu.memref_squeeze %dma_start3A_47 : memref<1x!tpu.dma_semaphore, #tpu.memory_space<semaphore_mem>> -> memref<!tpu.dma_semaphore, #tpu.memory_space<semaphore_mem>>
    tpu.enqueue_indirect_dma source(%dma_start3A_46 : memref<10000x128xf32, #tpu.memory_space<hbm>>) target(%arg16 : memref<40x128xf32, #tpu.memory_space<vmem>>) offsets(%arg7 : memref<40xi32, #tpu.memory_space<vmem>>) semaphore(%dma_start3A_48 : memref<!tpu.dma_semaphore, #tpu.memory_space<semaphore_mem>>)
    %add3A_49 = arith.constant 0 : i32
    %add3A_50 = arith.addi %mul3A_2, %add3A_49 : i32
    %dma_start3A_51 = arith.constant 0 : i32
    %dma_start3A_52 = arith.constant 0 : i32
    %dma_start3A_53 = tpu.memref_slice %arg3[%add3A_50, %dma_start3A_52] : memref<320000x64xi32, #tpu.memory_space<hbm>> -> memref<40x64xi32, #tpu.memory_space<hbm>>
    %dma_start3A_54 = tpu.memref_slice %arg21[%dma_start3A_51] : memref<3x!tpu.dma_semaphore, #tpu.memory_space<semaphore_mem>> -> memref<1x!tpu.dma_semaphore, #tpu.memory_space<semaphore_mem>>
    %dma_start3A_55 = tpu.memref_squeeze %dma_start3A_54 : memref<1x!tpu.dma_semaphore, #tpu.memory_space<semaphore_mem>> -> memref<!tpu.dma_semaphore, #tpu.memory_space<semaphore_mem>>
    %dma_start3A_56 = arith.constant 0 : i32
    %dma_start3A_57 = tpu.memref_slice %arg3[%add3A_50, %dma_start3A_56] : memref<320000x64xi32, #tpu.memory_space<hbm>> -> memref<40x64xi32, #tpu.memory_space<hbm>>
    tpu.enqueue_dma source(%dma_start3A_57 : memref<40x64xi32, #tpu.memory_space<hbm>>) target(%arg13 : memref<40x64xi32, #tpu.memory_space<vmem>>) target_semaphore(%dma_start3A_55 : memref<!tpu.dma_semaphore, #tpu.memory_space<semaphore_mem>>)
    %dma_wait3A_58 = arith.constant 1 : i32
    %dma_wait3A_59 = arith.constant 0 : i32
    %dma_wait3A_60 = tpu.memref_slice %arg4[%dma_wait3A_59] : memref<320000xi32, #tpu.memory_space<hbm>> -> memref<40xi32, #tpu.memory_space<hbm>>
    %dma_wait3A_61 = tpu.memref_slice %arg24[%dma_wait3A_58] : memref<3x!tpu.dma_semaphore, #tpu.memory_space<semaphore_mem>> -> memref<1x!tpu.dma_semaphore, #tpu.memory_space<semaphore_mem>>
    %dma_wait3A_62 = tpu.memref_squeeze %dma_wait3A_61 : memref<1x!tpu.dma_semaphore, #tpu.memory_space<semaphore_mem>> -> memref<!tpu.dma_semaphore, #tpu.memory_space<semaphore_mem>>
    %dma_wait3A_63 = arith.constant 0 : i32
    %dma_wait3A_64 = tpu.memref_slice %arg4[%dma_wait3A_63] : memref<320000xi32, #tpu.memory_space<hbm>> -> memref<40xi32, #tpu.memory_space<hbm>>
    tpu.wait_dma2 semaphore(%dma_wait3A_62 : memref<!tpu.dma_semaphore, #tpu.memory_space<semaphore_mem>>) src(%dma_wait3A_64 : memref<40xi32, #tpu.memory_space<hbm>>) dst(%arg8 : memref<40xi32, #tpu.memory_space<vmem>>)
    %dma_start3A_65 = arith.constant 1 : i32
    %dma_start3A_66 = arith.constant 0 : i32
    %dma_start3A_67 = arith.constant 0 : i32
    %dma_start3A_68 = tpu.memref_slice %arg2[%dma_start3A_66, %dma_start3A_67] : memref<10000x128xf32, #tpu.memory_space<hbm>> -> memref<10000x128xf32, #tpu.memory_space<hbm>>
    %dma_start3A_69 = tpu.memref_slice %arg20[%dma_start3A_65] : memref<3x!tpu.dma_semaphore, #tpu.memory_space<semaphore_mem>> -> memref<1x!tpu.dma_semaphore, #tpu.memory_space<semaphore_mem>>
    %dma_start3A_70 = tpu.memref_squeeze %dma_start3A_69 : memref<1x!tpu.dma_semaphore, #tpu.memory_space<semaphore_mem>> -> memref<!tpu.dma_semaphore, #tpu.memory_space<semaphore_mem>>
    tpu.enqueue_indirect_dma source(%dma_start3A_68 : memref<10000x128xf32, #tpu.memory_space<hbm>>) target(%arg17 : memref<40x128xf32, #tpu.memory_space<vmem>>) offsets(%arg8 : memref<40xi32, #tpu.memory_space<vmem>>) semaphore(%dma_start3A_70 : memref<!tpu.dma_semaphore, #tpu.memory_space<semaphore_mem>>)
    %add3A_71 = arith.constant 40 : i32
    %add3A_72 = arith.addi %mul3A_2, %add3A_71 : i32
    %dma_start3A_73 = arith.constant 1 : i32
    %dma_start3A_74 = arith.constant 0 : i32
    %dma_start3A_75 = tpu.memref_slice %arg3[%add3A_72, %dma_start3A_74] : memref<320000x64xi32, #tpu.memory_space<hbm>> -> memref<40x64xi32, #tpu.memory_space<hbm>>
    %dma_start3A_76 = tpu.memref_slice %arg21[%dma_start3A_73] : memref<3x!tpu.dma_semaphore, #tpu.memory_space<semaphore_mem>> -> memref<1x!tpu.dma_semaphore, #tpu.memory_space<semaphore_mem>>
    %dma_start3A_77 = tpu.memref_squeeze %dma_start3A_76 : memref<1x!tpu.dma_semaphore, #tpu.memory_space<semaphore_mem>> -> memref<!tpu.dma_semaphore, #tpu.memory_space<semaphore_mem>>
    %dma_start3A_78 = arith.constant 0 : i32
    %dma_start3A_79 = tpu.memref_slice %arg3[%add3A_72, %dma_start3A_78] : memref<320000x64xi32, #tpu.memory_space<hbm>> -> memref<40x64xi32, #tpu.memory_space<hbm>>
    tpu.enqueue_dma source(%dma_start3A_79 : memref<40x64xi32, #tpu.memory_space<hbm>>) target(%arg14 : memref<40x64xi32, #tpu.memory_space<vmem>>) target_semaphore(%dma_start3A_77 : memref<!tpu.dma_semaphore, #tpu.memory_space<semaphore_mem>>)
    %scan3A_80 = arith.constant 0 : i32
    %scan3A_81 = arith.constant 0 : i32
    %scan3A_82 = arith.constant 83 : i32
    %scan3A_83 = arith.addi %scan3A_81, %scan3A_82 : i32
    %scan3A_84 = arith.constant 1 : i32
    scf.for %scan3A_149 = %scan3A_81 to %scan3A_83 step %scan3A_84  : i32 {
      %mul3A_150 = arith.constant 3 : i32
      %mul3A_151 = arith.muli %mul3A_150, %scan3A_149 : i32
      %dma_wait3A_152 = arith.constant 0 : i32
      %dma_wait3A_153 = arith.constant 0 : i32
      %dma_wait3A_154 = arith.constant 0 : i32
      %dma_wait3A_155 = tpu.memref_slice %arg2[%dma_wait3A_153, %dma_wait3A_154] : memref<10000x128xf32, #tpu.memory_space<hbm>> -> memref<10000x128xf32, #tpu.memory_space<hbm>>
      %dma_wait3A_156 = tpu.memref_slice %arg20[%dma_wait3A_152] : memref<3x!tpu.dma_semaphore, #tpu.memory_space<semaphore_mem>> -> memref<1x!tpu.dma_semaphore, #tpu.memory_space<semaphore_mem>>
      %dma_wait3A_157 = tpu.memref_squeeze %dma_wait3A_156 : memref<1x!tpu.dma_semaphore, #tpu.memory_space<semaphore_mem>> -> memref<!tpu.dma_semaphore, #tpu.memory_space<semaphore_mem>>
      tpu.wait_indirect_dma semaphore(%dma_wait3A_157 : memref<!tpu.dma_semaphore, #tpu.memory_space<semaphore_mem>>) src(%dma_wait3A_155 : memref<10000x128xf32, #tpu.memory_space<hbm>>) dst(%arg16 : memref<40x128xf32, #tpu.memory_space<vmem>>)
      %dma_wait3A_158 = arith.constant 0 : i32
      %dma_wait3A_159 = arith.constant 0 : i32
      %dma_wait3A_160 = arith.constant 0 : i32
      %dma_wait3A_161 = tpu.memref_slice %arg3[%dma_wait3A_159, %dma_wait3A_160] : memref<320000x64xi32, #tpu.memory_space<hbm>> -> memref<40x64xi32, #tpu.memory_space<hbm>>
      %dma_wait3A_162 = tpu.memref_slice %arg21[%dma_wait3A_158] : memref<3x!tpu.dma_semaphore, #tpu.memory_space<semaphore_mem>> -> memref<1x!tpu.dma_semaphore, #tpu.memory_space<semaphore_mem>>
      %dma_wait3A_163 = tpu.memref_squeeze %dma_wait3A_162 : memref<1x!tpu.dma_semaphore, #tpu.memory_space<semaphore_mem>> -> memref<!tpu.dma_semaphore, #tpu.memory_space<semaphore_mem>>
      %dma_wait3A_164 = arith.constant 0 : i32
      %dma_wait3A_165 = arith.constant 0 : i32
      %dma_wait3A_166 = tpu.memref_slice %arg3[%dma_wait3A_164, %dma_wait3A_165] : memref<320000x64xi32, #tpu.memory_space<hbm>> -> memref<40x64xi32, #tpu.memory_space<hbm>>
      tpu.wait_dma2 semaphore(%dma_wait3A_163 : memref<!tpu.dma_semaphore, #tpu.memory_space<semaphore_mem>>) src(%dma_wait3A_166 : memref<40x64xi32, #tpu.memory_space<hbm>>) dst(%arg13 : memref<40x64xi32, #tpu.memory_space<vmem>>)
      %add3A_167 = arith.constant 3 : i32
      %add3A_168 = arith.addi %mul3A_151, %add3A_167 : i32
      %mul3A_169 = arith.constant 40 : i32
      %mul3A_170 = arith.muli %add3A_168, %mul3A_169 : i32
      %add3A_171 = arith.addi %mul3A_2, %mul3A_170 : i32
      %dma_start3A_172 = arith.constant 0 : i32
      %dma_start3A_173 = tpu.memref_slice %arg4[%add3A_171] : memref<320000xi32, #tpu.memory_space<hbm>> -> memref<40xi32, #tpu.memory_space<hbm>>
      %dma_start3A_174 = tpu.memref_slice %arg24[%dma_start3A_172] : memref<3x!tpu.dma_semaphore, #tpu.memory_space<semaphore_mem>> -> memref<1x!tpu.dma_semaphore, #tpu.memory_space<semaphore_mem>>
      %dma_start3A_175 = tpu.memref_squeeze %dma_start3A_174 : memref<1x!tpu.dma_semaphore, #tpu.memory_space<semaphore_mem>> -> memref<!tpu.dma_semaphore, #tpu.memory_space<semaphore_mem>>
      %dma_start3A_176 = tpu.memref_slice %arg4[%add3A_171] : memref<320000xi32, #tpu.memory_space<hbm>> -> memref<40xi32, #tpu.memory_space<hbm>>
      tpu.enqueue_dma source(%dma_start3A_176 : memref<40xi32, #tpu.memory_space<hbm>>) target(%arg7 : memref<40xi32, #tpu.memory_space<vmem>>) target_semaphore(%dma_start3A_175 : memref<!tpu.dma_semaphore, #tpu.memory_space<semaphore_mem>>)
      %mul3A_177 = arith.constant 40 : i32
      %mul3A_178 = arith.muli %mul3A_151, %mul3A_177 : i32
      %add3A_179 = arith.addi %mul3A_2, %mul3A_178 : i32
      %dma_start3A_180 = arith.constant 0 : i32
      %dma_start3A_181 = tpu.memref_slice %arg5[%add3A_179] : memref<320000xi32, #tpu.memory_space<hbm>> -> memref<40xi32, #tpu.memory_space<hbm>>
      %dma_start3A_182 = tpu.memref_slice %arg23[%dma_start3A_180] : memref<3x!tpu.dma_semaphore, #tpu.memory_space<semaphore_mem>> -> memref<1x!tpu.dma_semaphore, #tpu.memory_space<semaphore_mem>>
      %dma_start3A_183 = tpu.memref_squeeze %dma_start3A_182 : memref<1x!tpu.dma_semaphore, #tpu.memory_space<semaphore_mem>> -> memref<!tpu.dma_semaphore, #tpu.memory_space<semaphore_mem>>
      %dma_start3A_184 = tpu.memref_slice %arg5[%add3A_179] : memref<320000xi32, #tpu.memory_space<hbm>> -> memref<40xi32, #tpu.memory_space<hbm>>
      tpu.enqueue_dma source(%dma_start3A_184 : memref<40xi32, #tpu.memory_space<hbm>>) target(%arg10 : memref<40xi32, #tpu.memory_space<vmem>>) target_semaphore(%dma_start3A_183 : memref<!tpu.dma_semaphore, #tpu.memory_space<semaphore_mem>>)
      %gt3A = arith.constant 0 : i32
      %gt3A_185 = arith.cmpi sgt, %scan3A_149, %gt3A : i32
      %convert_element_type3A = arith.extui %gt3A_185 : i1 to i32
      %cond3A = arith.constant 0 : i32
      %cond3A_186 = arith.cmpi ne, %convert_element_type3A, %cond3A : i32
      scf.if %cond3A_186 {
        %dma_wait3A_341 = arith.constant 2 : i32
        %dma_wait3A_342 = arith.constant 0 : i32
        %dma_wait3A_343 = arith.constant 0 : i32
        %dma_wait3A_344 = tpu.memref_slice %arg19[%dma_wait3A_342, %dma_wait3A_343] : memref<10240x128xf32, #tpu.memory_space<vmem_shared>> -> memref<10240x128xf32, #tpu.memory_space<vmem_shared>>
        %dma_wait3A_345 = tpu.memref_slice %arg22[%dma_wait3A_341] : memref<3x!tpu.dma_semaphore, #tpu.memory_space<semaphore_mem>> -> memref<1x!tpu.dma_semaphore, #tpu.memory_space<semaphore_mem>>
        %dma_wait3A_346 = tpu.memref_squeeze %dma_wait3A_345 : memref<1x!tpu.dma_semaphore, #tpu.memory_space<semaphore_mem>> -> memref<!tpu.dma_semaphore, #tpu.memory_space<semaphore_mem>>
        tpu.wait_indirect_dma semaphore(%dma_wait3A_346 : memref<!tpu.dma_semaphore, #tpu.memory_space<semaphore_mem>>) src(%arg18 : memref<40x128xf32, #tpu.memory_space<vmem>>) dst(%dma_wait3A_344 : memref<10240x128xf32, #tpu.memory_space<vmem_shared>>)
        %dma_wait3A_347 = arith.constant 2 : i32
        %dma_wait3A_348 = arith.constant 0 : i32
        %dma_wait3A_349 = tpu.memref_slice %arg4[%dma_wait3A_348] : memref<320000xi32, #tpu.memory_space<hbm>> -> memref<40xi32, #tpu.memory_space<hbm>>
        %dma_wait3A_350 = tpu.memref_slice %arg24[%dma_wait3A_347] : memref<3x!tpu.dma_semaphore, #tpu.memory_space<semaphore_mem>> -> memref<1x!tpu.dma_semaphore, #tpu.memory_space<semaphore_mem>>
        %dma_wait3A_351 = tpu.memref_squeeze %dma_wait3A_350 : memref<1x!tpu.dma_semaphore, #tpu.memory_space<semaphore_mem>> -> memref<!tpu.dma_semaphore, #tpu.memory_space<semaphore_mem>>
        %dma_wait3A_352 = arith.constant 0 : i32
        %dma_wait3A_353 = tpu.memref_slice %arg4[%dma_wait3A_352] : memref<320000xi32, #tpu.memory_space<hbm>> -> memref<40xi32, #tpu.memory_space<hbm>>
        tpu.wait_dma2 semaphore(%dma_wait3A_351 : memref<!tpu.dma_semaphore, #tpu.memory_space<semaphore_mem>>) src(%dma_wait3A_353 : memref<40xi32, #tpu.memory_space<hbm>>) dst(%arg9 : memref<40xi32, #tpu.memory_space<vmem>>)
        %add3A_354 = arith.constant 2 : i32
        %add3A_355 = arith.addi %mul3A_151, %add3A_354 : i32
        %dma_start3A_356 = arith.constant 2 : i32
        %dma_start3A_357 = arith.constant 0 : i32
        %dma_start3A_358 = arith.constant 0 : i32
        %dma_start3A_359 = tpu.memref_slice %arg2[%dma_start3A_357, %dma_start3A_358] : memref<10000x128xf32, #tpu.memory_space<hbm>> -> memref<10000x128xf32, #tpu.memory_space<hbm>>
        %dma_start3A_360 = tpu.memref_slice %arg20[%dma_start3A_356] : memref<3x!tpu.dma_semaphore, #tpu.memory_space<semaphore_mem>> -> memref<1x!tpu.dma_semaphore, #tpu.memory_space<semaphore_mem>>
        %dma_start3A_361 = tpu.memref_squeeze %dma_start3A_360 : memref<1x!tpu.dma_semaphore, #tpu.memory_space<semaphore_mem>> -> memref<!tpu.dma_semaphore, #tpu.memory_space<semaphore_mem>>
        tpu.enqueue_indirect_dma source(%dma_start3A_359 : memref<10000x128xf32, #tpu.memory_space<hbm>>) target(%arg18 : memref<40x128xf32, #tpu.memory_space<vmem>>) offsets(%arg9 : memref<40xi32, #tpu.memory_space<vmem>>) semaphore(%dma_start3A_361 : memref<!tpu.dma_semaphore, #tpu.memory_space<semaphore_mem>>)
        %mul3A_362 = arith.constant 40 : i32
        %mul3A_363 = arith.muli %add3A_355, %mul3A_362 : i32
        %add3A_364 = arith.addi %mul3A_2, %mul3A_363 : i32
        %dma_start3A_365 = arith.constant 2 : i32
        %dma_start3A_366 = arith.constant 0 : i32
        %dma_start3A_367 = tpu.memref_slice %arg3[%add3A_364, %dma_start3A_366] : memref<320000x64xi32, #tpu.memory_space<hbm>> -> memref<40x64xi32, #tpu.memory_space<hbm>>
        %dma_start3A_368 = tpu.memref_slice %arg21[%dma_start3A_365] : memref<3x!tpu.dma_semaphore, #tpu.memory_space<semaphore_mem>> -> memref<1x!tpu.dma_semaphore, #tpu.memory_space<semaphore_mem>>
        %dma_start3A_369 = tpu.memref_squeeze %dma_start3A_368 : memref<1x!tpu.dma_semaphore, #tpu.memory_space<semaphore_mem>> -> memref<!tpu.dma_semaphore, #tpu.memory_space<semaphore_mem>>
        %dma_start3A_370 = arith.constant 0 : i32
        %dma_start3A_371 = tpu.memref_slice %arg3[%add3A_364, %dma_start3A_370] : memref<320000x64xi32, #tpu.memory_space<hbm>> -> memref<40x64xi32, #tpu.memory_space<hbm>>
        tpu.enqueue_dma source(%dma_start3A_371 : memref<40x64xi32, #tpu.memory_space<hbm>>) target(%arg15 : memref<40x64xi32, #tpu.memory_space<vmem>>) target_semaphore(%dma_start3A_369 : memref<!tpu.dma_semaphore, #tpu.memory_space<semaphore_mem>>)
      } else {
      }
      %eq3A = arith.constant 0 : i32
      %eq3A_187 = arith.cmpi eq, %scan3A_149, %eq3A : i32
      %convert_element_type3A_188 = arith.extui %eq3A_187 : i1 to i32
      %cond3A_189 = arith.constant 0 : i32
      %cond3A_190 = arith.cmpi ne, %convert_element_type3A_188, %cond3A_189 : i32
      scf.if %cond3A_190 {
        %dma_wait3A_341 = arith.constant 2 : i32
        %dma_wait3A_342 = arith.constant 0 : i32
        %dma_wait3A_343 = tpu.memref_slice %arg4[%dma_wait3A_342] : memref<320000xi32, #tpu.memory_space<hbm>> -> memref<40xi32, #tpu.memory_space<hbm>>
        %dma_wait3A_344 = tpu.memref_slice %arg24[%dma_wait3A_341] : memref<3x!tpu.dma_semaphore, #tpu.memory_space<semaphore_mem>> -> memref<1x!tpu.dma_semaphore, #tpu.memory_space<semaphore_mem>>
        %dma_wait3A_345 = tpu.memref_squeeze %dma_wait3A_344 : memref<1x!tpu.dma_semaphore, #tpu.memory_space<semaphore_mem>> -> memref<!tpu.dma_semaphore, #tpu.memory_space<semaphore_mem>>
        %dma_wait3A_346 = arith.constant 0 : i32
        %dma_wait3A_347 = tpu.memref_slice %arg4[%dma_wait3A_346] : memref<320000xi32, #tpu.memory_space<hbm>> -> memref<40xi32, #tpu.memory_space<hbm>>
        tpu.wait_dma2 semaphore(%dma_wait3A_345 : memref<!tpu.dma_semaphore, #tpu.memory_space<semaphore_mem>>) src(%dma_wait3A_347 : memref<40xi32, #tpu.memory_space<hbm>>) dst(%arg9 : memref<40xi32, #tpu.memory_space<vmem>>)
        %add3A_348 = arith.constant 2 : i32
        %add3A_349 = arith.addi %mul3A_151, %add3A_348 : i32
        %dma_start3A_350 = arith.constant 2 : i32
        %dma_start3A_351 = arith.constant 0 : i32
        %dma_start3A_352 = arith.constant 0 : i32
        %dma_start3A_353 = tpu.memref_slice %arg2[%dma_start3A_351, %dma_start3A_352] : memref<10000x128xf32, #tpu.memory_space<hbm>> -> memref<10000x128xf32, #tpu.memory_space<hbm>>
        %dma_start3A_354 = tpu.memref_slice %arg20[%dma_start3A_350] : memref<3x!tpu.dma_semaphore, #tpu.memory_space<semaphore_mem>> -> memref<1x!tpu.dma_semaphore, #tpu.memory_space<semaphore_mem>>
        %dma_start3A_355 = tpu.memref_squeeze %dma_start3A_354 : memref<1x!tpu.dma_semaphore, #tpu.memory_space<semaphore_mem>> -> memref<!tpu.dma_semaphore, #tpu.memory_space<semaphore_mem>>
        tpu.enqueue_indirect_dma source(%dma_start3A_353 : memref<10000x128xf32, #tpu.memory_space<hbm>>) target(%arg18 : memref<40x128xf32, #tpu.memory_space<vmem>>) offsets(%arg9 : memref<40xi32, #tpu.memory_space<vmem>>) semaphore(%dma_start3A_355 : memref<!tpu.dma_semaphore, #tpu.memory_space<semaphore_mem>>)
        %mul3A_356 = arith.constant 40 : i32
        %mul3A_357 = arith.muli %add3A_349, %mul3A_356 : i32
        %add3A_358 = arith.addi %mul3A_2, %mul3A_357 : i32
        %dma_start3A_359 = arith.constant 2 : i32
        %dma_start3A_360 = arith.constant 0 : i32
        %dma_start3A_361 = tpu.memref_slice %arg3[%add3A_358, %dma_start3A_360] : memref<320000x64xi32, #tpu.memory_space<hbm>> -> memref<40x64xi32, #tpu.memory_space<hbm>>
        %dma_start3A_362 = tpu.memref_slice %arg21[%dma_start3A_359] : memref<3x!tpu.dma_semaphore, #tpu.memory_space<semaphore_mem>> -> memref<1x!tpu.dma_semaphore, #tpu.memory_space<semaphore_mem>>
        %dma_start3A_363 = tpu.memref_squeeze %dma_start3A_362 : memref<1x!tpu.dma_semaphore, #tpu.memory_space<semaphore_mem>> -> memref<!tpu.dma_semaphore, #tpu.memory_space<semaphore_mem>>
        %dma_start3A_364 = arith.constant 0 : i32
        %dma_start3A_365 = tpu.memref_slice %arg3[%add3A_358, %dma_start3A_364] : memref<320000x64xi32, #tpu.memory_space<hbm>> -> memref<40x64xi32, #tpu.memory_space<hbm>>
        tpu.enqueue_dma source(%dma_start3A_365 : memref<40x64xi32, #tpu.memory_space<hbm>>) target(%arg15 : memref<40x64xi32, #tpu.memory_space<vmem>>) target_semaphore(%dma_start3A_363 : memref<!tpu.dma_semaphore, #tpu.memory_space<semaphore_mem>>)
      } else {
      }
      %parallel_loop3A_191 = arith.constant 0 : i32
      %parallel_loop3A_192 = arith.constant 40 : i32
      %parallel_loop3A_193 = arith.constant 1 : i32
      %parallel_loop3A_194 = arith.constant -65536 : i32
      scf.for %parallel_loop3A_341 = %parallel_loop3A_191 to %parallel_loop3A_192 step %parallel_loop3A_193  : i32 {
        %parallel_loop3A_342 = arith.index_cast %parallel_loop3A_341 : i32 to index
        %parallel_loop3A_343 = arith.constant 0 : index
        %parallel_loop3A_344 = tpu.vector_load %arg13[%parallel_loop3A_342, %parallel_loop3A_343] {strides = array<i32>} : memref<40x64xi32, #tpu.memory_space<vmem>>, vector<16xi32>,
        %parallel_loop3A_345 = arith.constant 16 : i32
        %parallel_loop3A_346 = vector.broadcast %parallel_loop3A_345 : i32 to vector<16xi32>
        %parallel_loop3A_347 = arith.shli %parallel_loop3A_344, %parallel_loop3A_346 : vector<16xi32>
        %parallel_loop3A_348 = vector.bitcast %parallel_loop3A_347 : vector<16xi32> to vector<16xf32>
        %parallel_loop3A_349 = vector.broadcast %parallel_loop3A_194 : i32 to vector<16xi32>
        %parallel_loop3A_350 = arith.andi %parallel_loop3A_344, %parallel_loop3A_349 : vector<16xi32>
        %parallel_loop3A_351 = vector.bitcast %parallel_loop3A_350 : vector<16xi32> to vector<16xf32>
        %parallel_loop3A_352 = arith.index_cast %parallel_loop3A_341 : i32 to index
        %parallel_loop3A_353 = arith.constant 0 : index
        %parallel_loop3A_354 = tpu.vector_load %arg16[%parallel_loop3A_352, %parallel_loop3A_353] {strides = array<i32>} : memref<40x128xf32, #tpu.memory_space<vmem>>, vector<16xf32>,
        %parallel_loop3A_355 = arith.addf %parallel_loop3A_354, %parallel_loop3A_348 : vector<16xf32>
        %parallel_loop3A_356 = arith.constant 0.000000e+00 : f32
        %parallel_loop3A_357 = vector.broadcast %parallel_loop3A_356 : f32 to vector<16xf32>
        %parallel_loop3A_358 = arith.maximumf %parallel_loop3A_355, %parallel_loop3A_357 : vector<16xf32>
        %parallel_loop3A_359 = arith.index_cast %parallel_loop3A_341 : i32 to index
        %parallel_loop3A_360 = arith.constant 0 : index
        %parallel_loop3A_361 = tpu.vector_load %arg16[%parallel_loop3A_359, %parallel_loop3A_360] {strides = array<i32>} : memref<40x128xf32, #tpu.memory_space<vmem>>, vector<16xf32>,
        tpu.vector_store %arg16[%parallel_loop3A_359, %parallel_loop3A_360], %parallel_loop3A_358 {strides = array<i32>} : memref<40x128xf32, #tpu.memory_space<vmem>>, vector<16xf32>,
        %parallel_loop3A_362 = arith.index_cast %parallel_loop3A_341 : i32 to index
        %parallel_loop3A_363 = arith.constant 16 : index
        %parallel_loop3A_364 = tpu.vector_load %arg16[%parallel_loop3A_362, %parallel_loop3A_363] {strides = array<i32>} : memref<40x128xf32, #tpu.memory_space<vmem>>, vector<16xf32>,
        %parallel_loop3A_365 = arith.addf %parallel_loop3A_364, %parallel_loop3A_351 : vector<16xf32>
        %parallel_loop3A_366 = arith.constant 0.000000e+00 : f32
        %parallel_loop3A_367 = vector.broadcast %parallel_loop3A_366 : f32 to vector<16xf32>
        %parallel_loop3A_368 = arith.maximumf %parallel_loop3A_365, %parallel_loop3A_367 : vector<16xf32>
        %parallel_loop3A_369 = arith.index_cast %parallel_loop3A_341 : i32 to index
        %parallel_loop3A_370 = arith.constant 16 : index
        %parallel_loop3A_371 = tpu.vector_load %arg16[%parallel_loop3A_369, %parallel_loop3A_370] {strides = array<i32>} : memref<40x128xf32, #tpu.memory_space<vmem>>, vector<16xf32>,
        tpu.vector_store %arg16[%parallel_loop3A_369, %parallel_loop3A_370], %parallel_loop3A_368 {strides = array<i32>} : memref<40x128xf32, #tpu.memory_space<vmem>>, vector<16xf32>,
        %parallel_loop3A_372 = arith.index_cast %parallel_loop3A_341 : i32 to index
        %parallel_loop3A_373 = arith.constant 16 : index
        %parallel_loop3A_374 = tpu.vector_load %arg13[%parallel_loop3A_372, %parallel_loop3A_373] {strides = array<i32>} : memref<40x64xi32, #tpu.memory_space<vmem>>, vector<16xi32>,
        %parallel_loop3A_375 = arith.constant 16 : i32
        %parallel_loop3A_376 = vector.broadcast %parallel_loop3A_375 : i32 to vector<16xi32>
        %parallel_loop3A_377 = arith.shli %parallel_loop3A_374, %parallel_loop3A_376 : vector<16xi32>
        %parallel_loop3A_378 = vector.bitcast %parallel_loop3A_377 : vector<16xi32> to vector<16xf32>
        %parallel_loop3A_379 = vector.broadcast %parallel_loop3A_194 : i32 to vector<16xi32>
        %parallel_loop3A_380 = arith.andi %parallel_loop3A_374, %parallel_loop3A_379 : vector<16xi32>
        %parallel_loop3A_381 = vector.bitcast %parallel_loop3A_380 : vector<16xi32> to vector<16xf32>
        %parallel_loop3A_382 = arith.index_cast %parallel_loop3A_341 : i32 to index
        %parallel_loop3A_383 = arith.constant 32 : index
        %parallel_loop3A_384 = tpu.vector_load %arg16[%parallel_loop3A_382, %parallel_loop3A_383] {strides = array<i32>} : memref<40x128xf32, #tpu.memory_space<vmem>>, vector<16xf32>,
        %parallel_loop3A_385 = arith.addf %parallel_loop3A_384, %parallel_loop3A_378 : vector<16xf32>
        %parallel_loop3A_386 = arith.constant 0.000000e+00 : f32
        %parallel_loop3A_387 = vector.broadcast %parallel_loop3A_386 : f32 to vector<16xf32>
        %parallel_loop3A_388 = arith.maximumf %parallel_loop3A_385, %parallel_loop3A_387 : vector<16xf32>
        %parallel_loop3A_389 = arith.index_cast %parallel_loop3A_341 : i32 to index
        %parallel_loop3A_390 = arith.constant 32 : index
        %parallel_loop3A_391 = tpu.vector_load %arg16[%parallel_loop3A_389, %parallel_loop3A_390] {strides = array<i32>} : memref<40x128xf32, #tpu.memory_space<vmem>>, vector<16xf32>,
        tpu.vector_store %arg16[%parallel_loop3A_389, %parallel_loop3A_390], %parallel_loop3A_388 {strides = array<i32>} : memref<40x128xf32, #tpu.memory_space<vmem>>, vector<16xf32>,
        %parallel_loop3A_392 = arith.index_cast %parallel_loop3A_341 : i32 to index
        %parallel_loop3A_393 = arith.constant 48 : index
        %parallel_loop3A_394 = tpu.vector_load %arg16[%parallel_loop3A_392, %parallel_loop3A_393] {strides = array<i32>} : memref<40x128xf32, #tpu.memory_space<vmem>>, vector<16xf32>,
        %parallel_loop3A_395 = arith.addf %parallel_loop3A_394, %parallel_loop3A_381 : vector<16xf32>
        %parallel_loop3A_396 = arith.constant 0.000000e+00 : f32
        %parallel_loop3A_397 = vector.broadcast %parallel_loop3A_396 : f32 to vector<16xf32>
        %parallel_loop3A_398 = arith.maximumf %parallel_loop3A_395, %parallel_loop3A_397 : vector<16xf32>
        %parallel_loop3A_399 = arith.index_cast %parallel_loop3A_341 : i32 to index
        %parallel_loop3A_400 = arith.constant 48 : index
        %parallel_loop3A_401 = tpu.vector_load %arg16[%parallel_loop3A_399, %parallel_loop3A_400] {strides = array<i32>} : memref<40x128xf32, #tpu.memory_space<vmem>>, vector<16xf32>,
        tpu.vector_store %arg16[%parallel_loop3A_399, %parallel_loop3A_400], %parallel_loop3A_398 {strides = array<i32>} : memref<40x128xf32, #tpu.memory_space<vmem>>, vector<16xf32>,
        %parallel_loop3A_402 = arith.index_cast %parallel_loop3A_341 : i32 to index
        %parallel_loop3A_403 = arith.constant 32 : index
        %parallel_loop3A_404 = tpu.vector_load %arg13[%parallel_loop3A_402, %parallel_loop3A_403] {strides = array<i32>} : memref<40x64xi32, #tpu.memory_space<vmem>>, vector<16xi32>,
        %parallel_loop3A_405 = arith.constant 16 : i32
        %parallel_loop3A_406 = vector.broadcast %parallel_loop3A_405 : i32 to vector<16xi32>
        %parallel_loop3A_407 = arith.shli %parallel_loop3A_404, %parallel_loop3A_406 : vector<16xi32>
        %parallel_loop3A_408 = vector.bitcast %parallel_loop3A_407 : vector<16xi32> to vector<16xf32>
        %parallel_loop3A_409 = vector.broadcast %parallel_loop3A_194 : i32 to vector<16xi32>
        %parallel_loop3A_410 = arith.andi %parallel_loop3A_404, %parallel_loop3A_409 : vector<16xi32>
        %parallel_loop3A_411 = vector.bitcast %parallel_loop3A_410 : vector<16xi32> to vector<16xf32>
        %parallel_loop3A_412 = arith.index_cast %parallel_loop3A_341 : i32 to index
        %parallel_loop3A_413 = arith.constant 64 : index
        %parallel_loop3A_414 = tpu.vector_load %arg16[%parallel_loop3A_412, %parallel_loop3A_413] {strides = array<i32>} : memref<40x128xf32, #tpu.memory_space<vmem>>, vector<16xf32>,
        %parallel_loop3A_415 = arith.addf %parallel_loop3A_414, %parallel_loop3A_408 : vector<16xf32>
        %parallel_loop3A_416 = arith.constant 0.000000e+00 : f32
        %parallel_loop3A_417 = vector.broadcast %parallel_loop3A_416 : f32 to vector<16xf32>
        %parallel_loop3A_418 = arith.maximumf %parallel_loop3A_415, %parallel_loop3A_417 : vector<16xf32>
        %parallel_loop3A_419 = arith.index_cast %parallel_loop3A_341 : i32 to index
        %parallel_loop3A_420 = arith.constant 64 : index
        %parallel_loop3A_421 = tpu.vector_load %arg16[%parallel_loop3A_419, %parallel_loop3A_420] {strides = array<i32>} : memref<40x128xf32, #tpu.memory_space<vmem>>, vector<16xf32>,
        tpu.vector_store %arg16[%parallel_loop3A_419, %parallel_loop3A_420], %parallel_loop3A_418 {strides = array<i32>} : memref<40x128xf32, #tpu.memory_space<vmem>>, vector<16xf32>,
        %parallel_loop3A_422 = arith.index_cast %parallel_loop3A_341 : i32 to index
        %parallel_loop3A_423 = arith.constant 80 : index
        %parallel_loop3A_424 = tpu.vector_load %arg16[%parallel_loop3A_422, %parallel_loop3A_423] {strides = array<i32>} : memref<40x128xf32, #tpu.memory_space<vmem>>, vector<16xf32>,
        %parallel_loop3A_425 = arith.addf %parallel_loop3A_424, %parallel_loop3A_411 : vector<16xf32>
        %parallel_loop3A_426 = arith.constant 0.000000e+00 : f32
        %parallel_loop3A_427 = vector.broadcast %parallel_loop3A_426 : f32 to vector<16xf32>
        %parallel_loop3A_428 = arith.maximumf %parallel_loop3A_425, %parallel_loop3A_427 : vector<16xf32>
        %parallel_loop3A_429 = arith.index_cast %parallel_loop3A_341 : i32 to index
        %parallel_loop3A_430 = arith.constant 80 : index
        %parallel_loop3A_431 = tpu.vector_load %arg16[%parallel_loop3A_429, %parallel_loop3A_430] {strides = array<i32>} : memref<40x128xf32, #tpu.memory_space<vmem>>, vector<16xf32>,
        tpu.vector_store %arg16[%parallel_loop3A_429, %parallel_loop3A_430], %parallel_loop3A_428 {strides = array<i32>} : memref<40x128xf32, #tpu.memory_space<vmem>>, vector<16xf32>,
        %parallel_loop3A_432 = arith.index_cast %parallel_loop3A_341 : i32 to index
        %parallel_loop3A_433 = arith.constant 48 : index
        %parallel_loop3A_434 = tpu.vector_load %arg13[%parallel_loop3A_432, %parallel_loop3A_433] {strides = array<i32>} : memref<40x64xi32, #tpu.memory_space<vmem>>, vector<16xi32>,
        %parallel_loop3A_435 = arith.constant 16 : i32
        %parallel_loop3A_436 = vector.broadcast %parallel_loop3A_435 : i32 to vector<16xi32>
        %parallel_loop3A_437 = arith.shli %parallel_loop3A_434, %parallel_loop3A_436 : vector<16xi32>
        %parallel_loop3A_438 = vector.bitcast %parallel_loop3A_437 : vector<16xi32> to vector<16xf32>
        %parallel_loop3A_439 = vector.broadcast %parallel_loop3A_194 : i32 to vector<16xi32>
        %parallel_loop3A_440 = arith.andi %parallel_loop3A_434, %parallel_loop3A_439 : vector<16xi32>
        %parallel_loop3A_441 = vector.bitcast %parallel_loop3A_440 : vector<16xi32> to vector<16xf32>
        %parallel_loop3A_442 = arith.index_cast %parallel_loop3A_341 : i32 to index
        %parallel_loop3A_443 = arith.constant 96 : index
        %parallel_loop3A_444 = tpu.vector_load %arg16[%parallel_loop3A_442, %parallel_loop3A_443] {strides = array<i32>} : memref<40x128xf32, #tpu.memory_space<vmem>>, vector<16xf32>,
        %parallel_loop3A_445 = arith.addf %parallel_loop3A_444, %parallel_loop3A_438 : vector<16xf32>
        %parallel_loop3A_446 = arith.constant 0.000000e+00 : f32
        %parallel_loop3A_447 = vector.broadcast %parallel_loop3A_446 : f32 to vector<16xf32>
        %parallel_loop3A_448 = arith.maximumf %parallel_loop3A_445, %parallel_loop3A_447 : vector<16xf32>
        %parallel_loop3A_449 = arith.index_cast %parallel_loop3A_341 : i32 to index
        %parallel_loop3A_450 = arith.constant 96 : index
        %parallel_loop3A_451 = tpu.vector_load %arg16[%parallel_loop3A_449, %parallel_loop3A_450] {strides = array<i32>} : memref<40x128xf32, #tpu.memory_space<vmem>>, vector<16xf32>,
        tpu.vector_store %arg16[%parallel_loop3A_449, %parallel_loop3A_450], %parallel_loop3A_448 {strides = array<i32>} : memref<40x128xf32, #tpu.memory_space<vmem>>, vector<16xf32>,
        %parallel_loop3A_452 = arith.index_cast %parallel_loop3A_341 : i32 to index
        %parallel_loop3A_453 = arith.constant 112 : index
        %parallel_loop3A_454 = tpu.vector_load %arg16[%parallel_loop3A_452, %parallel_loop3A_453] {strides = array<i32>} : memref<40x128xf32, #tpu.memory_space<vmem>>, vector<16xf32>,
        %parallel_loop3A_455 = arith.addf %parallel_loop3A_454, %parallel_loop3A_441 : vector<16xf32>
        %parallel_loop3A_456 = arith.constant 0.000000e+00 : f32
        %parallel_loop3A_457 = vector.broadcast %parallel_loop3A_456 : f32 to vector<16xf32>
        %parallel_loop3A_458 = arith.maximumf %parallel_loop3A_455, %parallel_loop3A_457 : vector<16xf32>
        %parallel_loop3A_459 = arith.index_cast %parallel_loop3A_341 : i32 to index
        %parallel_loop3A_460 = arith.constant 112 : index
        %parallel_loop3A_461 = tpu.vector_load %arg16[%parallel_loop3A_459, %parallel_loop3A_460] {strides = array<i32>} : memref<40x128xf32, #tpu.memory_space<vmem>>, vector<16xf32>,
        tpu.vector_store %arg16[%parallel_loop3A_459, %parallel_loop3A_460], %parallel_loop3A_458 {strides = array<i32>} : memref<40x128xf32, #tpu.memory_space<vmem>>, vector<16xf32>,
      } {sc.loop_unroll_factor = 2 : i64, sc.parallel_access}
      %dma_wait3A_195 = arith.constant 0 : i32
      %dma_wait3A_196 = arith.constant 0 : i32
      %dma_wait3A_197 = tpu.memref_slice %arg5[%dma_wait3A_196] : memref<320000xi32, #tpu.memory_space<hbm>> -> memref<40xi32, #tpu.memory_space<hbm>>
      %dma_wait3A_198 = tpu.memref_slice %arg23[%dma_wait3A_195] : memref<3x!tpu.dma_semaphore, #tpu.memory_space<semaphore_mem>> -> memref<1x!tpu.dma_semaphore, #tpu.memory_space<semaphore_mem>>
      %dma_wait3A_199 = tpu.memref_squeeze %dma_wait3A_198 : memref<1x!tpu.dma_semaphore, #tpu.memory_space<semaphore_mem>> -> memref<!tpu.dma_semaphore, #tpu.memory_space<semaphore_mem>>
      %dma_wait3A_200 = arith.constant 0 : i32
      %dma_wait3A_201 = tpu.memref_slice %arg5[%dma_wait3A_200] : memref<320000xi32, #tpu.memory_space<hbm>> -> memref<40xi32, #tpu.memory_space<hbm>>
      tpu.wait_dma2 semaphore(%dma_wait3A_199 : memref<!tpu.dma_semaphore, #tpu.memory_space<semaphore_mem>>) src(%dma_wait3A_201 : memref<40xi32, #tpu.memory_space<hbm>>) dst(%arg10 : memref<40xi32, #tpu.memory_space<vmem>>)
      %dma_start3A_202 = arith.constant 0 : i32
      %dma_start3A_203 = arith.constant 0 : i32
      %dma_start3A_204 = arith.constant 0 : i32
      %dma_start3A_205 = tpu.memref_slice %arg19[%dma_start3A_203, %dma_start3A_204] : memref<10240x128xf32, #tpu.memory_space<vmem_shared>> -> memref<10240x128xf32, #tpu.memory_space<vmem_shared>>
      %dma_start3A_206 = tpu.memref_slice %arg22[%dma_start3A_202] : memref<3x!tpu.dma_semaphore, #tpu.memory_space<semaphore_mem>> -> memref<1x!tpu.dma_semaphore, #tpu.memory_space<semaphore_mem>>
      %dma_start3A_207 = tpu.memref_squeeze %dma_start3A_206 : memref<1x!tpu.dma_semaphore, #tpu.memory_space<semaphore_mem>> -> memref<!tpu.dma_semaphore, #tpu.memory_space<semaphore_mem>>
      tpu.enqueue_indirect_dma source(%arg16 : memref<40x128xf32, #tpu.memory_space<vmem>>) target(%dma_start3A_205 : memref<10240x128xf32, #tpu.memory_space<vmem_shared>>) offsets(%arg10 : memref<40xi32, #tpu.memory_space<vmem>>) semaphore(%dma_start3A_207 : memref<!tpu.dma_semaphore, #tpu.memory_space<semaphore_mem>>) {add = true}
      %mul3A_208 = arith.constant 3 : i32
      %mul3A_209 = arith.muli %mul3A_208, %scan3A_149 : i32
      %add3A_210 = arith.constant 1 : i32
      %add3A_211 = arith.addi %mul3A_209, %add3A_210 : i32
      %dma_wait3A_212 = arith.constant 1 : i32
      %dma_wait3A_213 = arith.constant 0 : i32
      %dma_wait3A_214 = arith.constant 0 : i32
      %dma_wait3A_215 = tpu.memref_slice %arg2[%dma_wait3A_213, %dma_wait3A_214] : memref<10000x128xf32, #tpu.memory_space<hbm>> -> memref<10000x128xf32, #tpu.memory_space<hbm>>
      %dma_wait3A_216 = tpu.memref_slice %arg20[%dma_wait3A_212] : memref<3x!tpu.dma_semaphore, #tpu.memory_space<semaphore_mem>> -> memref<1x!tpu.dma_semaphore, #tpu.memory_space<semaphore_mem>>
      %dma_wait3A_217 = tpu.memref_squeeze %dma_wait3A_216 : memref<1x!tpu.dma_semaphore, #tpu.memory_space<semaphore_mem>> -> memref<!tpu.dma_semaphore, #tpu.memory_space<semaphore_mem>>
      tpu.wait_indirect_dma semaphore(%dma_wait3A_217 : memref<!tpu.dma_semaphore, #tpu.memory_space<semaphore_mem>>) src(%dma_wait3A_215 : memref<10000x128xf32, #tpu.memory_space<hbm>>) dst(%arg17 : memref<40x128xf32, #tpu.memory_space<vmem>>)
      %dma_wait3A_218 = arith.constant 1 : i32
      %dma_wait3A_219 = arith.constant 0 : i32
      %dma_wait3A_220 = arith.constant 0 : i32
      %dma_wait3A_221 = tpu.memref_slice %arg3[%dma_wait3A_219, %dma_wait3A_220] : memref<320000x64xi32, #tpu.memory_space<hbm>> -> memref<40x64xi32, #tpu.memory_space<hbm>>
      %dma_wait3A_222 = tpu.memref_slice %arg21[%dma_wait3A_218] : memref<3x!tpu.dma_semaphore, #tpu.memory_space<semaphore_mem>> -> memref<1x!tpu.dma_semaphore, #tpu.memory_space<semaphore_mem>>
      %dma_wait3A_223 = tpu.memref_squeeze %dma_wait3A_222 : memref<1x!tpu.dma_semaphore, #tpu.memory_space<semaphore_mem>> -> memref<!tpu.dma_semaphore, #tpu.memory_space<semaphore_mem>>
      %dma_wait3A_224 = arith.constant 0 : i32
      %dma_wait3A_225 = arith.constant 0 : i32
      %dma_wait3A_226 = tpu.memref_slice %arg3[%dma_wait3A_224, %dma_wait3A_225] : memref<320000x64xi32, #tpu.memory_space<hbm>> -> memref<40x64xi32, #tpu.memory_space<hbm>>
      tpu.wait_dma2 semaphore(%dma_wait3A_223 : memref<!tpu.dma_semaphore, #tpu.memory_space<semaphore_mem>>) src(%dma_wait3A_226 : memref<40x64xi32, #tpu.memory_space<hbm>>) dst(%arg14 : memref<40x64xi32, #tpu.memory_space<vmem>>)
      %lt3A = arith.constant 82 : i32
      %lt3A_227 = arith.cmpi slt, %scan3A_149, %lt3A : i32
      %convert_element_type3A_228 = arith.extui %lt3A_227 : i1 to i32
      %cond3A_229 = arith.constant 0 : i32
      %cond3A_230 = arith.cmpi ne, %convert_element_type3A_228, %cond3A_229 : i32
      scf.if %cond3A_230 {
        %add3A_341 = arith.constant 3 : i32
        %add3A_342 = arith.addi %add3A_211, %add3A_341 : i32
        %mul3A_343 = arith.constant 40 : i32
        %mul3A_344 = arith.muli %add3A_342, %mul3A_343 : i32
        %add3A_345 = arith.addi %mul3A_2, %mul3A_344 : i32
        %dma_start3A_346 = arith.constant 1 : i32
        %dma_start3A_347 = tpu.memref_slice %arg4[%add3A_345] : memref<320000xi32, #tpu.memory_space<hbm>> -> memref<40xi32, #tpu.memory_space<hbm>>
        %dma_start3A_348 = tpu.memref_slice %arg24[%dma_start3A_346] : memref<3x!tpu.dma_semaphore, #tpu.memory_space<semaphore_mem>> -> memref<1x!tpu.dma_semaphore, #tpu.memory_space<semaphore_mem>>
        %dma_start3A_349 = tpu.memref_squeeze %dma_start3A_348 : memref<1x!tpu.dma_semaphore, #tpu.memory_space<semaphore_mem>> -> memref<!tpu.dma_semaphore, #tpu.memory_space<semaphore_mem>>
        %dma_start3A_350 = tpu.memref_slice %arg4[%add3A_345] : memref<320000xi32, #tpu.memory_space<hbm>> -> memref<40xi32, #tpu.memory_space<hbm>>
        tpu.enqueue_dma source(%dma_start3A_350 : memref<40xi32, #tpu.memory_space<hbm>>) target(%arg8 : memref<40xi32, #tpu.memory_space<vmem>>) target_semaphore(%dma_start3A_349 : memref<!tpu.dma_semaphore, #tpu.memory_space<semaphore_mem>>)
      } else {
      }
      %mul3A_231 = arith.constant 40 : i32
      %mul3A_232 = arith.muli %add3A_211, %mul3A_231 : i32
      %add3A_233 = arith.addi %mul3A_2, %mul3A_232 : i32
      %dma_start3A_234 = arith.constant 1 : i32
      %dma_start3A_235 = tpu.memref_slice %arg5[%add3A_233] : memref<320000xi32, #tpu.memory_space<hbm>> -> memref<40xi32, #tpu.memory_space<hbm>>
      %dma_start3A_236 = tpu.memref_slice %arg23[%dma_start3A_234] : memref<3x!tpu.dma_semaphore, #tpu.memory_space<semaphore_mem>> -> memref<1x!tpu.dma_semaphore, #tpu.memory_space<semaphore_mem>>
      %dma_start3A_237 = tpu.memref_squeeze %dma_start3A_236 : memref<1x!tpu.dma_semaphore, #tpu.memory_space<semaphore_mem>> -> memref<!tpu.dma_semaphore, #tpu.memory_space<semaphore_mem>>
      %dma_start3A_238 = tpu.memref_slice %arg5[%add3A_233] : memref<320000xi32, #tpu.memory_space<hbm>> -> memref<40xi32, #tpu.memory_space<hbm>>
      tpu.enqueue_dma source(%dma_start3A_238 : memref<40xi32, #tpu.memory_space<hbm>>) target(%arg11 : memref<40xi32, #tpu.memory_space<vmem>>) target_semaphore(%dma_start3A_237 : memref<!tpu.dma_semaphore, #tpu.memory_space<semaphore_mem>>)
      %dma_wait3A_239 = arith.constant 0 : i32
      %dma_wait3A_240 = arith.constant 0 : i32
      %dma_wait3A_241 = arith.constant 0 : i32
      %dma_wait3A_242 = tpu.memref_slice %arg19[%dma_wait3A_240, %dma_wait3A_241] : memref<10240x128xf32, #tpu.memory_space<vmem_shared>> -> memref<10240x128xf32, #tpu.memory_space<vmem_shared>>
      %dma_wait3A_243 = tpu.memref_slice %arg22[%dma_wait3A_239] : memref<3x!tpu.dma_semaphore, #tpu.memory_space<semaphore_mem>> -> memref<1x!tpu.dma_semaphore, #tpu.memory_space<semaphore_mem>>
      %dma_wait3A_244 = tpu.memref_squeeze %dma_wait3A_243 : memref<1x!tpu.dma_semaphore, #tpu.memory_space<semaphore_mem>> -> memref<!tpu.dma_semaphore, #tpu.memory_space<semaphore_mem>>
      tpu.wait_indirect_dma semaphore(%dma_wait3A_244 : memref<!tpu.dma_semaphore, #tpu.memory_space<semaphore_mem>>) src(%arg16 : memref<40x128xf32, #tpu.memory_space<vmem>>) dst(%dma_wait3A_242 : memref<10240x128xf32, #tpu.memory_space<vmem_shared>>)
      %dma_wait3A_245 = arith.constant 0 : i32
      %dma_wait3A_246 = arith.constant 0 : i32
      %dma_wait3A_247 = tpu.memref_slice %arg4[%dma_wait3A_246] : memref<320000xi32, #tpu.memory_space<hbm>> -> memref<40xi32, #tpu.memory_space<hbm>>
      %dma_wait3A_248 = tpu.memref_slice %arg24[%dma_wait3A_245] : memref<3x!tpu.dma_semaphore, #tpu.memory_space<semaphore_mem>> -> memref<1x!tpu.dma_semaphore, #tpu.memory_space<semaphore_mem>>
      %dma_wait3A_249 = tpu.memref_squeeze %dma_wait3A_248 : memref<1x!tpu.dma_semaphore, #tpu.memory_space<semaphore_mem>> -> memref<!tpu.dma_semaphore, #tpu.memory_space<semaphore_mem>>
      %dma_wait3A_250 = arith.constant 0 : i32
      %dma_wait3A_251 = tpu.memref_slice %arg4[%dma_wait3A_250] : memref<320000xi32, #tpu.memory_space<hbm>> -> memref<40xi32, #tpu.memory_space<hbm>>
      tpu.wait_dma2 semaphore(%dma_wait3A_249 : memref<!tpu.dma_semaphore, #tpu.memory_space<semaphore_mem>>) src(%dma_wait3A_251 : memref<40xi32, #tpu.memory_space<hbm>>) dst(%arg7 : memref<40xi32, #tpu.memory_space<vmem>>)
      %add3A_252 = arith.constant 2 : i32
      %add3A_253 = arith.addi %add3A_211, %add3A_252 : i32
      %dma_start3A_254 = arith.constant 0 : i32
      %dma_start3A_255 = arith.constant 0 : i32
      %dma_start3A_256 = arith.constant 0 : i32
      %dma_start3A_257 = tpu.memref_slice %arg2[%dma_start3A_255, %dma_start3A_256] : memref<10000x128xf32, #tpu.memory_space<hbm>> -> memref<10000x128xf32, #tpu.memory_space<hbm>>
      %dma_start3A_258 = tpu.memref_slice %arg20[%dma_start3A_254] : memref<3x!tpu.dma_semaphore, #tpu.memory_space<semaphore_mem>> -> memref<1x!tpu.dma_semaphore, #tpu.memory_space<semaphore_mem>>
      %dma_start3A_259 = tpu.memref_squeeze %dma_start3A_258 : memref<1x!tpu.dma_semaphore, #tpu.memory_space<semaphore_mem>> -> memref<!tpu.dma_semaphore, #tpu.memory_space<semaphore_mem>>
      tpu.enqueue_indirect_dma source(%dma_start3A_257 : memref<10000x128xf32, #tpu.memory_space<hbm>>) target(%arg16 : memref<40x128xf32, #tpu.memory_space<vmem>>) offsets(%arg7 : memref<40xi32, #tpu.memory_space<vmem>>) semaphore(%dma_start3A_259 : memref<!tpu.dma_semaphore, #tpu.memory_space<semaphore_mem>>)
      %mul3A_260 = arith.constant 40 : i32
      %mul3A_261 = arith.muli %add3A_253, %mul3A_260 : i32
      %add3A_262 = arith.addi %mul3A_2, %mul3A_261 : i32
      %dma_start3A_263 = arith.constant 0 : i32
      %dma_start3A_264 = arith.constant 0 : i32
      %dma_start3A_265 = tpu.memref_slice %arg3[%add3A_262, %dma_start3A_264] : memref<320000x64xi32, #tpu.memory_space<hbm>> -> memref<40x64xi32, #tpu.memory_space<hbm>>
      %dma_start3A_266 = tpu.memref_slice %arg21[%dma_start3A_263] : memref<3x!tpu.dma_semaphore, #tpu.memory_space<semaphore_mem>> -> memref<1x!tpu.dma_semaphore, #tpu.memory_space<semaphore_mem>>
      %dma_start3A_267 = tpu.memref_squeeze %dma_start3A_266 : memref<1x!tpu.dma_semaphore, #tpu.memory_space<semaphore_mem>> -> memref<!tpu.dma_semaphore, #tpu.memory_space<semaphore_mem>>
      %dma_start3A_268 = arith.constant 0 : i32
      %dma_start3A_269 = tpu.memref_slice %arg3[%add3A_262, %dma_start3A_268] : memref<320000x64xi32, #tpu.memory_space<hbm>> -> memref<40x64xi32, #tpu.memory_space<hbm>>
      tpu.enqueue_dma source(%dma_start3A_269 : memref<40x64xi32, #tpu.memory_space<hbm>>) target(%arg13 : memref<40x64xi32, #tpu.memory_space<vmem>>) target_semaphore(%dma_start3A_267 : memref<!tpu.dma_semaphore, #tpu.memory_space<semaphore_mem>>)
      %parallel_loop3A_270 = arith.constant 0 : i32
      %parallel_loop3A_271 = arith.constant 40 : i32
      %parallel_loop3A_272 = arith.constant 1 : i32
      %parallel_loop3A_273 = arith.constant -65536 : i32
      scf.for %parallel_loop3A_341 = %parallel_loop3A_270 to %parallel_loop3A_271 step %parallel_loop3A_272  : i32 {
        %parallel_loop3A_342 = arith.index_cast %parallel_loop3A_341 : i32 to index
        %parallel_loop3A_343 = arith.constant 0 : index
        %parallel_loop3A_344 = tpu.vector_load %arg14[%parallel_loop3A_342, %parallel_loop3A_343] {strides = array<i32>} : memref<40x64xi32, #tpu.memory_space<vmem>>, vector<16xi32>,
        %parallel_loop3A_345 = arith.constant 16 : i32
        %parallel_loop3A_346 = vector.broadcast %parallel_loop3A_345 : i32 to vector<16xi32>
        %parallel_loop3A_347 = arith.shli %parallel_loop3A_344, %parallel_loop3A_346 : vector<16xi32>
        %parallel_loop3A_348 = vector.bitcast %parallel_loop3A_347 : vector<16xi32> to vector<16xf32>
        %parallel_loop3A_349 = vector.broadcast %parallel_loop3A_273 : i32 to vector<16xi32>
        %parallel_loop3A_350 = arith.andi %parallel_loop3A_344, %parallel_loop3A_349 : vector<16xi32>
        %parallel_loop3A_351 = vector.bitcast %parallel_loop3A_350 : vector<16xi32> to vector<16xf32>
        %parallel_loop3A_352 = arith.index_cast %parallel_loop3A_341 : i32 to index
        %parallel_loop3A_353 = arith.constant 0 : index
        %parallel_loop3A_354 = tpu.vector_load %arg17[%parallel_loop3A_352, %parallel_loop3A_353] {strides = array<i32>} : memref<40x128xf32, #tpu.memory_space<vmem>>, vector<16xf32>,
        %parallel_loop3A_355 = arith.addf %parallel_loop3A_354, %parallel_loop3A_348 : vector<16xf32>
        %parallel_loop3A_356 = arith.constant 0.000000e+00 : f32
        %parallel_loop3A_357 = vector.broadcast %parallel_loop3A_356 : f32 to vector<16xf32>
        %parallel_loop3A_358 = arith.maximumf %parallel_loop3A_355, %parallel_loop3A_357 : vector<16xf32>
        %parallel_loop3A_359 = arith.index_cast %parallel_loop3A_341 : i32 to index
        %parallel_loop3A_360 = arith.constant 0 : index
        %parallel_loop3A_361 = tpu.vector_load %arg17[%parallel_loop3A_359, %parallel_loop3A_360] {strides = array<i32>} : memref<40x128xf32, #tpu.memory_space<vmem>>, vector<16xf32>,
        tpu.vector_store %arg17[%parallel_loop3A_359, %parallel_loop3A_360], %parallel_loop3A_358 {strides = array<i32>} : memref<40x128xf32, #tpu.memory_space<vmem>>, vector<16xf32>,
        %parallel_loop3A_362 = arith.index_cast %parallel_loop3A_341 : i32 to index
        %parallel_loop3A_363 = arith.constant 16 : index
        %parallel_loop3A_364 = tpu.vector_load %arg17[%parallel_loop3A_362, %parallel_loop3A_363] {strides = array<i32>} : memref<40x128xf32, #tpu.memory_space<vmem>>, vector<16xf32>,
        %parallel_loop3A_365 = arith.addf %parallel_loop3A_364, %parallel_loop3A_351 : vector<16xf32>
        %parallel_loop3A_366 = arith.constant 0.000000e+00 : f32
        %parallel_loop3A_367 = vector.broadcast %parallel_loop3A_366 : f32 to vector<16xf32>
        %parallel_loop3A_368 = arith.maximumf %parallel_loop3A_365, %parallel_loop3A_367 : vector<16xf32>
        %parallel_loop3A_369 = arith.index_cast %parallel_loop3A_341 : i32 to index
        %parallel_loop3A_370 = arith.constant 16 : index
        %parallel_loop3A_371 = tpu.vector_load %arg17[%parallel_loop3A_369, %parallel_loop3A_370] {strides = array<i32>} : memref<40x128xf32, #tpu.memory_space<vmem>>, vector<16xf32>,
        tpu.vector_store %arg17[%parallel_loop3A_369, %parallel_loop3A_370], %parallel_loop3A_368 {strides = array<i32>} : memref<40x128xf32, #tpu.memory_space<vmem>>, vector<16xf32>,
        %parallel_loop3A_372 = arith.index_cast %parallel_loop3A_341 : i32 to index
        %parallel_loop3A_373 = arith.constant 16 : index
        %parallel_loop3A_374 = tpu.vector_load %arg14[%parallel_loop3A_372, %parallel_loop3A_373] {strides = array<i32>} : memref<40x64xi32, #tpu.memory_space<vmem>>, vector<16xi32>,
        %parallel_loop3A_375 = arith.constant 16 : i32
        %parallel_loop3A_376 = vector.broadcast %parallel_loop3A_375 : i32 to vector<16xi32>
        %parallel_loop3A_377 = arith.shli %parallel_loop3A_374, %parallel_loop3A_376 : vector<16xi32>
        %parallel_loop3A_378 = vector.bitcast %parallel_loop3A_377 : vector<16xi32> to vector<16xf32>
        %parallel_loop3A_379 = vector.broadcast %parallel_loop3A_273 : i32 to vector<16xi32>
        %parallel_loop3A_380 = arith.andi %parallel_loop3A_374, %parallel_loop3A_379 : vector<16xi32>
        %parallel_loop3A_381 = vector.bitcast %parallel_loop3A_380 : vector<16xi32> to vector<16xf32>
        %parallel_loop3A_382 = arith.index_cast %parallel_loop3A_341 : i32 to index
        %parallel_loop3A_383 = arith.constant 32 : index
        %parallel_loop3A_384 = tpu.vector_load %arg17[%parallel_loop3A_382, %parallel_loop3A_383] {strides = array<i32>} : memref<40x128xf32, #tpu.memory_space<vmem>>, vector<16xf32>,
        %parallel_loop3A_385 = arith.addf %parallel_loop3A_384, %parallel_loop3A_378 : vector<16xf32>
        %parallel_loop3A_386 = arith.constant 0.000000e+00 : f32
        %parallel_loop3A_387 = vector.broadcast %parallel_loop3A_386 : f32 to vector<16xf32>
        %parallel_loop3A_388 = arith.maximumf %parallel_loop3A_385, %parallel_loop3A_387 : vector<16xf32>
        %parallel_loop3A_389 = arith.index_cast %parallel_loop3A_341 : i32 to index
        %parallel_loop3A_390 = arith.constant 32 : index
        %parallel_loop3A_391 = tpu.vector_load %arg17[%parallel_loop3A_389, %parallel_loop3A_390] {strides = array<i32>} : memref<40x128xf32, #tpu.memory_space<vmem>>, vector<16xf32>,
        tpu.vector_store %arg17[%parallel_loop3A_389, %parallel_loop3A_390], %parallel_loop3A_388 {strides = array<i32>} : memref<40x128xf32, #tpu.memory_space<vmem>>, vector<16xf32>,
        %parallel_loop3A_392 = arith.index_cast %parallel_loop3A_341 : i32 to index
        %parallel_loop3A_393 = arith.constant 48 : index
        %parallel_loop3A_394 = tpu.vector_load %arg17[%parallel_loop3A_392, %parallel_loop3A_393] {strides = array<i32>} : memref<40x128xf32, #tpu.memory_space<vmem>>, vector<16xf32>,
        %parallel_loop3A_395 = arith.addf %parallel_loop3A_394, %parallel_loop3A_381 : vector<16xf32>
        %parallel_loop3A_396 = arith.constant 0.000000e+00 : f32
        %parallel_loop3A_397 = vector.broadcast %parallel_loop3A_396 : f32 to vector<16xf32>
        %parallel_loop3A_398 = arith.maximumf %parallel_loop3A_395, %parallel_loop3A_397 : vector<16xf32>
        %parallel_loop3A_399 = arith.index_cast %parallel_loop3A_341 : i32 to index
        %parallel_loop3A_400 = arith.constant 48 : index
        %parallel_loop3A_401 = tpu.vector_load %arg17[%parallel_loop3A_399, %parallel_loop3A_400] {strides = array<i32>} : memref<40x128xf32, #tpu.memory_space<vmem>>, vector<16xf32>,
        tpu.vector_store %arg17[%parallel_loop3A_399, %parallel_loop3A_400], %parallel_loop3A_398 {strides = array<i32>} : memref<40x128xf32, #tpu.memory_space<vmem>>, vector<16xf32>,
        %parallel_loop3A_402 = arith.index_cast %parallel_loop3A_341 : i32 to index
        %parallel_loop3A_403 = arith.constant 32 : index
        %parallel_loop3A_404 = tpu.vector_load %arg14[%parallel_loop3A_402, %parallel_loop3A_403] {strides = array<i32>} : memref<40x64xi32, #tpu.memory_space<vmem>>, vector<16xi32>,
        %parallel_loop3A_405 = arith.constant 16 : i32
        %parallel_loop3A_406 = vector.broadcast %parallel_loop3A_405 : i32 to vector<16xi32>
        %parallel_loop3A_407 = arith.shli %parallel_loop3A_404, %parallel_loop3A_406 : vector<16xi32>
        %parallel_loop3A_408 = vector.bitcast %parallel_loop3A_407 : vector<16xi32> to vector<16xf32>
        %parallel_loop3A_409 = vector.broadcast %parallel_loop3A_273 : i32 to vector<16xi32>
        %parallel_loop3A_410 = arith.andi %parallel_loop3A_404, %parallel_loop3A_409 : vector<16xi32>
        %parallel_loop3A_411 = vector.bitcast %parallel_loop3A_410 : vector<16xi32> to vector<16xf32>
        %parallel_loop3A_412 = arith.index_cast %parallel_loop3A_341 : i32 to index
        %parallel_loop3A_413 = arith.constant 64 : index
        %parallel_loop3A_414 = tpu.vector_load %arg17[%parallel_loop3A_412, %parallel_loop3A_413] {strides = array<i32>} : memref<40x128xf32, #tpu.memory_space<vmem>>, vector<16xf32>,
        %parallel_loop3A_415 = arith.addf %parallel_loop3A_414, %parallel_loop3A_408 : vector<16xf32>
        %parallel_loop3A_416 = arith.constant 0.000000e+00 : f32
        %parallel_loop3A_417 = vector.broadcast %parallel_loop3A_416 : f32 to vector<16xf32>
        %parallel_loop3A_418 = arith.maximumf %parallel_loop3A_415, %parallel_loop3A_417 : vector<16xf32>
        %parallel_loop3A_419 = arith.index_cast %parallel_loop3A_341 : i32 to index
        %parallel_loop3A_420 = arith.constant 64 : index
        %parallel_loop3A_421 = tpu.vector_load %arg17[%parallel_loop3A_419, %parallel_loop3A_420] {strides = array<i32>} : memref<40x128xf32, #tpu.memory_space<vmem>>, vector<16xf32>,
        tpu.vector_store %arg17[%parallel_loop3A_419, %parallel_loop3A_420], %parallel_loop3A_418 {strides = array<i32>} : memref<40x128xf32, #tpu.memory_space<vmem>>, vector<16xf32>,
        %parallel_loop3A_422 = arith.index_cast %parallel_loop3A_341 : i32 to index
        %parallel_loop3A_423 = arith.constant 80 : index
        %parallel_loop3A_424 = tpu.vector_load %arg17[%parallel_loop3A_422, %parallel_loop3A_423] {strides = array<i32>} : memref<40x128xf32, #tpu.memory_space<vmem>>, vector<16xf32>,
        %parallel_loop3A_425 = arith.addf %parallel_loop3A_424, %parallel_loop3A_411 : vector<16xf32>
        %parallel_loop3A_426 = arith.constant 0.000000e+00 : f32
        %parallel_loop3A_427 = vector.broadcast %parallel_loop3A_426 : f32 to vector<16xf32>
        %parallel_loop3A_428 = arith.maximumf %parallel_loop3A_425, %parallel_loop3A_427 : vector<16xf32>
        %parallel_loop3A_429 = arith.index_cast %parallel_loop3A_341 : i32 to index
        %parallel_loop3A_430 = arith.constant 80 : index
        %parallel_loop3A_431 = tpu.vector_load %arg17[%parallel_loop3A_429, %parallel_loop3A_430] {strides = array<i32>} : memref<40x128xf32, #tpu.memory_space<vmem>>, vector<16xf32>,
        tpu.vector_store %arg17[%parallel_loop3A_429, %parallel_loop3A_430], %parallel_loop3A_428 {strides = array<i32>} : memref<40x128xf32, #tpu.memory_space<vmem>>, vector<16xf32>,
        %parallel_loop3A_432 = arith.index_cast %parallel_loop3A_341 : i32 to index
        %parallel_loop3A_433 = arith.constant 48 : index
        %parallel_loop3A_434 = tpu.vector_load %arg14[%parallel_loop3A_432, %parallel_loop3A_433] {strides = array<i32>} : memref<40x64xi32, #tpu.memory_space<vmem>>, vector<16xi32>,
        %parallel_loop3A_435 = arith.constant 16 : i32
        %parallel_loop3A_436 = vector.broadcast %parallel_loop3A_435 : i32 to vector<16xi32>
        %parallel_loop3A_437 = arith.shli %parallel_loop3A_434, %parallel_loop3A_436 : vector<16xi32>
        %parallel_loop3A_438 = vector.bitcast %parallel_loop3A_437 : vector<16xi32> to vector<16xf32>
        %parallel_loop3A_439 = vector.broadcast %parallel_loop3A_273 : i32 to vector<16xi32>
        %parallel_loop3A_440 = arith.andi %parallel_loop3A_434, %parallel_loop3A_439 : vector<16xi32>
        %parallel_loop3A_441 = vector.bitcast %parallel_loop3A_440 : vector<16xi32> to vector<16xf32>
        %parallel_loop3A_442 = arith.index_cast %parallel_loop3A_341 : i32 to index
        %parallel_loop3A_443 = arith.constant 96 : index
        %parallel_loop3A_444 = tpu.vector_load %arg17[%parallel_loop3A_442, %parallel_loop3A_443] {strides = array<i32>} : memref<40x128xf32, #tpu.memory_space<vmem>>, vector<16xf32>,
        %parallel_loop3A_445 = arith.addf %parallel_loop3A_444, %parallel_loop3A_438 : vector<16xf32>
        %parallel_loop3A_446 = arith.constant 0.000000e+00 : f32
        %parallel_loop3A_447 = vector.broadcast %parallel_loop3A_446 : f32 to vector<16xf32>
        %parallel_loop3A_448 = arith.maximumf %parallel_loop3A_445, %parallel_loop3A_447 : vector<16xf32>
        %parallel_loop3A_449 = arith.index_cast %parallel_loop3A_341 : i32 to index
        %parallel_loop3A_450 = arith.constant 96 : index
        %parallel_loop3A_451 = tpu.vector_load %arg17[%parallel_loop3A_449, %parallel_loop3A_450] {strides = array<i32>} : memref<40x128xf32, #tpu.memory_space<vmem>>, vector<16xf32>,
        tpu.vector_store %arg17[%parallel_loop3A_449, %parallel_loop3A_450], %parallel_loop3A_448 {strides = array<i32>} : memref<40x128xf32, #tpu.memory_space<vmem>>, vector<16xf32>,
        %parallel_loop3A_452 = arith.index_cast %parallel_loop3A_341 : i32 to index
        %parallel_loop3A_453 = arith.constant 112 : index
        %parallel_loop3A_454 = tpu.vector_load %arg17[%parallel_loop3A_452, %parallel_loop3A_453] {strides = array<i32>} : memref<40x128xf32, #tpu.memory_space<vmem>>, vector<16xf32>,
        %parallel_loop3A_455 = arith.addf %parallel_loop3A_454, %parallel_loop3A_441 : vector<16xf32>
        %parallel_loop3A_456 = arith.constant 0.000000e+00 : f32
        %parallel_loop3A_457 = vector.broadcast %parallel_loop3A_456 : f32 to vector<16xf32>
        %parallel_loop3A_458 = arith.maximumf %parallel_loop3A_455, %parallel_loop3A_457 : vector<16xf32>
        %parallel_loop3A_459 = arith.index_cast %parallel_loop3A_341 : i32 to index
        %parallel_loop3A_460 = arith.constant 112 : index
        %parallel_loop3A_461 = tpu.vector_load %arg17[%parallel_loop3A_459, %parallel_loop3A_460] {strides = array<i32>} : memref<40x128xf32, #tpu.memory_space<vmem>>, vector<16xf32>,
        tpu.vector_store %arg17[%parallel_loop3A_459, %parallel_loop3A_460], %parallel_loop3A_458 {strides = array<i32>} : memref<40x128xf32, #tpu.memory_space<vmem>>, vector<16xf32>,
      } {sc.loop_unroll_factor = 2 : i64, sc.parallel_access}
      %dma_wait3A_274 = arith.constant 1 : i32
      %dma_wait3A_275 = arith.constant 0 : i32
      %dma_wait3A_276 = tpu.memref_slice %arg5[%dma_wait3A_275] : memref<320000xi32, #tpu.memory_space<hbm>> -> memref<40xi32, #tpu.memory_space<hbm>>
      %dma_wait3A_277 = tpu.memref_slice %arg23[%dma_wait3A_274] : memref<3x!tpu.dma_semaphore, #tpu.memory_space<semaphore_mem>> -> memref<1x!tpu.dma_semaphore, #tpu.memory_space<semaphore_mem>>
      %dma_wait3A_278 = tpu.memref_squeeze %dma_wait3A_277 : memref<1x!tpu.dma_semaphore, #tpu.memory_space<semaphore_mem>> -> memref<!tpu.dma_semaphore, #tpu.memory_space<semaphore_mem>>
      %dma_wait3A_279 = arith.constant 0 : i32
      %dma_wait3A_280 = tpu.memref_slice %arg5[%dma_wait3A_279] : memref<320000xi32, #tpu.memory_space<hbm>> -> memref<40xi32, #tpu.memory_space<hbm>>
      tpu.wait_dma2 semaphore(%dma_wait3A_278 : memref<!tpu.dma_semaphore, #tpu.memory_space<semaphore_mem>>) src(%dma_wait3A_280 : memref<40xi32, #tpu.memory_space<hbm>>) dst(%arg11 : memref<40xi32, #tpu.memory_space<vmem>>)
      %dma_start3A_281 = arith.constant 1 : i32
      %dma_start3A_282 = arith.constant 0 : i32
      %dma_start3A_283 = arith.constant 0 : i32
      %dma_start3A_284 = tpu.memref_slice %arg19[%dma_start3A_282, %dma_start3A_283] : memref<10240x128xf32, #tpu.memory_space<vmem_shared>> -> memref<10240x128xf32, #tpu.memory_space<vmem_shared>>
      %dma_start3A_285 = tpu.memref_slice %arg22[%dma_start3A_281] : memref<3x!tpu.dma_semaphore, #tpu.memory_space<semaphore_mem>> -> memref<1x!tpu.dma_semaphore, #tpu.memory_space<semaphore_mem>>
      %dma_start3A_286 = tpu.memref_squeeze %dma_start3A_285 : memref<1x!tpu.dma_semaphore, #tpu.memory_space<semaphore_mem>> -> memref<!tpu.dma_semaphore, #tpu.memory_space<semaphore_mem>>
      tpu.enqueue_indirect_dma source(%arg17 : memref<40x128xf32, #tpu.memory_space<vmem>>) target(%dma_start3A_284 : memref<10240x128xf32, #tpu.memory_space<vmem_shared>>) offsets(%arg11 : memref<40xi32, #tpu.memory_space<vmem>>) semaphore(%dma_start3A_286 : memref<!tpu.dma_semaphore, #tpu.memory_space<semaphore_mem>>) {add = true}
      %mul3A_287 = arith.constant 3 : i32
      %mul3A_288 = arith.muli %mul3A_287, %scan3A_149 : i32
      %add3A_289 = arith.constant 2 : i32
      %add3A_290 = arith.addi %mul3A_288, %add3A_289 : i32
      %dma_wait3A_291 = arith.constant 2 : i32
      %dma_wait3A_292 = arith.constant 0 : i32
      %dma_wait3A_293 = arith.constant 0 : i32
      %dma_wait3A_294 = tpu.memref_slice %arg2[%dma_wait3A_292, %dma_wait3A_293] : memref<10000x128xf32, #tpu.memory_space<hbm>> -> memref<10000x128xf32, #tpu.memory_space<hbm>>
      %dma_wait3A_295 = tpu.memref_slice %arg20[%dma_wait3A_291] : memref<3x!tpu.dma_semaphore, #tpu.memory_space<semaphore_mem>> -> memref<1x!tpu.dma_semaphore, #tpu.memory_space<semaphore_mem>>
      %dma_wait3A_296 = tpu.memref_squeeze %dma_wait3A_295 : memref<1x!tpu.dma_semaphore, #tpu.memory_space<semaphore_mem>> -> memref<!tpu.dma_semaphore, #tpu.memory_space<semaphore_mem>>
      tpu.wait_indirect_dma semaphore(%dma_wait3A_296 : memref<!tpu.dma_semaphore, #tpu.memory_space<semaphore_mem>>) src(%dma_wait3A_294 : memref<10000x128xf32, #tpu.memory_space<hbm>>) dst(%arg18 : memref<40x128xf32, #tpu.memory_space<vmem>>)
      %dma_wait3A_297 = arith.constant 2 : i32
      %dma_wait3A_298 = arith.constant 0 : i32
      %dma_wait3A_299 = arith.constant 0 : i32
      %dma_wait3A_300 = tpu.memref_slice %arg3[%dma_wait3A_298, %dma_wait3A_299] : memref<320000x64xi32, #tpu.memory_space<hbm>> -> memref<40x64xi32, #tpu.memory_space<hbm>>
      %dma_wait3A_301 = tpu.memref_slice %arg21[%dma_wait3A_297] : memref<3x!tpu.dma_semaphore, #tpu.memory_space<semaphore_mem>> -> memref<1x!tpu.dma_semaphore, #tpu.memory_space<semaphore_mem>>
      %dma_wait3A_302 = tpu.memref_squeeze %dma_wait3A_301 : memref<1x!tpu.dma_semaphore, #tpu.memory_space<semaphore_mem>> -> memref<!tpu.dma_semaphore, #tpu.memory_space<semaphore_mem>>
      %dma_wait3A_303 = arith.constant 0 : i32
      %dma_wait3A_304 = arith.constant 0 : i32
      %dma_wait3A_305 = tpu.memref_slice %arg3[%dma_wait3A_303, %dma_wait3A_304] : memref<320000x64xi32, #tpu.memory_space<hbm>> -> memref<40x64xi32, #tpu.memory_space<hbm>>
      tpu.wait_dma2 semaphore(%dma_wait3A_302 : memref<!tpu.dma_semaphore, #tpu.memory_space<semaphore_mem>>) src(%dma_wait3A_305 : memref<40x64xi32, #tpu.memory_space<hbm>>) dst(%arg15 : memref<40x64xi32, #tpu.memory_space<vmem>>)
      %lt3A_306 = arith.constant 82 : i32
      %lt3A_307 = arith.cmpi slt, %scan3A_149, %lt3A_306 : i32
      %convert_element_type3A_308 = arith.extui %lt3A_307 : i1 to i32
      %cond3A_309 = arith.constant 0 : i32
      %cond3A_310 = arith.cmpi ne, %convert_element_type3A_308, %cond3A_309 : i32
      scf.if %cond3A_310 {
        %add3A_341 = arith.constant 3 : i32
        %add3A_342 = arith.addi %add3A_290, %add3A_341 : i32
        %mul3A_343 = arith.constant 40 : i32
        %mul3A_344 = arith.muli %add3A_342, %mul3A_343 : i32
        %add3A_345 = arith.addi %mul3A_2, %mul3A_344 : i32
        %dma_start3A_346 = arith.constant 2 : i32
        %dma_start3A_347 = tpu.memref_slice %arg4[%add3A_345] : memref<320000xi32, #tpu.memory_space<hbm>> -> memref<40xi32, #tpu.memory_space<hbm>>
        %dma_start3A_348 = tpu.memref_slice %arg24[%dma_start3A_346] : memref<3x!tpu.dma_semaphore, #tpu.memory_space<semaphore_mem>> -> memref<1x!tpu.dma_semaphore, #tpu.memory_space<semaphore_mem>>
        %dma_start3A_349 = tpu.memref_squeeze %dma_start3A_348 : memref<1x!tpu.dma_semaphore, #tpu.memory_space<semaphore_mem>> -> memref<!tpu.dma_semaphore, #tpu.memory_space<semaphore_mem>>
        %dma_start3A_350 = tpu.memref_slice %arg4[%add3A_345] : memref<320000xi32, #tpu.memory_space<hbm>> -> memref<40xi32, #tpu.memory_space<hbm>>
        tpu.enqueue_dma source(%dma_start3A_350 : memref<40xi32, #tpu.memory_space<hbm>>) target(%arg9 : memref<40xi32, #tpu.memory_space<vmem>>) target_semaphore(%dma_start3A_349 : memref<!tpu.dma_semaphore, #tpu.memory_space<semaphore_mem>>)
      } else {
      }
      %mul3A_311 = arith.constant 40 : i32
      %mul3A_312 = arith.muli %add3A_290, %mul3A_311 : i32
      %add3A_313 = arith.addi %mul3A_2, %mul3A_312 : i32
      %dma_start3A_314 = arith.constant 2 : i32
      %dma_start3A_315 = tpu.memref_slice %arg5[%add3A_313] : memref<320000xi32, #tpu.memory_space<hbm>> -> memref<40xi32, #tpu.memory_space<hbm>>
      %dma_start3A_316 = tpu.memref_slice %arg23[%dma_start3A_314] : memref<3x!tpu.dma_semaphore, #tpu.memory_space<semaphore_mem>> -> memref<1x!tpu.dma_semaphore, #tpu.memory_space<semaphore_mem>>
      %dma_start3A_317 = tpu.memref_squeeze %dma_start3A_316 : memref<1x!tpu.dma_semaphore, #tpu.memory_space<semaphore_mem>> -> memref<!tpu.dma_semaphore, #tpu.memory_space<semaphore_mem>>
      %dma_start3A_318 = tpu.memref_slice %arg5[%add3A_313] : memref<320000xi32, #tpu.memory_space<hbm>> -> memref<40xi32, #tpu.memory_space<hbm>>
      tpu.enqueue_dma source(%dma_start3A_318 : memref<40xi32, #tpu.memory_space<hbm>>) target(%arg12 : memref<40xi32, #tpu.memory_space<vmem>>) target_semaphore(%dma_start3A_317 : memref<!tpu.dma_semaphore, #tpu.memory_space<semaphore_mem>>)
      %lt3A_319 = arith.constant 82 : i32
      %lt3A_320 = arith.cmpi slt, %scan3A_149, %lt3A_319 : i32
      %convert_element_type3A_321 = arith.extui %lt3A_320 : i1 to i32
      %cond3A_322 = arith.constant 0 : i32
      %cond3A_323 = arith.cmpi ne, %convert_element_type3A_321, %cond3A_322 : i32
      scf.if %cond3A_323 {
        %dma_wait3A_341 = arith.constant 1 : i32
        %dma_wait3A_342 = arith.constant 0 : i32
        %dma_wait3A_343 = arith.constant 0 : i32
        %dma_wait3A_344 = tpu.memref_slice %arg19[%dma_wait3A_342, %dma_wait3A_343] : memref<10240x128xf32, #tpu.memory_space<vmem_shared>> -> memref<10240x128xf32, #tpu.memory_space<vmem_shared>>
        %dma_wait3A_345 = tpu.memref_slice %arg22[%dma_wait3A_341] : memref<3x!tpu.dma_semaphore, #tpu.memory_space<semaphore_mem>> -> memref<1x!tpu.dma_semaphore, #tpu.memory_space<semaphore_mem>>
        %dma_wait3A_346 = tpu.memref_squeeze %dma_wait3A_345 : memref<1x!tpu.dma_semaphore, #tpu.memory_space<semaphore_mem>> -> memref<!tpu.dma_semaphore, #tpu.memory_space<semaphore_mem>>
        tpu.wait_indirect_dma semaphore(%dma_wait3A_346 : memref<!tpu.dma_semaphore, #tpu.memory_space<semaphore_mem>>) src(%arg17 : memref<40x128xf32, #tpu.memory_space<vmem>>) dst(%dma_wait3A_344 : memref<10240x128xf32, #tpu.memory_space<vmem_shared>>)
        %dma_wait3A_347 = arith.constant 1 : i32
        %dma_wait3A_348 = arith.constant 0 : i32
        %dma_wait3A_349 = tpu.memref_slice %arg4[%dma_wait3A_348] : memref<320000xi32, #tpu.memory_space<hbm>> -> memref<40xi32, #tpu.memory_space<hbm>>
        %dma_wait3A_350 = tpu.memref_slice %arg24[%dma_wait3A_347] : memref<3x!tpu.dma_semaphore, #tpu.memory_space<semaphore_mem>> -> memref<1x!tpu.dma_semaphore, #tpu.memory_space<semaphore_mem>>
        %dma_wait3A_351 = tpu.memref_squeeze %dma_wait3A_350 : memref<1x!tpu.dma_semaphore, #tpu.memory_space<semaphore_mem>> -> memref<!tpu.dma_semaphore, #tpu.memory_space<semaphore_mem>>
        %dma_wait3A_352 = arith.constant 0 : i32
        %dma_wait3A_353 = tpu.memref_slice %arg4[%dma_wait3A_352] : memref<320000xi32, #tpu.memory_space<hbm>> -> memref<40xi32, #tpu.memory_space<hbm>>
        tpu.wait_dma2 semaphore(%dma_wait3A_351 : memref<!tpu.dma_semaphore, #tpu.memory_space<semaphore_mem>>) src(%dma_wait3A_353 : memref<40xi32, #tpu.memory_space<hbm>>) dst(%arg8 : memref<40xi32, #tpu.memory_space<vmem>>)
        %add3A_354 = arith.constant 2 : i32
        %add3A_355 = arith.addi %add3A_290, %add3A_354 : i32
        %dma_start3A_356 = arith.constant 1 : i32
        %dma_start3A_357 = arith.constant 0 : i32
        %dma_start3A_358 = arith.constant 0 : i32
        %dma_start3A_359 = tpu.memref_slice %arg2[%dma_start3A_357, %dma_start3A_358] : memref<10000x128xf32, #tpu.memory_space<hbm>> -> memref<10000x128xf32, #tpu.memory_space<hbm>>
        %dma_start3A_360 = tpu.memref_slice %arg20[%dma_start3A_356] : memref<3x!tpu.dma_semaphore, #tpu.memory_space<semaphore_mem>> -> memref<1x!tpu.dma_semaphore, #tpu.memory_space<semaphore_mem>>
        %dma_start3A_361 = tpu.memref_squeeze %dma_start3A_360 : memref<1x!tpu.dma_semaphore, #tpu.memory_space<semaphore_mem>> -> memref<!tpu.dma_semaphore, #tpu.memory_space<semaphore_mem>>
        tpu.enqueue_indirect_dma source(%dma_start3A_359 : memref<10000x128xf32, #tpu.memory_space<hbm>>) target(%arg17 : memref<40x128xf32, #tpu.memory_space<vmem>>) offsets(%arg8 : memref<40xi32, #tpu.memory_space<vmem>>) semaphore(%dma_start3A_361 : memref<!tpu.dma_semaphore, #tpu.memory_space<semaphore_mem>>)
        %mul3A_362 = arith.constant 40 : i32
        %mul3A_363 = arith.muli %add3A_355, %mul3A_362 : i32
        %add3A_364 = arith.addi %mul3A_2, %mul3A_363 : i32
        %dma_start3A_365 = arith.constant 1 : i32
        %dma_start3A_366 = arith.constant 0 : i32
        %dma_start3A_367 = tpu.memref_slice %arg3[%add3A_364, %dma_start3A_366] : memref<320000x64xi32, #tpu.memory_space<hbm>> -> memref<40x64xi32, #tpu.memory_space<hbm>>
        %dma_start3A_368 = tpu.memref_slice %arg21[%dma_start3A_365] : memref<3x!tpu.dma_semaphore, #tpu.memory_space<semaphore_mem>> -> memref<1x!tpu.dma_semaphore, #tpu.memory_space<semaphore_mem>>
        %dma_start3A_369 = tpu.memref_squeeze %dma_start3A_368 : memref<1x!tpu.dma_semaphore, #tpu.memory_space<semaphore_mem>> -> memref<!tpu.dma_semaphore, #tpu.memory_space<semaphore_mem>>
        %dma_start3A_370 = arith.constant 0 : i32
        %dma_start3A_371 = tpu.memref_slice %arg3[%add3A_364, %dma_start3A_370] : memref<320000x64xi32, #tpu.memory_space<hbm>> -> memref<40x64xi32, #tpu.memory_space<hbm>>
        tpu.enqueue_dma source(%dma_start3A_371 : memref<40x64xi32, #tpu.memory_space<hbm>>) target(%arg14 : memref<40x64xi32, #tpu.memory_space<vmem>>) target_semaphore(%dma_start3A_369 : memref<!tpu.dma_semaphore, #tpu.memory_space<semaphore_mem>>)
      } else {
      }
      %parallel_loop3A_324 = arith.constant 0 : i32
      %parallel_loop3A_325 = arith.constant 40 : i32
      %parallel_loop3A_326 = arith.constant 1 : i32
      %parallel_loop3A_327 = arith.constant -65536 : i32
      scf.for %parallel_loop3A_341 = %parallel_loop3A_324 to %parallel_loop3A_325 step %parallel_loop3A_326  : i32 {
        %parallel_loop3A_342 = arith.index_cast %parallel_loop3A_341 : i32 to index
        %parallel_loop3A_343 = arith.constant 0 : index
        %parallel_loop3A_344 = tpu.vector_load %arg15[%parallel_loop3A_342, %parallel_loop3A_343] {strides = array<i32>} : memref<40x64xi32, #tpu.memory_space<vmem>>, vector<16xi32>,
        %parallel_loop3A_345 = arith.constant 16 : i32
        %parallel_loop3A_346 = vector.broadcast %parallel_loop3A_345 : i32 to vector<16xi32>
        %parallel_loop3A_347 = arith.shli %parallel_loop3A_344, %parallel_loop3A_346 : vector<16xi32>
        %parallel_loop3A_348 = vector.bitcast %parallel_loop3A_347 : vector<16xi32> to vector<16xf32>
        %parallel_loop3A_349 = vector.broadcast %parallel_loop3A_327 : i32 to vector<16xi32>
        %parallel_loop3A_350 = arith.andi %parallel_loop3A_344, %parallel_loop3A_349 : vector<16xi32>
        %parallel_loop3A_351 = vector.bitcast %parallel_loop3A_350 : vector<16xi32> to vector<16xf32>
        %parallel_loop3A_352 = arith.index_cast %parallel_loop3A_341 : i32 to index
        %parallel_loop3A_353 = arith.constant 0 : index
        %parallel_loop3A_354 = tpu.vector_load %arg18[%parallel_loop3A_352, %parallel_loop3A_353] {strides = array<i32>} : memref<40x128xf32, #tpu.memory_space<vmem>>, vector<16xf32>,
        %parallel_loop3A_355 = arith.addf %parallel_loop3A_354, %parallel_loop3A_348 : vector<16xf32>
        %parallel_loop3A_356 = arith.constant 0.000000e+00 : f32
        %parallel_loop3A_357 = vector.broadcast %parallel_loop3A_356 : f32 to vector<16xf32>
        %parallel_loop3A_358 = arith.maximumf %parallel_loop3A_355, %parallel_loop3A_357 : vector<16xf32>
        %parallel_loop3A_359 = arith.index_cast %parallel_loop3A_341 : i32 to index
        %parallel_loop3A_360 = arith.constant 0 : index
        %parallel_loop3A_361 = tpu.vector_load %arg18[%parallel_loop3A_359, %parallel_loop3A_360] {strides = array<i32>} : memref<40x128xf32, #tpu.memory_space<vmem>>, vector<16xf32>,
        tpu.vector_store %arg18[%parallel_loop3A_359, %parallel_loop3A_360], %parallel_loop3A_358 {strides = array<i32>} : memref<40x128xf32, #tpu.memory_space<vmem>>, vector<16xf32>,
        %parallel_loop3A_362 = arith.index_cast %parallel_loop3A_341 : i32 to index
        %parallel_loop3A_363 = arith.constant 16 : index
        %parallel_loop3A_364 = tpu.vector_load %arg18[%parallel_loop3A_362, %parallel_loop3A_363] {strides = array<i32>} : memref<40x128xf32, #tpu.memory_space<vmem>>, vector<16xf32>,
        %parallel_loop3A_365 = arith.addf %parallel_loop3A_364, %parallel_loop3A_351 : vector<16xf32>
        %parallel_loop3A_366 = arith.constant 0.000000e+00 : f32
        %parallel_loop3A_367 = vector.broadcast %parallel_loop3A_366 : f32 to vector<16xf32>
        %parallel_loop3A_368 = arith.maximumf %parallel_loop3A_365, %parallel_loop3A_367 : vector<16xf32>
        %parallel_loop3A_369 = arith.index_cast %parallel_loop3A_341 : i32 to index
        %parallel_loop3A_370 = arith.constant 16 : index
        %parallel_loop3A_371 = tpu.vector_load %arg18[%parallel_loop3A_369, %parallel_loop3A_370] {strides = array<i32>} : memref<40x128xf32, #tpu.memory_space<vmem>>, vector<16xf32>,
        tpu.vector_store %arg18[%parallel_loop3A_369, %parallel_loop3A_370], %parallel_loop3A_368 {strides = array<i32>} : memref<40x128xf32, #tpu.memory_space<vmem>>, vector<16xf32>,
        %parallel_loop3A_372 = arith.index_cast %parallel_loop3A_341 : i32 to index
        %parallel_loop3A_373 = arith.constant 16 : index
        %parallel_loop3A_374 = tpu.vector_load %arg15[%parallel_loop3A_372, %parallel_loop3A_373] {strides = array<i32>} : memref<40x64xi32, #tpu.memory_space<vmem>>, vector<16xi32>,
        %parallel_loop3A_375 = arith.constant 16 : i32
        %parallel_loop3A_376 = vector.broadcast %parallel_loop3A_375 : i32 to vector<16xi32>
        %parallel_loop3A_377 = arith.shli %parallel_loop3A_374, %parallel_loop3A_376 : vector<16xi32>
        %parallel_loop3A_378 = vector.bitcast %parallel_loop3A_377 : vector<16xi32> to vector<16xf32>
        %parallel_loop3A_379 = vector.broadcast %parallel_loop3A_327 : i32 to vector<16xi32>
        %parallel_loop3A_380 = arith.andi %parallel_loop3A_374, %parallel_loop3A_379 : vector<16xi32>
        %parallel_loop3A_381 = vector.bitcast %parallel_loop3A_380 : vector<16xi32> to vector<16xf32>
        %parallel_loop3A_382 = arith.index_cast %parallel_loop3A_341 : i32 to index
        %parallel_loop3A_383 = arith.constant 32 : index
        %parallel_loop3A_384 = tpu.vector_load %arg18[%parallel_loop3A_382, %parallel_loop3A_383] {strides = array<i32>} : memref<40x128xf32, #tpu.memory_space<vmem>>, vector<16xf32>,
        %parallel_loop3A_385 = arith.addf %parallel_loop3A_384, %parallel_loop3A_378 : vector<16xf32>
        %parallel_loop3A_386 = arith.constant 0.000000e+00 : f32
        %parallel_loop3A_387 = vector.broadcast %parallel_loop3A_386 : f32 to vector<16xf32>
        %parallel_loop3A_388 = arith.maximumf %parallel_loop3A_385, %parallel_loop3A_387 : vector<16xf32>
        %parallel_loop3A_389 = arith.index_cast %parallel_loop3A_341 : i32 to index
        %parallel_loop3A_390 = arith.constant 32 : index
        %parallel_loop3A_391 = tpu.vector_load %arg18[%parallel_loop3A_389, %parallel_loop3A_390] {strides = array<i32>} : memref<40x128xf32, #tpu.memory_space<vmem>>, vector<16xf32>,
        tpu.vector_store %arg18[%parallel_loop3A_389, %parallel_loop3A_390], %parallel_loop3A_388 {strides = array<i32>} : memref<40x128xf32, #tpu.memory_space<vmem>>, vector<16xf32>,
        %parallel_loop3A_392 = arith.index_cast %parallel_loop3A_341 : i32 to index
        %parallel_loop3A_393 = arith.constant 48 : index
        %parallel_loop3A_394 = tpu.vector_load %arg18[%parallel_loop3A_392, %parallel_loop3A_393] {strides = array<i32>} : memref<40x128xf32, #tpu.memory_space<vmem>>, vector<16xf32>,
        %parallel_loop3A_395 = arith.addf %parallel_loop3A_394, %parallel_loop3A_381 : vector<16xf32>
        %parallel_loop3A_396 = arith.constant 0.000000e+00 : f32
        %parallel_loop3A_397 = vector.broadcast %parallel_loop3A_396 : f32 to vector<16xf32>
        %parallel_loop3A_398 = arith.maximumf %parallel_loop3A_395, %parallel_loop3A_397 : vector<16xf32>
        %parallel_loop3A_399 = arith.index_cast %parallel_loop3A_341 : i32 to index
        %parallel_loop3A_400 = arith.constant 48 : index
        %parallel_loop3A_401 = tpu.vector_load %arg18[%parallel_loop3A_399, %parallel_loop3A_400] {strides = array<i32>} : memref<40x128xf32, #tpu.memory_space<vmem>>, vector<16xf32>,
        tpu.vector_store %arg18[%parallel_loop3A_399, %parallel_loop3A_400], %parallel_loop3A_398 {strides = array<i32>} : memref<40x128xf32, #tpu.memory_space<vmem>>, vector<16xf32>,
        %parallel_loop3A_402 = arith.index_cast %parallel_loop3A_341 : i32 to index
        %parallel_loop3A_403 = arith.constant 32 : index
        %parallel_loop3A_404 = tpu.vector_load %arg15[%parallel_loop3A_402, %parallel_loop3A_403] {strides = array<i32>} : memref<40x64xi32, #tpu.memory_space<vmem>>, vector<16xi32>,
        %parallel_loop3A_405 = arith.constant 16 : i32
        %parallel_loop3A_406 = vector.broadcast %parallel_loop3A_405 : i32 to vector<16xi32>
        %parallel_loop3A_407 = arith.shli %parallel_loop3A_404, %parallel_loop3A_406 : vector<16xi32>
        %parallel_loop3A_408 = vector.bitcast %parallel_loop3A_407 : vector<16xi32> to vector<16xf32>
        %parallel_loop3A_409 = vector.broadcast %parallel_loop3A_327 : i32 to vector<16xi32>
        %parallel_loop3A_410 = arith.andi %parallel_loop3A_404, %parallel_loop3A_409 : vector<16xi32>
        %parallel_loop3A_411 = vector.bitcast %parallel_loop3A_410 : vector<16xi32> to vector<16xf32>
        %parallel_loop3A_412 = arith.index_cast %parallel_loop3A_341 : i32 to index
        %parallel_loop3A_413 = arith.constant 64 : index
        %parallel_loop3A_414 = tpu.vector_load %arg18[%parallel_loop3A_412, %parallel_loop3A_413] {strides = array<i32>} : memref<40x128xf32, #tpu.memory_space<vmem>>, vector<16xf32>,
        %parallel_loop3A_415 = arith.addf %parallel_loop3A_414, %parallel_loop3A_408 : vector<16xf32>
        %parallel_loop3A_416 = arith.constant 0.000000e+00 : f32
        %parallel_loop3A_417 = vector.broadcast %parallel_loop3A_416 : f32 to vector<16xf32>
        %parallel_loop3A_418 = arith.maximumf %parallel_loop3A_415, %parallel_loop3A_417 : vector<16xf32>
        %parallel_loop3A_419 = arith.index_cast %parallel_loop3A_341 : i32 to index
        %parallel_loop3A_420 = arith.constant 64 : index
        %parallel_loop3A_421 = tpu.vector_load %arg18[%parallel_loop3A_419, %parallel_loop3A_420] {strides = array<i32>} : memref<40x128xf32, #tpu.memory_space<vmem>>, vector<16xf32>,
        tpu.vector_store %arg18[%parallel_loop3A_419, %parallel_loop3A_420], %parallel_loop3A_418 {strides = array<i32>} : memref<40x128xf32, #tpu.memory_space<vmem>>, vector<16xf32>,
        %parallel_loop3A_422 = arith.index_cast %parallel_loop3A_341 : i32 to index
        %parallel_loop3A_423 = arith.constant 80 : index
        %parallel_loop3A_424 = tpu.vector_load %arg18[%parallel_loop3A_422, %parallel_loop3A_423] {strides = array<i32>} : memref<40x128xf32, #tpu.memory_space<vmem>>, vector<16xf32>,
        %parallel_loop3A_425 = arith.addf %parallel_loop3A_424, %parallel_loop3A_411 : vector<16xf32>
        %parallel_loop3A_426 = arith.constant 0.000000e+00 : f32
        %parallel_loop3A_427 = vector.broadcast %parallel_loop3A_426 : f32 to vector<16xf32>
        %parallel_loop3A_428 = arith.maximumf %parallel_loop3A_425, %parallel_loop3A_427 : vector<16xf32>
        %parallel_loop3A_429 = arith.index_cast %parallel_loop3A_341 : i32 to index
        %parallel_loop3A_430 = arith.constant 80 : index
        %parallel_loop3A_431 = tpu.vector_load %arg18[%parallel_loop3A_429, %parallel_loop3A_430] {strides = array<i32>} : memref<40x128xf32, #tpu.memory_space<vmem>>, vector<16xf32>,
        tpu.vector_store %arg18[%parallel_loop3A_429, %parallel_loop3A_430], %parallel_loop3A_428 {strides = array<i32>} : memref<40x128xf32, #tpu.memory_space<vmem>>, vector<16xf32>,
        %parallel_loop3A_432 = arith.index_cast %parallel_loop3A_341 : i32 to index
        %parallel_loop3A_433 = arith.constant 48 : index
        %parallel_loop3A_434 = tpu.vector_load %arg15[%parallel_loop3A_432, %parallel_loop3A_433] {strides = array<i32>} : memref<40x64xi32, #tpu.memory_space<vmem>>, vector<16xi32>,
        %parallel_loop3A_435 = arith.constant 16 : i32
        %parallel_loop3A_436 = vector.broadcast %parallel_loop3A_435 : i32 to vector<16xi32>
        %parallel_loop3A_437 = arith.shli %parallel_loop3A_434, %parallel_loop3A_436 : vector<16xi32>
        %parallel_loop3A_438 = vector.bitcast %parallel_loop3A_437 : vector<16xi32> to vector<16xf32>
        %parallel_loop3A_439 = vector.broadcast %parallel_loop3A_327 : i32 to vector<16xi32>
        %parallel_loop3A_440 = arith.andi %parallel_loop3A_434, %parallel_loop3A_439 : vector<16xi32>
        %parallel_loop3A_441 = vector.bitcast %parallel_loop3A_440 : vector<16xi32> to vector<16xf32>
        %parallel_loop3A_442 = arith.index_cast %parallel_loop3A_341 : i32 to index
        %parallel_loop3A_443 = arith.constant 96 : index
        %parallel_loop3A_444 = tpu.vector_load %arg18[%parallel_loop3A_442, %parallel_loop3A_443] {strides = array<i32>} : memref<40x128xf32, #tpu.memory_space<vmem>>, vector<16xf32>,
        %parallel_loop3A_445 = arith.addf %parallel_loop3A_444, %parallel_loop3A_438 : vector<16xf32>
        %parallel_loop3A_446 = arith.constant 0.000000e+00 : f32
        %parallel_loop3A_447 = vector.broadcast %parallel_loop3A_446 : f32 to vector<16xf32>
        %parallel_loop3A_448 = arith.maximumf %parallel_loop3A_445, %parallel_loop3A_447 : vector<16xf32>
        %parallel_loop3A_449 = arith.index_cast %parallel_loop3A_341 : i32 to index
        %parallel_loop3A_450 = arith.constant 96 : index
        %parallel_loop3A_451 = tpu.vector_load %arg18[%parallel_loop3A_449, %parallel_loop3A_450] {strides = array<i32>} : memref<40x128xf32, #tpu.memory_space<vmem>>, vector<16xf32>,
        tpu.vector_store %arg18[%parallel_loop3A_449, %parallel_loop3A_450], %parallel_loop3A_448 {strides = array<i32>} : memref<40x128xf32, #tpu.memory_space<vmem>>, vector<16xf32>,
        %parallel_loop3A_452 = arith.index_cast %parallel_loop3A_341 : i32 to index
        %parallel_loop3A_453 = arith.constant 112 : index
        %parallel_loop3A_454 = tpu.vector_load %arg18[%parallel_loop3A_452, %parallel_loop3A_453] {strides = array<i32>} : memref<40x128xf32, #tpu.memory_space<vmem>>, vector<16xf32>,
        %parallel_loop3A_455 = arith.addf %parallel_loop3A_454, %parallel_loop3A_441 : vector<16xf32>
        %parallel_loop3A_456 = arith.constant 0.000000e+00 : f32
        %parallel_loop3A_457 = vector.broadcast %parallel_loop3A_456 : f32 to vector<16xf32>
        %parallel_loop3A_458 = arith.maximumf %parallel_loop3A_455, %parallel_loop3A_457 : vector<16xf32>
        %parallel_loop3A_459 = arith.index_cast %parallel_loop3A_341 : i32 to index
        %parallel_loop3A_460 = arith.constant 112 : index
        %parallel_loop3A_461 = tpu.vector_load %arg18[%parallel_loop3A_459, %parallel_loop3A_460] {strides = array<i32>} : memref<40x128xf32, #tpu.memory_space<vmem>>, vector<16xf32>,
        tpu.vector_store %arg18[%parallel_loop3A_459, %parallel_loop3A_460], %parallel_loop3A_458 {strides = array<i32>} : memref<40x128xf32, #tpu.memory_space<vmem>>, vector<16xf32>,
      } {sc.loop_unroll_factor = 2 : i64, sc.parallel_access}
      %dma_wait3A_328 = arith.constant 2 : i32
      %dma_wait3A_329 = arith.constant 0 : i32
      %dma_wait3A_330 = tpu.memref_slice %arg5[%dma_wait3A_329] : memref<320000xi32, #tpu.memory_space<hbm>> -> memref<40xi32, #tpu.memory_space<hbm>>
      %dma_wait3A_331 = tpu.memref_slice %arg23[%dma_wait3A_328] : memref<3x!tpu.dma_semaphore, #tpu.memory_space<semaphore_mem>> -> memref<1x!tpu.dma_semaphore, #tpu.memory_space<semaphore_mem>>
      %dma_wait3A_332 = tpu.memref_squeeze %dma_wait3A_331 : memref<1x!tpu.dma_semaphore, #tpu.memory_space<semaphore_mem>> -> memref<!tpu.dma_semaphore, #tpu.memory_space<semaphore_mem>>
      %dma_wait3A_333 = arith.constant 0 : i32
      %dma_wait3A_334 = tpu.memref_slice %arg5[%dma_wait3A_333] : memref<320000xi32, #tpu.memory_space<hbm>> -> memref<40xi32, #tpu.memory_space<hbm>>
      tpu.wait_dma2 semaphore(%dma_wait3A_332 : memref<!tpu.dma_semaphore, #tpu.memory_space<semaphore_mem>>) src(%dma_wait3A_334 : memref<40xi32, #tpu.memory_space<hbm>>) dst(%arg12 : memref<40xi32, #tpu.memory_space<vmem>>)
      %dma_start3A_335 = arith.constant 2 : i32
      %dma_start3A_336 = arith.constant 0 : i32
      %dma_start3A_337 = arith.constant 0 : i32
      %dma_start3A_338 = tpu.memref_slice %arg19[%dma_start3A_336, %dma_start3A_337] : memref<10240x128xf32, #tpu.memory_space<vmem_shared>> -> memref<10240x128xf32, #tpu.memory_space<vmem_shared>>
      %dma_start3A_339 = tpu.memref_slice %arg22[%dma_start3A_335] : memref<3x!tpu.dma_semaphore, #tpu.memory_space<semaphore_mem>> -> memref<1x!tpu.dma_semaphore, #tpu.memory_space<semaphore_mem>>
      %dma_start3A_340 = tpu.memref_squeeze %dma_start3A_339 : memref<1x!tpu.dma_semaphore, #tpu.memory_space<semaphore_mem>> -> memref<!tpu.dma_semaphore, #tpu.memory_space<semaphore_mem>>
      tpu.enqueue_indirect_dma source(%arg18 : memref<40x128xf32, #tpu.memory_space<vmem>>) target(%dma_start3A_338 : memref<10240x128xf32, #tpu.memory_space<vmem_shared>>) offsets(%arg12 : memref<40xi32, #tpu.memory_space<vmem>>) semaphore(%dma_start3A_340 : memref<!tpu.dma_semaphore, #tpu.memory_space<semaphore_mem>>) {add = true}
    }
    %scan3A_85 = arith.constant 83 : i32
    %dma_wait3A_86 = arith.constant 0 : i32
    %dma_wait3A_87 = arith.constant 0 : i32
    %dma_wait3A_88 = arith.constant 0 : i32
    %dma_wait3A_89 = tpu.memref_slice %arg2[%dma_wait3A_87, %dma_wait3A_88] : memref<10000x128xf32, #tpu.memory_space<hbm>> -> memref<10000x128xf32, #tpu.memory_space<hbm>>
    %dma_wait3A_90 = tpu.memref_slice %arg20[%dma_wait3A_86] : memref<3x!tpu.dma_semaphore, #tpu.memory_space<semaphore_mem>> -> memref<1x!tpu.dma_semaphore, #tpu.memory_space<semaphore_mem>>
    %dma_wait3A_91 = tpu.memref_squeeze %dma_wait3A_90 : memref<1x!tpu.dma_semaphore, #tpu.memory_space<semaphore_mem>> -> memref<!tpu.dma_semaphore, #tpu.memory_space<semaphore_mem>>
    tpu.wait_indirect_dma semaphore(%dma_wait3A_91 : memref<!tpu.dma_semaphore, #tpu.memory_space<semaphore_mem>>) src(%dma_wait3A_89 : memref<10000x128xf32, #tpu.memory_space<hbm>>) dst(%arg16 : memref<40x128xf32, #tpu.memory_space<vmem>>)
    %dma_wait3A_92 = arith.constant 0 : i32
    %dma_wait3A_93 = arith.constant 0 : i32
    %dma_wait3A_94 = arith.constant 0 : i32
    %dma_wait3A_95 = tpu.memref_slice %arg3[%dma_wait3A_93, %dma_wait3A_94] : memref<320000x64xi32, #tpu.memory_space<hbm>> -> memref<40x64xi32, #tpu.memory_space<hbm>>
    %dma_wait3A_96 = tpu.memref_slice %arg21[%dma_wait3A_92] : memref<3x!tpu.dma_semaphore, #tpu.memory_space<semaphore_mem>> -> memref<1x!tpu.dma_semaphore, #tpu.memory_space<semaphore_mem>>
    %dma_wait3A_97 = tpu.memref_squeeze %dma_wait3A_96 : memref<1x!tpu.dma_semaphore, #tpu.memory_space<semaphore_mem>> -> memref<!tpu.dma_semaphore, #tpu.memory_space<semaphore_mem>>
    %dma_wait3A_98 = arith.constant 0 : i32
    %dma_wait3A_99 = arith.constant 0 : i32
    %dma_wait3A_100 = tpu.memref_slice %arg3[%dma_wait3A_98, %dma_wait3A_99] : memref<320000x64xi32, #tpu.memory_space<hbm>> -> memref<40x64xi32, #tpu.memory_space<hbm>>
    tpu.wait_dma2 semaphore(%dma_wait3A_97 : memref<!tpu.dma_semaphore, #tpu.memory_space<semaphore_mem>>) src(%dma_wait3A_100 : memref<40x64xi32, #tpu.memory_space<hbm>>) dst(%arg13 : memref<40x64xi32, #tpu.memory_space<vmem>>)
    %add3A_101 = arith.constant 9960 : i32
    %add3A_102 = arith.addi %mul3A_2, %add3A_101 : i32
    %dma_start3A_103 = arith.constant 0 : i32
    %dma_start3A_104 = tpu.memref_slice %arg5[%add3A_102] : memref<320000xi32, #tpu.memory_space<hbm>> -> memref<40xi32, #tpu.memory_space<hbm>>
    %dma_start3A_105 = tpu.memref_slice %arg23[%dma_start3A_103] : memref<3x!tpu.dma_semaphore, #tpu.memory_space<semaphore_mem>> -> memref<1x!tpu.dma_semaphore, #tpu.memory_space<semaphore_mem>>
    %dma_start3A_106 = tpu.memref_squeeze %dma_start3A_105 : memref<1x!tpu.dma_semaphore, #tpu.memory_space<semaphore_mem>> -> memref<!tpu.dma_semaphore, #tpu.memory_space<semaphore_mem>>
    %dma_start3A_107 = tpu.memref_slice %arg5[%add3A_102] : memref<320000xi32, #tpu.memory_space<hbm>> -> memref<40xi32, #tpu.memory_space<hbm>>
    tpu.enqueue_dma source(%dma_start3A_107 : memref<40xi32, #tpu.memory_space<hbm>>) target(%arg10 : memref<40xi32, #tpu.memory_space<vmem>>) target_semaphore(%dma_start3A_106 : memref<!tpu.dma_semaphore, #tpu.memory_space<semaphore_mem>>)
    %dma_wait3A_108 = arith.constant 2 : i32
    %dma_wait3A_109 = arith.constant 0 : i32
    %dma_wait3A_110 = arith.constant 0 : i32
    %dma_wait3A_111 = tpu.memref_slice %arg19[%dma_wait3A_109, %dma_wait3A_110] : memref<10240x128xf32, #tpu.memory_space<vmem_shared>> -> memref<10240x128xf32, #tpu.memory_space<vmem_shared>>
    %dma_wait3A_112 = tpu.memref_slice %arg22[%dma_wait3A_108] : memref<3x!tpu.dma_semaphore, #tpu.memory_space<semaphore_mem>> -> memref<1x!tpu.dma_semaphore, #tpu.memory_space<semaphore_mem>>
    %dma_wait3A_113 = tpu.memref_squeeze %dma_wait3A_112 : memref<1x!tpu.dma_semaphore, #tpu.memory_space<semaphore_mem>> -> memref<!tpu.dma_semaphore, #tpu.memory_space<semaphore_mem>>
    tpu.wait_indirect_dma semaphore(%dma_wait3A_113 : memref<!tpu.dma_semaphore, #tpu.memory_space<semaphore_mem>>) src(%arg18 : memref<40x128xf32, #tpu.memory_space<vmem>>) dst(%dma_wait3A_111 : memref<10240x128xf32, #tpu.memory_space<vmem_shared>>)
    %parallel_loop3A = arith.constant 0 : i32
    %parallel_loop3A_114 = arith.constant 40 : i32
    %parallel_loop3A_115 = arith.constant 1 : i32
    %parallel_loop3A_116 = arith.constant -65536 : i32
    scf.for %parallel_loop3A_149 = %parallel_loop3A to %parallel_loop3A_114 step %parallel_loop3A_115  : i32 {
      %parallel_loop3A_150 = arith.index_cast %parallel_loop3A_149 : i32 to index
      %parallel_loop3A_151 = arith.constant 0 : index
      %parallel_loop3A_152 = tpu.vector_load %arg13[%parallel_loop3A_150, %parallel_loop3A_151] {strides = array<i32>} : memref<40x64xi32, #tpu.memory_space<vmem>>, vector<16xi32>,
      %parallel_loop3A_153 = arith.constant 16 : i32
      %parallel_loop3A_154 = vector.broadcast %parallel_loop3A_153 : i32 to vector<16xi32>
      %parallel_loop3A_155 = arith.shli %parallel_loop3A_152, %parallel_loop3A_154 : vector<16xi32>
      %parallel_loop3A_156 = vector.bitcast %parallel_loop3A_155 : vector<16xi32> to vector<16xf32>
      %parallel_loop3A_157 = vector.broadcast %parallel_loop3A_116 : i32 to vector<16xi32>
      %parallel_loop3A_158 = arith.andi %parallel_loop3A_152, %parallel_loop3A_157 : vector<16xi32>
      %parallel_loop3A_159 = vector.bitcast %parallel_loop3A_158 : vector<16xi32> to vector<16xf32>
      %parallel_loop3A_160 = arith.index_cast %parallel_loop3A_149 : i32 to index
      %parallel_loop3A_161 = arith.constant 0 : index
      %parallel_loop3A_162 = tpu.vector_load %arg16[%parallel_loop3A_160, %parallel_loop3A_161] {strides = array<i32>} : memref<40x128xf32, #tpu.memory_space<vmem>>, vector<16xf32>,
      %parallel_loop3A_163 = arith.addf %parallel_loop3A_162, %parallel_loop3A_156 : vector<16xf32>
      %parallel_loop3A_164 = arith.constant 0.000000e+00 : f32
      %parallel_loop3A_165 = vector.broadcast %parallel_loop3A_164 : f32 to vector<16xf32>
      %parallel_loop3A_166 = arith.maximumf %parallel_loop3A_163, %parallel_loop3A_165 : vector<16xf32>
      %parallel_loop3A_167 = arith.index_cast %parallel_loop3A_149 : i32 to index
      %parallel_loop3A_168 = arith.constant 0 : index
      %parallel_loop3A_169 = tpu.vector_load %arg16[%parallel_loop3A_167, %parallel_loop3A_168] {strides = array<i32>} : memref<40x128xf32, #tpu.memory_space<vmem>>, vector<16xf32>,
      tpu.vector_store %arg16[%parallel_loop3A_167, %parallel_loop3A_168], %parallel_loop3A_166 {strides = array<i32>} : memref<40x128xf32, #tpu.memory_space<vmem>>, vector<16xf32>,
      %parallel_loop3A_170 = arith.index_cast %parallel_loop3A_149 : i32 to index
      %parallel_loop3A_171 = arith.constant 16 : index
      %parallel_loop3A_172 = tpu.vector_load %arg16[%parallel_loop3A_170, %parallel_loop3A_171] {strides = array<i32>} : memref<40x128xf32, #tpu.memory_space<vmem>>, vector<16xf32>,
      %parallel_loop3A_173 = arith.addf %parallel_loop3A_172, %parallel_loop3A_159 : vector<16xf32>
      %parallel_loop3A_174 = arith.constant 0.000000e+00 : f32
      %parallel_loop3A_175 = vector.broadcast %parallel_loop3A_174 : f32 to vector<16xf32>
      %parallel_loop3A_176 = arith.maximumf %parallel_loop3A_173, %parallel_loop3A_175 : vector<16xf32>
      %parallel_loop3A_177 = arith.index_cast %parallel_loop3A_149 : i32 to index
      %parallel_loop3A_178 = arith.constant 16 : index
      %parallel_loop3A_179 = tpu.vector_load %arg16[%parallel_loop3A_177, %parallel_loop3A_178] {strides = array<i32>} : memref<40x128xf32, #tpu.memory_space<vmem>>, vector<16xf32>,
      tpu.vector_store %arg16[%parallel_loop3A_177, %parallel_loop3A_178], %parallel_loop3A_176 {strides = array<i32>} : memref<40x128xf32, #tpu.memory_space<vmem>>, vector<16xf32>,
      %parallel_loop3A_180 = arith.index_cast %parallel_loop3A_149 : i32 to index
      %parallel_loop3A_181 = arith.constant 16 : index
      %parallel_loop3A_182 = tpu.vector_load %arg13[%parallel_loop3A_180, %parallel_loop3A_181] {strides = array<i32>} : memref<40x64xi32, #tpu.memory_space<vmem>>, vector<16xi32>,
      %parallel_loop3A_183 = arith.constant 16 : i32
      %parallel_loop3A_184 = vector.broadcast %parallel_loop3A_183 : i32 to vector<16xi32>
      %parallel_loop3A_185 = arith.shli %parallel_loop3A_182, %parallel_loop3A_184 : vector<16xi32>
      %parallel_loop3A_186 = vector.bitcast %parallel_loop3A_185 : vector<16xi32> to vector<16xf32>
      %parallel_loop3A_187 = vector.broadcast %parallel_loop3A_116 : i32 to vector<16xi32>
      %parallel_loop3A_188 = arith.andi %parallel_loop3A_182, %parallel_loop3A_187 : vector<16xi32>
      %parallel_loop3A_189 = vector.bitcast %parallel_loop3A_188 : vector<16xi32> to vector<16xf32>
      %parallel_loop3A_190 = arith.index_cast %parallel_loop3A_149 : i32 to index
      %parallel_loop3A_191 = arith.constant 32 : index
      %parallel_loop3A_192 = tpu.vector_load %arg16[%parallel_loop3A_190, %parallel_loop3A_191] {strides = array<i32>} : memref<40x128xf32, #tpu.memory_space<vmem>>, vector<16xf32>,
      %parallel_loop3A_193 = arith.addf %parallel_loop3A_192, %parallel_loop3A_186 : vector<16xf32>
      %parallel_loop3A_194 = arith.constant 0.000000e+00 : f32
      %parallel_loop3A_195 = vector.broadcast %parallel_loop3A_194 : f32 to vector<16xf32>
      %parallel_loop3A_196 = arith.maximumf %parallel_loop3A_193, %parallel_loop3A_195 : vector<16xf32>
      %parallel_loop3A_197 = arith.index_cast %parallel_loop3A_149 : i32 to index
      %parallel_loop3A_198 = arith.constant 32 : index
      %parallel_loop3A_199 = tpu.vector_load %arg16[%parallel_loop3A_197, %parallel_loop3A_198] {strides = array<i32>} : memref<40x128xf32, #tpu.memory_space<vmem>>, vector<16xf32>,
      tpu.vector_store %arg16[%parallel_loop3A_197, %parallel_loop3A_198], %parallel_loop3A_196 {strides = array<i32>} : memref<40x128xf32, #tpu.memory_space<vmem>>, vector<16xf32>,
      %parallel_loop3A_200 = arith.index_cast %parallel_loop3A_149 : i32 to index
      %parallel_loop3A_201 = arith.constant 48 : index
      %parallel_loop3A_202 = tpu.vector_load %arg16[%parallel_loop3A_200, %parallel_loop3A_201] {strides = array<i32>} : memref<40x128xf32, #tpu.memory_space<vmem>>, vector<16xf32>,
      %parallel_loop3A_203 = arith.addf %parallel_loop3A_202, %parallel_loop3A_189 : vector<16xf32>
      %parallel_loop3A_204 = arith.constant 0.000000e+00 : f32
      %parallel_loop3A_205 = vector.broadcast %parallel_loop3A_204 : f32 to vector<16xf32>
      %parallel_loop3A_206 = arith.maximumf %parallel_loop3A_203, %parallel_loop3A_205 : vector<16xf32>
      %parallel_loop3A_207 = arith.index_cast %parallel_loop3A_149 : i32 to index
      %parallel_loop3A_208 = arith.constant 48 : index
      %parallel_loop3A_209 = tpu.vector_load %arg16[%parallel_loop3A_207, %parallel_loop3A_208] {strides = array<i32>} : memref<40x128xf32, #tpu.memory_space<vmem>>, vector<16xf32>,
      tpu.vector_store %arg16[%parallel_loop3A_207, %parallel_loop3A_208], %parallel_loop3A_206 {strides = array<i32>} : memref<40x128xf32, #tpu.memory_space<vmem>>, vector<16xf32>,
      %parallel_loop3A_210 = arith.index_cast %parallel_loop3A_149 : i32 to index
      %parallel_loop3A_211 = arith.constant 32 : index
      %parallel_loop3A_212 = tpu.vector_load %arg13[%parallel_loop3A_210, %parallel_loop3A_211] {strides = array<i32>} : memref<40x64xi32, #tpu.memory_space<vmem>>, vector<16xi32>,
      %parallel_loop3A_213 = arith.constant 16 : i32
      %parallel_loop3A_214 = vector.broadcast %parallel_loop3A_213 : i32 to vector<16xi32>
      %parallel_loop3A_215 = arith.shli %parallel_loop3A_212, %parallel_loop3A_214 : vector<16xi32>
      %parallel_loop3A_216 = vector.bitcast %parallel_loop3A_215 : vector<16xi32> to vector<16xf32>
      %parallel_loop3A_217 = vector.broadcast %parallel_loop3A_116 : i32 to vector<16xi32>
      %parallel_loop3A_218 = arith.andi %parallel_loop3A_212, %parallel_loop3A_217 : vector<16xi32>
      %parallel_loop3A_219 = vector.bitcast %parallel_loop3A_218 : vector<16xi32> to vector<16xf32>
      %parallel_loop3A_220 = arith.index_cast %parallel_loop3A_149 : i32 to index
      %parallel_loop3A_221 = arith.constant 64 : index
      %parallel_loop3A_222 = tpu.vector_load %arg16[%parallel_loop3A_220, %parallel_loop3A_221] {strides = array<i32>} : memref<40x128xf32, #tpu.memory_space<vmem>>, vector<16xf32>,
      %parallel_loop3A_223 = arith.addf %parallel_loop3A_222, %parallel_loop3A_216 : vector<16xf32>
      %parallel_loop3A_224 = arith.constant 0.000000e+00 : f32
      %parallel_loop3A_225 = vector.broadcast %parallel_loop3A_224 : f32 to vector<16xf32>
      %parallel_loop3A_226 = arith.maximumf %parallel_loop3A_223, %parallel_loop3A_225 : vector<16xf32>
      %parallel_loop3A_227 = arith.index_cast %parallel_loop3A_149 : i32 to index
      %parallel_loop3A_228 = arith.constant 64 : index
      %parallel_loop3A_229 = tpu.vector_load %arg16[%parallel_loop3A_227, %parallel_loop3A_228] {strides = array<i32>} : memref<40x128xf32, #tpu.memory_space<vmem>>, vector<16xf32>,
      tpu.vector_store %arg16[%parallel_loop3A_227, %parallel_loop3A_228], %parallel_loop3A_226 {strides = array<i32>} : memref<40x128xf32, #tpu.memory_space<vmem>>, vector<16xf32>,
      %parallel_loop3A_230 = arith.index_cast %parallel_loop3A_149 : i32 to index
      %parallel_loop3A_231 = arith.constant 80 : index
      %parallel_loop3A_232 = tpu.vector_load %arg16[%parallel_loop3A_230, %parallel_loop3A_231] {strides = array<i32>} : memref<40x128xf32, #tpu.memory_space<vmem>>, vector<16xf32>,
      %parallel_loop3A_233 = arith.addf %parallel_loop3A_232, %parallel_loop3A_219 : vector<16xf32>
      %parallel_loop3A_234 = arith.constant 0.000000e+00 : f32
      %parallel_loop3A_235 = vector.broadcast %parallel_loop3A_234 : f32 to vector<16xf32>
      %parallel_loop3A_236 = arith.maximumf %parallel_loop3A_233, %parallel_loop3A_235 : vector<16xf32>
      %parallel_loop3A_237 = arith.index_cast %parallel_loop3A_149 : i32 to index
      %parallel_loop3A_238 = arith.constant 80 : index
      %parallel_loop3A_239 = tpu.vector_load %arg16[%parallel_loop3A_237, %parallel_loop3A_238] {strides = array<i32>} : memref<40x128xf32, #tpu.memory_space<vmem>>, vector<16xf32>,
      tpu.vector_store %arg16[%parallel_loop3A_237, %parallel_loop3A_238], %parallel_loop3A_236 {strides = array<i32>} : memref<40x128xf32, #tpu.memory_space<vmem>>, vector<16xf32>,
      %parallel_loop3A_240 = arith.index_cast %parallel_loop3A_149 : i32 to index
      %parallel_loop3A_241 = arith.constant 48 : index
      %parallel_loop3A_242 = tpu.vector_load %arg13[%parallel_loop3A_240, %parallel_loop3A_241] {strides = array<i32>} : memref<40x64xi32, #tpu.memory_space<vmem>>, vector<16xi32>,
      %parallel_loop3A_243 = arith.constant 16 : i32
      %parallel_loop3A_244 = vector.broadcast %parallel_loop3A_243 : i32 to vector<16xi32>
      %parallel_loop3A_245 = arith.shli %parallel_loop3A_242, %parallel_loop3A_244 : vector<16xi32>
      %parallel_loop3A_246 = vector.bitcast %parallel_loop3A_245 : vector<16xi32> to vector<16xf32>
      %parallel_loop3A_247 = vector.broadcast %parallel_loop3A_116 : i32 to vector<16xi32>
      %parallel_loop3A_248 = arith.andi %parallel_loop3A_242, %parallel_loop3A_247 : vector<16xi32>
      %parallel_loop3A_249 = vector.bitcast %parallel_loop3A_248 : vector<16xi32> to vector<16xf32>
      %parallel_loop3A_250 = arith.index_cast %parallel_loop3A_149 : i32 to index
      %parallel_loop3A_251 = arith.constant 96 : index
      %parallel_loop3A_252 = tpu.vector_load %arg16[%parallel_loop3A_250, %parallel_loop3A_251] {strides = array<i32>} : memref<40x128xf32, #tpu.memory_space<vmem>>, vector<16xf32>,
      %parallel_loop3A_253 = arith.addf %parallel_loop3A_252, %parallel_loop3A_246 : vector<16xf32>
      %parallel_loop3A_254 = arith.constant 0.000000e+00 : f32
      %parallel_loop3A_255 = vector.broadcast %parallel_loop3A_254 : f32 to vector<16xf32>
      %parallel_loop3A_256 = arith.maximumf %parallel_loop3A_253, %parallel_loop3A_255 : vector<16xf32>
      %parallel_loop3A_257 = arith.index_cast %parallel_loop3A_149 : i32 to index
      %parallel_loop3A_258 = arith.constant 96 : index
      %parallel_loop3A_259 = tpu.vector_load %arg16[%parallel_loop3A_257, %parallel_loop3A_258] {strides = array<i32>} : memref<40x128xf32, #tpu.memory_space<vmem>>, vector<16xf32>,
      tpu.vector_store %arg16[%parallel_loop3A_257, %parallel_loop3A_258], %parallel_loop3A_256 {strides = array<i32>} : memref<40x128xf32, #tpu.memory_space<vmem>>, vector<16xf32>,
      %parallel_loop3A_260 = arith.index_cast %parallel_loop3A_149 : i32 to index
      %parallel_loop3A_261 = arith.constant 112 : index
      %parallel_loop3A_262 = tpu.vector_load %arg16[%parallel_loop3A_260, %parallel_loop3A_261] {strides = array<i32>} : memref<40x128xf32, #tpu.memory_space<vmem>>, vector<16xf32>,
      %parallel_loop3A_263 = arith.addf %parallel_loop3A_262, %parallel_loop3A_249 : vector<16xf32>
      %parallel_loop3A_264 = arith.constant 0.000000e+00 : f32
      %parallel_loop3A_265 = vector.broadcast %parallel_loop3A_264 : f32 to vector<16xf32>
      %parallel_loop3A_266 = arith.maximumf %parallel_loop3A_263, %parallel_loop3A_265 : vector<16xf32>
      %parallel_loop3A_267 = arith.index_cast %parallel_loop3A_149 : i32 to index
      %parallel_loop3A_268 = arith.constant 112 : index
      %parallel_loop3A_269 = tpu.vector_load %arg16[%parallel_loop3A_267, %parallel_loop3A_268] {strides = array<i32>} : memref<40x128xf32, #tpu.memory_space<vmem>>, vector<16xf32>,
      tpu.vector_store %arg16[%parallel_loop3A_267, %parallel_loop3A_268], %parallel_loop3A_266 {strides = array<i32>} : memref<40x128xf32, #tpu.memory_space<vmem>>, vector<16xf32>,
    } {sc.loop_unroll_factor = 2 : i64, sc.parallel_access}
    %dma_wait3A_117 = arith.constant 0 : i32
    %dma_wait3A_118 = arith.constant 0 : i32
    %dma_wait3A_119 = tpu.memref_slice %arg5[%dma_wait3A_118] : memref<320000xi32, #tpu.memory_space<hbm>> -> memref<40xi32, #tpu.memory_space<hbm>>
    %dma_wait3A_120 = tpu.memref_slice %arg23[%dma_wait3A_117] : memref<3x!tpu.dma_semaphore, #tpu.memory_space<semaphore_mem>> -> memref<1x!tpu.dma_semaphore, #tpu.memory_space<semaphore_mem>>
    %dma_wait3A_121 = tpu.memref_squeeze %dma_wait3A_120 : memref<1x!tpu.dma_semaphore, #tpu.memory_space<semaphore_mem>> -> memref<!tpu.dma_semaphore, #tpu.memory_space<semaphore_mem>>
    %dma_wait3A_122 = arith.constant 0 : i32
    %dma_wait3A_123 = tpu.memref_slice %arg5[%dma_wait3A_122] : memref<320000xi32, #tpu.memory_space<hbm>> -> memref<40xi32, #tpu.memory_space<hbm>>
    tpu.wait_dma2 semaphore(%dma_wait3A_121 : memref<!tpu.dma_semaphore, #tpu.memory_space<semaphore_mem>>) src(%dma_wait3A_123 : memref<40xi32, #tpu.memory_space<hbm>>) dst(%arg10 : memref<40xi32, #tpu.memory_space<vmem>>)
    %dma_start3A_124 = arith.constant 0 : i32
    %dma_start3A_125 = arith.constant 0 : i32
    %dma_start3A_126 = arith.constant 0 : i32
    %dma_start3A_127 = tpu.memref_slice %arg19[%dma_start3A_125, %dma_start3A_126] : memref<10240x128xf32, #tpu.memory_space<vmem_shared>> -> memref<10240x128xf32, #tpu.memory_space<vmem_shared>>
    %dma_start3A_128 = tpu.memref_slice %arg22[%dma_start3A_124] : memref<3x!tpu.dma_semaphore, #tpu.memory_space<semaphore_mem>> -> memref<1x!tpu.dma_semaphore, #tpu.memory_space<semaphore_mem>>
    %dma_start3A_129 = tpu.memref_squeeze %dma_start3A_128 : memref<1x!tpu.dma_semaphore, #tpu.memory_space<semaphore_mem>> -> memref<!tpu.dma_semaphore, #tpu.memory_space<semaphore_mem>>
    tpu.enqueue_indirect_dma source(%arg16 : memref<40x128xf32, #tpu.memory_space<vmem>>) target(%dma_start3A_127 : memref<10240x128xf32, #tpu.memory_space<vmem_shared>>) offsets(%arg10 : memref<40xi32, #tpu.memory_space<vmem>>) semaphore(%dma_start3A_129 : memref<!tpu.dma_semaphore, #tpu.memory_space<semaphore_mem>>) {add = true}
    %dma_wait3A_130 = arith.constant 1 : i32
    %dma_wait3A_131 = arith.constant 0 : i32
    %dma_wait3A_132 = arith.constant 0 : i32
    %dma_wait3A_133 = tpu.memref_slice %arg19[%dma_wait3A_131, %dma_wait3A_132] : memref<10240x128xf32, #tpu.memory_space<vmem_shared>> -> memref<10240x128xf32, #tpu.memory_space<vmem_shared>>
    %dma_wait3A_134 = tpu.memref_slice %arg22[%dma_wait3A_130] : memref<3x!tpu.dma_semaphore, #tpu.memory_space<semaphore_mem>> -> memref<1x!tpu.dma_semaphore, #tpu.memory_space<semaphore_mem>>
    %dma_wait3A_135 = tpu.memref_squeeze %dma_wait3A_134 : memref<1x!tpu.dma_semaphore, #tpu.memory_space<semaphore_mem>> -> memref<!tpu.dma_semaphore, #tpu.memory_space<semaphore_mem>>
    tpu.wait_indirect_dma semaphore(%dma_wait3A_135 : memref<!tpu.dma_semaphore, #tpu.memory_space<semaphore_mem>>) src(%arg17 : memref<40x128xf32, #tpu.memory_space<vmem>>) dst(%dma_wait3A_133 : memref<10240x128xf32, #tpu.memory_space<vmem_shared>>)
    %dma_wait3A_136 = arith.constant 0 : i32
    %dma_wait3A_137 = arith.constant 0 : i32
    %dma_wait3A_138 = arith.constant 0 : i32
    %dma_wait3A_139 = tpu.memref_slice %arg19[%dma_wait3A_137, %dma_wait3A_138] : memref<10240x128xf32, #tpu.memory_space<vmem_shared>> -> memref<10240x128xf32, #tpu.memory_space<vmem_shared>>
    %dma_wait3A_140 = tpu.memref_slice %arg22[%dma_wait3A_136] : memref<3x!tpu.dma_semaphore, #tpu.memory_space<semaphore_mem>> -> memref<1x!tpu.dma_semaphore, #tpu.memory_space<semaphore_mem>>
    %dma_wait3A_141 = tpu.memref_squeeze %dma_wait3A_140 : memref<1x!tpu.dma_semaphore, #tpu.memory_space<semaphore_mem>> -> memref<!tpu.dma_semaphore, #tpu.memory_space<semaphore_mem>>
    tpu.wait_indirect_dma semaphore(%dma_wait3A_141 : memref<!tpu.dma_semaphore, #tpu.memory_space<semaphore_mem>>) src(%arg16 : memref<40x128xf32, #tpu.memory_space<vmem>>) dst(%dma_wait3A_139 : memref<10240x128xf32, #tpu.memory_space<vmem_shared>>)
    %barrier3A_142 = arith.constant 0 : index
    tpu.barrier barrier_id(%barrier3A_142)
    %scan3A_143 = arith.constant 0 : i32
    %scan3A_144 = arith.constant 0 : i32
    %scan3A_145 = arith.constant 5 : i32
    %scan3A_146 = arith.addi %scan3A_144, %scan3A_145 : i32
    %scan3A_147 = arith.constant 1 : i32
    scf.for %scan3A_149 = %scan3A_144 to %scan3A_146 step %scan3A_147  : i32 {
      %mul3A_150 = arith.constant 128 : i32
      %mul3A_151 = arith.muli %scan3A_149, %mul3A_150 : i32
      %add3A_152 = arith.addi %mul3A_4, %mul3A_151 : i32
      "tpu.region"() ({
        %run_scoped3A = tpu.sem_alloc : memref<!tpu.dma_semaphore, #tpu.memory_space<semaphore_mem>>
        %dma_start3A_153 = arith.constant 0 : i32
        %dma_start3A_154 = tpu.memref_slice %arg6[%arg0, %add3A_152, %dma_start3A_153] : memref<2x10240x128xf32, #tpu.memory_space<hbm>> -> memref<1x128x128xf32, #tpu.memory_space<hbm>>
        %dma_start3A_155 = tpu.memref_squeeze %dma_start3A_154 : memref<1x128x128xf32, #tpu.memory_space<hbm>> -> memref<128x128xf32, #tpu.memory_space<hbm>>
        %dma_start3A_156 = arith.constant 0 : i32
        %dma_start3A_157 = tpu.memref_slice %arg19[%add3A_152, %dma_start3A_156] : memref<10240x128xf32, #tpu.memory_space<vmem_shared>> -> memref<128x128xf32, #tpu.memory_space<vmem_shared>>
        tpu.enqueue_dma source(%dma_start3A_157 : memref<128x128xf32, #tpu.memory_space<vmem_shared>>) target(%dma_start3A_155 : memref<128x128xf32, #tpu.memory_space<hbm>>) target_semaphore(%run_scoped3A : memref<!tpu.dma_semaphore, #tpu.memory_space<semaphore_mem>>)
        %dma_wait3A_158 = arith.constant 0 : i32
        %dma_wait3A_159 = tpu.memref_slice %arg6[%arg0, %add3A_152, %dma_wait3A_158] : memref<2x10240x128xf32, #tpu.memory_space<hbm>> -> memref<1x128x128xf32, #tpu.memory_space<hbm>>
        %dma_wait3A_160 = tpu.memref_squeeze %dma_wait3A_159 : memref<1x128x128xf32, #tpu.memory_space<hbm>> -> memref<128x128xf32, #tpu.memory_space<hbm>>
        %dma_wait3A_161 = arith.constant 0 : i32
        %dma_wait3A_162 = tpu.memref_slice %arg19[%add3A_152, %dma_wait3A_161] : memref<10240x128xf32, #tpu.memory_space<vmem_shared>> -> memref<128x128xf32, #tpu.memory_space<vmem_shared>>
        tpu.wait_dma2 semaphore(%run_scoped3A : memref<!tpu.dma_semaphore, #tpu.memory_space<semaphore_mem>>) src(%dma_wait3A_162 : memref<128x128xf32, #tpu.memory_space<vmem_shared>>) dst(%dma_wait3A_160 : memref<128x128xf32, #tpu.memory_space<hbm>>)
        tpu.yield
      }) : () -> ()
    }
    %scan3A_148 = arith.constant 5 : i32
    return
  }
}

</mosaic_0001>

<sc_bundles>
// kernel: gine_sc_aggr.3.cloned.1.call-start
scs
__scs_entry_jumppad:
0x0: {  	(pc) =	sbr.rel $0x88, $3  }
0x1: {  	(tag) =	ssettag $0x0;
	lr =	simm.s32 $0x1  }
0x2: {  	[smem:$0x3F9D] =	sst lr;
	_ =	strace $0xD0000000  }
0x3: {  	_ = 	snop  }
0x4: {  	_ = 	snop  }
0x5: {  	_ = 	snop  }
0x6: {  	_ = 	snop  }
0x7: {  	_ = 	snop  }
__scs_overlays_trampoline_lowered:
0x8: {  	[smem:$0x3FAC] =	sst s0  }
0x9: {  	[smem:$0x3FAD] =	sst s1  }
0xa: {  	[smem:$0x3FAE] =	sst s2  }
0xb: {  	[smem:$0x3FAF] =	sst s3  }
0xc: {  	[smem:$0x3FB0] =	sst s4  }
0xd: {  	[smem:$0x3FB1] =	sst s5  }
0xe: {  	[smem:$0x3FB2] =	sst s6  }
0xf: {  	[smem:$0x3FB3] =	sst s7  }
0x10: {  	[smem:$0x3FB4] =	sst s8  }
0x11: {  	[smem:$0x3FB5] =	sst s9;
	s0 =	simm.s32 @!p0 $0x0  }
0x12: {  	s1 =	sld [smem:$0x3F9B];
	s0 =	simm.s32 @p0 $0x1  }
0x13: {  	[smem:$0x3FB6] =	sst s0;
	s0 =	simm.s32 @!p1 $0x0  }
0x14: {  	s2 =	sld [smem:$0x3F9A];
	s0 =	simm.s32 @p1 $0x1  }
0x15: {  	[smem:$0x3FB7] =	sst s0;
	s0 =	simm.s32 @!p2 $0x0  }
0x16: {  	s3 =	sld [smem:$0x3FDB];
	s0 =	simm.s32 @p2 $0x1  }
0x17: {  	s4 =	simm.s32 $0x1BF5;
	[smem:$0x3FB9] =	sst s0  }
0x18: {  	s0 =	sld [smem:$0x3F9C];
	_ =	swait.ge [sflag:s4], $0x0  }
0x19: {  	s7 =	sld [smem:$0x3F9D]  }
0x1a: {  	s8 =	sadd.s32 $0xFFFFE003, lr  }
0x1b: {  	s9 =	sadd.s32 $0xFFFFFEF7, lr;
	s5 =	simm.s32 $0xFFFFFFFF;
	p2 =	slt.u32 s8, $0xFFFFF086  }
0x1c: {  	p1 =	slt.u32 s9, $0xF7A;
	s5 =	simm.s32 @!p2 $0x0  }
0x1d: {  	s5 =	simm.s32 @p1 $0x1;
	p0 =	seq.s32 s7, s2  }
0x1e: {  	s7 =	smul.u32 @!p0 $0xF7A, s2;
	p2 =	seq.s32 @!p0 s5, $0x0  }
0x1f: {  	s9 =	smul.u32 $0xF7A, s1;
	s8 =	simm.s32 @!p0 $0x1BF5;
	p2 =	por !p2, p0  }
0x20: {  	[sflag:s8] =	ssyncset.s32 @!p0 $0xFFFFF086;
	s6 =	sadd.s32 @!p0 s3, s7;
	s7 =	simm.s32 @!p0 $0x108  }
0x21: {  	s3 =	sadd.s32 s3, s9;
	s6 =	sadd.s32 @!p0 $0x88, s6;
	s7 =	simm.s32 @p2 $0x1082  }
0x22: {  	[simem:s7], [sflag:s8] =	dma.local @!p0 [hbm:s6], $0xF7A  }
0x23: {  	s9 =	sor.u32 $0xD0000000, s2;
	s6 =	simm.s32 $0x108;
	_ =	swait.ge @!p0 [sflag:s8], $0x0  }
0x24: {  	s3 =	sadd.s32 $0x88, s3;
	s6 =	simm.s32 @!p1 $0x1082;
	[sflag:s4] =	ssyncset.s32 $0xFFFFF086  }
0x25: {  	[simem:s6], [sflag:s4] =	dma.local [hbm:s3], $0xF7A  }
0x26: {  	[smem:$0x3F9D] =	sst s1;
	(tag) =	ssettag s2;
	_ =	strace s9  }
0x27: {  	s1 =	sld [smem:$0x3FAD]  }
0x28: {  	s2 =	sld [smem:$0x3FAE]  }
0x29: {  	s4 =	sld [smem:$0x3FB0]  }
0x2a: {  	p0 =	seq.s32 s5, $0x0;
	s5 =	sld [smem:$0x3FB1]  }
0x2b: {  	s6 =	sld [smem:$0x3FB2]  }
0x2c: {  	s7 =	sld [smem:$0x3FB3]  }
0x2d: {  	s3 =	simm.s32 $0x108;
	s8 =	sld [smem:$0x3FB4]  }
0x2e: {  	s3 =	simm.s32 @!p0 $0x1082;
	s9 =	sld [smem:$0x3FB5]  }
0x2f: {  	lr =	sadd.s32 s0, s3;
	s0 =	sld [smem:$0x3FAC]  }
0x30: {  	s3 =	sld [smem:$0x3FAF]  }
0x31: {  	[smem:$0x3FB8] =	sst s10  }
0x32: {  	s10 =	sld [smem:$0x3FB6];
	_ =	sdelay $0x3  }
0x33: {  	p0 =	seq.s32 s10, $0x1;
	s10 =	sld [smem:$0x3FB8];
	_ =	sdelay $0x3  }
0x34: {  	[smem:$0x3FB8] =	sst s10  }
0x35: {  	s10 =	sld [smem:$0x3FB7];
	_ =	sdelay $0x3  }
0x36: {  	p1 =	seq.s32 s10, $0x1;
	s10 =	sld [smem:$0x3FB8];
	_ =	sdelay $0x3  }
0x37: {  	[smem:$0x3FB8] =	sst s10  }
0x38: {  	s10 =	sld [smem:$0x3FB9]  }
0x39: {  	_ = 	snop;
	(pc) =	sbr.ind lr, $3  }
0x3a: {  	_ = 	snop  }
0x3b: {  	_ = 	snop  }
0x3c: {  	p2 =	seq.s32 s10, $0x1;
	s10 =	sld [smem:$0x3FB8]  }
0x3d: {  	_ =	shalt  }
0x3e: {  	_ =	shalt  }
0x3f: {  	_ =	shalt  }
0x40: {  	_ =	shalt  }
0x41: {  	_ =	shalt  }
0x42: {  	_ =	shalt  }
0x43: {  	_ =	shalt  }
0x44: {  	_ =	shalt  }
0x45: {  	_ =	shalt  }
0x46: {  	_ =	shalt  }
0x47: {  	_ =	shalt  }
0x48: {  	_ =	shalt  }
0x49: {  	_ =	shalt  }
0x4a: {  	_ =	shalt  }
0x4b: {  	_ =	shalt  }
0x4c: {  	_ =	shalt  }
0x4d: {  	_ =	shalt  }
0x4e: {  	_ =	shalt  }
0x4f: {  	_ =	shalt  }
0x50: {  	_ =	shalt  }
0x51: {  	_ =	shalt  }
0x52: {  	_ =	shalt  }
0x53: {  	_ =	shalt  }
0x54: {  	_ =	shalt  }
0x55: {  	_ =	shalt  }
0x56: {  	_ =	shalt  }
0x57: {  	_ =	shalt  }
0x58: {  	_ =	shalt  }
0x59: {  	_ =	shalt  }
0x5a: {  	_ =	shalt  }
0x5b: {  	_ =	shalt  }
0x5c: {  	_ =	shalt  }
0x5d: {  	_ =	shalt  }
0x5e: {  	_ =	shalt  }
0x5f: {  	_ =	shalt  }
0x60: {  	_ =	shalt  }
0x61: {  	_ =	shalt  }
0x62: {  	_ =	shalt  }
0x63: {  	_ =	shalt  }
0x64: {  	_ =	shalt  }
0x65: {  	_ =	shalt  }
0x66: {  	_ =	shalt  }
0x67: {  	_ =	shalt  }
0x68: {  	_ =	shalt  }
0x69: {  	_ =	shalt  }
0x6a: {  	_ =	shalt  }
0x6b: {  	_ =	shalt  }
0x6c: {  	_ =	shalt  }
0x6d: {  	_ =	shalt  }
0x6e: {  	_ =	shalt  }
0x6f: {  	_ =	shalt  }
0x70: {  	_ =	shalt  }
0x71: {  	_ =	shalt  }
0x72: {  	_ =	shalt  }
0x73: {  	_ =	shalt  }
0x74: {  	_ =	shalt  }
0x75: {  	_ =	shalt  }
0x76: {  	_ =	shalt  }
0x77: {  	_ =	shalt  }
0x78: {  	_ =	shalt  }
0x79: {  	_ =	shalt  }
0x7a: {  	_ =	shalt  }
0x7b: {  	_ =	shalt  }
0x7c: {  	_ =	shalt  }
0x7d: {  	_ =	shalt  }
0x7e: {  	_ =	shalt  }
0x7f: {  	_ =	shalt  }
0x80: {  	_ =	shalt  }
0x81: {  	_ =	shalt  }
0x82: {  	_ =	shalt  }
0x83: {  	_ =	shalt  }
0x84: {  	_ =	shalt  }
0x85: {  	_ =	shalt  }
0x86: {  	_ =	shalt  }
0x87: {  	_ =	shalt  }
.Lfunc_end0:
.L_simem_size_0:
called_computation_lowered:
.L_overlay_start_0:
0x88: {  	s2 =	sld [smem:$0x3FD9]  }
0x89: {  	s3 =	sld [smem:$0x3FFE];
	_ =	sdelay $0x1  }
0x8a: {  	s1 =	srdreg.scid  }
0x8b: {  	s0 =	sand.u32 $0x1, s1  }
0x8c: {  	s17 =	sshll.u32 s0, $0xA;
	s2 =	sadd.s32 s3, s2  }
0x8d: {  	s2 =	sadd.s32 s2, s17  }
0x8e: {  	[smem:$0x3FC4] =	sst s2  }
0x8f: {  	_ = 	snop  }
0x90: {  	s2 =	sld [smem:$0x3FC9]  }
0x91: {  	s18 =	sld [smem:$0x3FC7]  }
0x92: {  	s4 =	sld [smem:$0x3FC6]  }
0x93: {  	s5 =	sld [smem:$0x3FD0];
	(tm) =	ssettm $0x1  }
0x94: {  	s6 =	sld [smem:$0x3FFB];
	_ =	sdelay $0x3  }
0x95: {  	_ =	strace s6  }
0x96: {  	s6 =	sld [smem:$0x3FFC];
	_ =	sdelay $0x3  }
0x97: {  	_ =	strace s6  }
0x98: {  	s6 =	sld [smem:$0x3FFD];
	_ =	sdelay $0x3  }
0x99: {  	_ =	strace s6  }
0x9a: {  	_ =	strace $0x8FFFFFFF  }
0x9b: {  	s19 =	sld [smem:$0x3FDB];
	_ =	sdelay $0x1  }
0x9c: {  	s7 =	simm.s32 $_scs_section_size  }
0x9d: {  	s8 =	simm.s32 $_size__tile_overlayer_lowered;
	s9 =	simm.s32 $_tile_overlayer_lowered  }
0x9e: {  	s22 =	simm.s32 $0x1BFF;
	s21 =	sshll.u32 s9, $0x1;
	s6 =	sadd.s32 s7, s19  }
0x9f: {  	s10 =	simm.s32 $0x0;
	s20 =	sshll.u32 s8, $0x1;
	s8 =	sadd.s32 s21, s6  }
0xa0: {  	[timem:s10], [sflag:s22] =	dma.local [hbm:s8], s20  }
0xa1: {  	_ =	swait.ge [sflag:s22], s20  }
0xa2: {  	s7 =	ssub.s32 $0x0, s20;
	[sflag:s22] =	ssyncset.done $0x0  }
0xa3: {  	[sflag:s22] =	ssyncadd.s32 s7;
	_ =	sdelay $0x1  }
0xa4: {  	s23 =	simm.s32 $0x1B8B  }
0xa5: {  	_ =	swait.ge [sflag:s23], $0x1  }
0xa6: {  	[sflag:s23] =	ssyncset.done $0x0  }
0xa7: {  	s25 =	simm.s32 $0x1B8E;
	s24 =	sld [smem:$0x3FFE];
	[sflag:s23] =	ssyncadd.s32 $0xFFFFFFFF  }
0xa8: {  	s26 =	simm.s32 $execute0_lowered;
	[smem:$0x3FD2] =	sst s25  }
0xa9: {  	s8 =	sshll.u32 s26, $0x1;
	_ =	strace $0x80000046;
	[dreg:$0x1] =	wrdreg $0xFFFFFFFF  }
0xaa: {  	s28 =	simm.s32 $_size_execute0_lowered;
	s6 =	sadd.s32 s6, s8;
	[dreg:$0x0] =	wrdreg $0x0  }
0xab: {  	s8 =	sshll.u32 s28, $0x1;
	[dreg:$0x2] =	wrdreg s6  }
0xac: {  	[dreg:$0x3] =	wrdreg s8  }
0xad: {  	[dreg:$0x4] =	wrdreg $0xC0  }
0xae: {  	_ =	task [dreg:s10], $0x5FFFF  }
0xaf: {  	[dreg:$0x1] =	wrdreg $0xFFFFFFFF  }
0xb0: {  	[dreg:$0x0] =	wrdreg $0x60  }
0xb1: {  	[dreg:$0x2] =	wrdreg s2  }
0xb2: {  	[dreg:$0x3] =	wrdreg s24  }
0xb3: {  	[dreg:$0x4] =	wrdreg s18  }
0xb4: {  	[dreg:$0x5] =	wrdreg s4  }
0xb5: {  	[dreg:$0x6] =	wrdreg s5  }
0xb6: {  	[dreg:$0x7] =	wrdreg $0x7B000  }
0xb7: {  	[dreg:$0x8] =	wrdreg $0x9  }
0xb8: {  	_ =	task.clear_ibuf [dreg:s10], $0x9FFFF;
	_ =	strace $0x90000046  }
0xb9: {  	s29 =	simm.s32 $0x9;
	_ =	strace $0x80000048  }
0xba: {  	_ =	swait.ge [sflag:s29], $0x1  }
0xbb: {  	[sflag:s29] =	ssyncadd.s32 $0xFFFFFFFF  }
0xbc: {  	_ =	strace $0x90000048  }
0xbd: {  	_ =	sfence  }
0xbe: {  	s30 =	sld [smem:$0x0];
	_ =	sdelay $0x2  }
0xbf: {  	s31 =	sshll.u32 s1, $0xD;
	s1 =	sshrl.u32 s1, $0x2  }
0xc0: {  	s3 =	sand.u32 $0x4000, s31;
	s1 =	sadd.s32 s1, s30  }
0xc1: {  	s0 =	sor.u32 s3, s0;
	s1 =	sshll.u32 s1, $0x11  }
0xc2: {  	s0 =	sor.u32 s1, s0  }
0xc3: {  	s0 =	sadd.s32 $0x8F2B, s0  }
0xc4: {  	[sflag:s0] =	ssyncadd.remote.s32 $0x1  }
0xc5: {  	_ =	sfence.sel $0xFFFF  }
0xc6: {  	[dreg:$0x0] =	wrdreg $0xFFFFFFFF;
	(pc) =	sbr.abs _section_cstart, $3  }
0xc7: {  	[dreg:$0x1] =	wrdreg $0xFFFFFFFF  }
0xc8: {  	_ =	task.clear_ibuf [dreg:s10], $0x2FFFF;
	_ =	strace $0x9FFFFFFF  }
0xc9: {  	(tm) =	ssettm $0x7FFFFFFF  }
tec
execute0_lowered:
.L_overlay_start_1:
0x0: {  	(tag) =	ssettag $0x1  }
0x1: {  	s0 =	rddreg [dreg:$0x0]  }
0x2: {  	s3 =	rddreg [dreg:$0x1]  }
0x3: {  	s1 =	rddreg [dreg:$0x2]  }
0x4: {  	s2 =	rddreg [dreg:$0x3]  }
0x5: {  	s4 =	srdreg.scid;
	s7 =	rddreg [dreg:$0x4]  }
0x6: {  	s5 =	rddreg [dreg:$0x5];
	s18 =	stileid.u32;
	s6 =	simm.s32 $0x0  }
0x7: {  	s4 =	sand.u32 $0x1, s4;
	[smem:$0x7FF] =	sst s6;
	s12 =	smul.u32 $0x14000, s18  }
0x8: {  	s8 =	sshll.u32 s4, $0x4;
	_ =	strace $0x80000047;
	s14 =	ssub.s32 $0x2, s4  }
0x9: {  	s4 =	smul.u32 $0x140000, s4;
	s9 =	sor.u32 s18, s8;
	s8 =	sadd.s32 $0x400, s3  }
0xa: {  	s10 =	sshrl.u32 s14, $0x1;
	s23 =	sadd.s32 $0x8000, s12;
	s19 =	smul.u32 $0x2710, s9  }
0xb: {  	s3 =	ssub.s32 s14, s10;
	s13 =	sadd.s32 s4, s12;
	s14 =	sadd.s32 $0x4000, s12  }
0xc: {  	s26 =	smul.u32 $0x138800, s9;
	s17 =	sshrl.u32 s13, $0x3;
	s3 =	smax.u32 s3, $0x1  }
0xd: {  	s21 =	sadd.s32 s4, s14;
	s20 =	sadd.s32 $0x28, s19;
	[dreg:$0x15] =	wrdreg s3  }
0xe: {  	s13 =	sadd.s32 $0xC000, s12;
	[dreg:$0x7] =	wrdreg s19;
	s11 =	sshrl.u32 s20, $0x3  }
0xf: {  	s12 =	sadd.s32 $0x10000, s12;
	[dreg:$0x8] =	wrdreg s20;
	s15 =	sadd.s32 s1, s11  }
0x10: {  	s22 =	sshrl.u32 s21, $0x3;
	s11 =	sadd.s32 $0x50, s19;
	[dreg:$0x9] =	wrdreg s15  }
0x11: {  	s16 =	sshrl.u32 s11, $0x3;
	s15 =	smul.u32 $0x27100, s9;
	s9 =	sadd.s32 $0xA0, s19  }
0x12: {  	s10 =	sadd.s32 s1, s16;
	s16 =	sadd.s32 s4, s23;
	[dreg:$0x1d] =	wrdreg s9  }
0x13: {  	[dreg:$0xa] =	wrdreg s10;
	s10 =	sadd.s32 s7, s17;
	s17 =	sadd.s32 s4, s13  }
0x14: {  	s16 =	sshrl.u32 s16, $0x3;
	s31 =	sadd.s32 s8, s15;
	[dreg:$0xb] =	wrdreg s10  }
0x15: {  	s4 =	sadd.s32 s4, s12;
	s10 =	sadd.s32 s7, s22;
	[dreg:$0x10] =	wrdreg s31  }
0x16: {  	s17 =	sshrl.u32 s17, $0x3;
	s16 =	sadd.s32 s7, s16;
	[dreg:$0xc] =	wrdreg s10  }
0x17: {  	s4 =	sshrl.u32 s4, $0x3;
	[dreg:$0xd] =	wrdreg s16;
	s24 =	sadd.s32 s7, s17  }
0x18: {  	s22 =	sadd.s32 s14, s5;
	s4 =	sadd.s32 s7, s4;
	[dreg:$0xe] =	wrdreg s24  }
0x19: {  	s23 =	sadd.s32 s23, s5;
	s3 =	sshrl.u32 s22, $0x3;
	[dreg:$0xf] =	wrdreg s4  }
0x1a: {  	s7 =	sshrl.u32 s26, $0x3;
	s26 =	sshrl.u32 s23, $0x3;
	[dreg:$0x18] =	wrdreg s3  }
0x1b: {  	s25 =	sshll.u32 s20, $0x4;
	s10 =	sadd.s32 $0xC8, s19;
	[dreg:$0x19] =	wrdreg s26  }
0x1c: {  	s15 =	sadd.s32 $0x26E8, s19;
	s4 =	sadd.s32 s8, s25;
	[dreg:$0x1e] =	wrdreg s10  }
0x1d: {  	s17 =	sshrl.u32 s19, $0x3;
	s7 =	sadd.s32 $0x500, s7;
	[dreg:$0x11] =	wrdreg s4  }
0x1e: {  	s20 =	sadd.s32 s1, s17;
	s24 =	sadd.s32 s13, s5;
	[dreg:$0x12] =	wrdreg s7  }
0x1f: {  	s16 =	smul.u32 $0x50000, s18;
	[dreg:$0x14] =	wrdreg s20;
	s31 =	sshrl.u32 s24, $0x3  }
0x20: {  	s4 =	sshrl.u32 s15, $0x3;
	s7 =	sadd.s32 $0x78, s19;
	[dreg:$0x1a] =	wrdreg s31  }
0x21: {  	s18 =	sshrl.u32 s16, $0x2;
	s4 =	sadd.s32 s2, s4;
	[dreg:$0x1c] =	wrdreg s7  }
0x22: {  	s16 =	sadd.s32 s18, s5;
	[dreg:$0x13] =	wrdreg s4  }
0x23: {  	s25 =	sadd.s32 s12, s5;
	s12 =	sadd.s32 $0x1400, s16;
	[dreg:$0x16] =	wrdreg s16  }
0x24: {  	s13 =	sadd.s32 $0x2800, s16;
	[dreg:$0x1f] =	wrdreg s12  }
0x25: {  	s14 =	sadd.s32 $0x3C00, s16;
	[smem:$0x7F0] =	sst s13  }
0x26: {  	s15 =	sadd.s32 $0x5000, s16;
	[smem:$0x7F1] =	sst s14  }
0x27: {  	s4 =	sadd.s32 s2, s17;
	s17 =	sadd.s32 $0x6400, s16;
	[smem:$0x7F2] =	sst s15  }
0x28: {  	s18 =	sadd.s32 $0x7800, s16;
	[smem:$0x7F3] =	sst s17  }
0x29: {  	s19 =	sadd.s32 $0x8C00, s16;
	[smem:$0x7F4] =	sst s18  }
0x2a: {  	s20 =	sadd.s32 $0xA000, s16;
	[smem:$0x7F5] =	sst s19  }
0x2b: {  	s30 =	simm.s32 $0x3F00;
	s22 =	sadd.s32 $0xC800, s16;
	[smem:$0x7F6] =	sst s20  }
0x2c: {  	s28 =	simm.s32 $0x200;
	s23 =	sadd.s32 $0xDC00, s16;
	[smem:$0x7F8] =	sst s22  }
0x2d: {  	s29 =	simm.s32 $0x7;
	s24 =	sadd.s32 $0xF000, s16;
	[smem:$0x7F9] =	sst s23  }
0x2e: {  	s9 =	simm.s32 $0x10;
	s26 =	sadd.s32 $0x11800, s16;
	[smem:$0x7FA] =	sst s24  }
0x2f: {  	s31 =	sadd.s32 $0x12C00, s16;
	s21 =	sadd.s32 $0x4D8, s4;
	[smem:$0x7FC] =	sst s26  }
0x30: {  	s4 =	sshrl.u32 s25, $0x3;
	s25 =	sadd.s32 $0x10400, s16;
	[smem:$0x7FD] =	sst s31  }
0x31: {  	s12 =	simm.s32 $0xD;
	s13 =	simm.s32 $0x28;
	s17 =	simm.s32 $0x1  }
0x32: {  	s18 =	simm.s32 $0x4;
	s19 =	simm.s32 $0x180;
	s22 =	simm.s32 $0xA  }
0x33: {  	s23 =	simm.s32 $0x2;
	s26 =	simm.s32 $0x5;
	[dreg:$0x17] =	wrdreg s21  }
0x34: {  	s15 =	simm.s32 $0xB;
	s24 =	simm.s32 $0x3;
	[dreg:$0x1b] =	wrdreg s4  }
0x35: {  	s14 =	simm.s32 $0xC;
	s21 =	sadd.s32 $0xB400, s16;
	[smem:$0x7FB] =	sst s25  }
0x36: {  	v0 =	vimm.f32 $0.0e+00;
	s4 =	simm.s32 $0x0;
	[smem:$0x7F7] =	sst s21;
	s21 =	simm.s32 $0x6  }
.LBB2_1:
0x37: {  	[smem:$0x7EF] =	sst s4;
	s3 =	simm.s32 $0x0;
	s4 =	simm.s32 $0x200  }
.LBB2_2:
0x38: {  	p0 =	sne.s32 s4, $0x4E00;
	[tilespmem:s3+$0x3F70] =	vst v0  }
0x39: {  	[tilespmem:s3+$0x3F00] =	vst v0  }
0x3a: {  	[tilespmem:s3+$0x3F10] =	vst v0  }
.Ltmp0:
0x3b: {  	[tilespmem:s3+$0x3F20] =	vst v0;
	(pc) =	sbr.rel @p0 .LBB2_2-.Ltmp0, $4  }
0x3c: {  	[tilespmem:s3+$0x3F30] =	vst v0  }
0x3d: {  	[tilespmem:s3+$0x3F40] =	vst v0  }
0x3e: {  	[tilespmem:s3+$0x3F50] =	vst v0  }
0x3f: {  	[tilespmem:s3+$0x3F60] =	vst v0;
	s3 =	sshra.s32 s4, $0x2;
	s4 =	sadd.s32 $0x200, s4  }
0x40: {  	[tilespmem:s3+$0x3F70] =	vst v0  }
0x41: {  	[tilespmem:s3+$0x3F00] =	vst v0  }
0x42: {  	[tilespmem:s3+$0x3F10] =	vst v0  }
0x43: {  	[tilespmem:s3+$0x3F20] =	vst v0  }
0x44: {  	[tilespmem:s3+$0x3F30] =	vst v0  }
0x45: {  	[tilespmem:s3+$0x3F40] =	vst v0  }
0x46: {  	[tilespmem:s3+$0x3F50] =	vst v0  }
0x47: {  	[tilespmem:s3+$0x3F60] =	vst v0  }
0x48: {  	[spmem:s16] =	stream.linear.scatter [tilespmem:s30], [sflag:$0x10], $0x1400, $0x38;
	[tilespmem:$0x1BB00] =	vst v63  }
0x49: {  	_ =	swait.ge [sflag:s9], $0x1400  }
0x4a: {  	[sflag:s9] =	ssyncset.done $0x0  }
0x4b: {  	s16 =	rddreg [dreg:$0x1f];
	[sflag:s9] =	ssyncadd.s32 $0xFFFFEC00  }
0x4c: {  	[spmem:s16] =	stream.linear.scatter [tilespmem:s30], [sflag:$0x10], $0x1400, $0x38;
	[tilespmem:$0x1BB00] =	vst v63  }
0x4d: {  	_ =	swait.ge [sflag:s9], $0x1400  }
0x4e: {  	s20 =	sld [smem:$0x7F0]  }
0x4f: {  	[sflag:s9] =	ssyncset.done $0x0  }
0x50: {  	[sflag:s9] =	ssyncadd.s32 $0xFFFFEC00  }
0x51: {  	[spmem:s20] =	stream.linear.scatter [tilespmem:s30], [sflag:$0x10], $0x1400, $0x38;
	[tilespmem:$0x1BB00] =	vst v63  }
0x52: {  	_ =	swait.ge [sflag:s9], $0x1400  }
0x53: {  	s25 =	sld [smem:$0x7F1]  }
0x54: {  	[sflag:s9] =	ssyncset.done $0x0  }
0x55: {  	[sflag:s9] =	ssyncadd.s32 $0xFFFFEC00  }
0x56: {  	[spmem:s25] =	stream.linear.scatter [tilespmem:s30], [sflag:$0x10], $0x1400, $0x38;
	[tilespmem:$0x1BB00] =	vst v63  }
0x57: {  	_ =	swait.ge [sflag:s9], $0x1400  }
0x58: {  	s31 =	sld [smem:$0x7F2]  }
0x59: {  	[sflag:s9] =	ssyncset.done $0x0  }
0x5a: {  	[sflag:s9] =	ssyncadd.s32 $0xFFFFEC00  }
0x5b: {  	[spmem:s31] =	stream.linear.scatter [tilespmem:s30], [sflag:$0x10], $0x1400, $0x38;
	[tilespmem:$0x1BB00] =	vst v63  }
0x5c: {  	_ =	swait.ge [sflag:s9], $0x1400  }
0x5d: {  	s4 =	sld [smem:$0x7F3]  }
0x5e: {  	[sflag:s9] =	ssyncset.done $0x0  }
0x5f: {  	[sflag:s9] =	ssyncadd.s32 $0xFFFFEC00  }
0x60: {  	[spmem:s4] =	stream.linear.scatter [tilespmem:s30], [sflag:$0x10], $0x1400, $0x38;
	[tilespmem:$0x1BB00] =	vst v63  }
0x61: {  	_ =	swait.ge [sflag:s9], $0x1400  }
0x62: {  	s7 =	sld [smem:$0x7F4]  }
0x63: {  	[sflag:s9] =	ssyncset.done $0x0  }
0x64: {  	[sflag:s9] =	ssyncadd.s32 $0xFFFFEC00  }
0x65: {  	[spmem:s7] =	stream.linear.scatter [tilespmem:s30], [sflag:$0x10], $0x1400, $0x38;
	[tilespmem:$0x1BB00] =	vst v63  }
0x66: {  	_ =	swait.ge [sflag:s9], $0x1400  }
0x67: {  	s10 =	sld [smem:$0x7F5]  }
0x68: {  	[sflag:s9] =	ssyncset.done $0x0  }
0x69: {  	[sflag:s9] =	ssyncadd.s32 $0xFFFFEC00  }
0x6a: {  	[spmem:s10] =	stream.linear.scatter [tilespmem:s30], [sflag:$0x10], $0x1400, $0x38;
	[tilespmem:$0x1BB00] =	vst v63  }
0x6b: {  	_ =	swait.ge [sflag:s9], $0x1400  }
0x6c: {  	s16 =	sld [smem:$0x7F6]  }
0x6d: {  	[sflag:s9] =	ssyncset.done $0x0  }
0x6e: {  	[sflag:s9] =	ssyncadd.s32 $0xFFFFEC00  }
0x6f: {  	[spmem:s16] =	stream.linear.scatter [tilespmem:s30], [sflag:$0x10], $0x1400, $0x38;
	[tilespmem:$0x1BB00] =	vst v63  }
0x70: {  	_ =	swait.ge [sflag:s9], $0x1400  }
0x71: {  	s20 =	sld [smem:$0x7F7]  }
0x72: {  	[sflag:s9] =	ssyncset.done $0x0  }
0x73: {  	[sflag:s9] =	ssyncadd.s32 $0xFFFFEC00  }
0x74: {  	[spmem:s20] =	stream.linear.scatter [tilespmem:s30], [sflag:$0x10], $0x1400, $0x38;
	[tilespmem:$0x1BB00] =	vst v63  }
0x75: {  	_ =	swait.ge [sflag:s9], $0x1400  }
0x76: {  	s25 =	sld [smem:$0x7F8]  }
0x77: {  	[sflag:s9] =	ssyncset.done $0x0  }
0x78: {  	[sflag:s9] =	ssyncadd.s32 $0xFFFFEC00  }
0x79: {  	[spmem:s25] =	stream.linear.scatter [tilespmem:s30], [sflag:$0x10], $0x1400, $0x38;
	[tilespmem:$0x1BB00] =	vst v63  }
0x7a: {  	_ =	swait.ge [sflag:s9], $0x1400  }
0x7b: {  	s31 =	sld [smem:$0x7F9]  }
0x7c: {  	[sflag:s9] =	ssyncset.done $0x0  }
0x7d: {  	[sflag:s9] =	ssyncadd.s32 $0xFFFFEC00  }
0x7e: {  	[spmem:s31] =	stream.linear.scatter [tilespmem:s30], [sflag:$0x10], $0x1400, $0x38;
	[tilespmem:$0x1BB00] =	vst v63  }
0x7f: {  	_ =	swait.ge [sflag:s9], $0x1400  }
0x80: {  	s4 =	sld [smem:$0x7FA]  }
0x81: {  	[sflag:s9] =	ssyncset.done $0x0  }
0x82: {  	[sflag:s9] =	ssyncadd.s32 $0xFFFFEC00  }
0x83: {  	[spmem:s4] =	stream.linear.scatter [tilespmem:s30], [sflag:$0x10], $0x1400, $0x38;
	[tilespmem:$0x1BB00] =	vst v63  }
0x84: {  	_ =	swait.ge [sflag:s9], $0x1400  }
0x85: {  	s7 =	sld [smem:$0x7FB]  }
0x86: {  	[sflag:s9] =	ssyncset.done $0x0  }
0x87: {  	[sflag:s9] =	ssyncadd.s32 $0xFFFFEC00  }
0x88: {  	[spmem:s7] =	stream.linear.scatter [tilespmem:s30], [sflag:$0x10], $0x1400, $0x38;
	[tilespmem:$0x1BB00] =	vst v63  }
0x89: {  	_ =	swait.ge [sflag:s9], $0x1400  }
0x8a: {  	s10 =	sld [smem:$0x7FC]  }
0x8b: {  	[sflag:s9] =	ssyncset.done $0x0  }
0x8c: {  	[sflag:s9] =	ssyncadd.s32 $0xFFFFEC00  }
0x8d: {  	[spmem:s10] =	stream.linear.scatter [tilespmem:s30], [sflag:$0x10], $0x1400, $0x38;
	[tilespmem:$0x1BB00] =	vst v63  }
0x8e: {  	_ =	swait.ge [sflag:s9], $0x1400  }
0x8f: {  	s16 =	sld [smem:$0x7FD]  }
0x90: {  	[sflag:s9] =	ssyncset.done $0x0  }
0x91: {  	[sflag:s9] =	ssyncadd.s32 $0xFFFFEC00  }
0x92: {  	[spmem:s16] =	stream.linear.scatter [tilespmem:s30], [sflag:$0x10], $0x1400, $0x38;
	[tilespmem:$0x1BB00] =	vst v63  }
0x93: {  	_ =	swait.ge [sflag:s9], $0x1400  }
0x94: {  	[sflag:s9] =	ssyncset.done $0x0  }
0x95: {  	[sflag:s9] =	ssyncadd.s32 $0xFFFFEC00  }
0x96: {  	[bflag:$0x0] =	sbarrier.arrive $0xFFFF  }
0x97: {  	s16 =	simm.s32 $0x0;
	s20 =	rddreg [dreg:$0x14]  }
0x98: {  	[tilespmem:s16], [sflag:$0xD] =	stream.linear.gather [hbm4b:s20+s16], $0x28, $0x38;
	[tilespmem:$0x1BB00] =	vst v63  }
0x99: {  	s4 =	simm.s32 $0x80;
	s25 =	rddreg [dreg:$0x9]  }
0x9a: {  	[tilespmem:s4], [sflag:$0xE] =	stream.linear.gather [hbm4b:s25+s16], $0x28, $0x38;
	[tilespmem:$0x1BB00] =	vst v63  }
0x9b: {  	s7 =	simm.s32 $0x100;
	s31 =	rddreg [dreg:$0xa]  }
0x9c: {  	[tilespmem:s7], [sflag:$0xF] =	stream.linear.gather [hbm4b:s31+s16], $0x28, $0x38;
	[tilespmem:$0x1BB00] =	vst v63  }
0x9d: {  	_ =	swait.ge [sflag:s12], $0x28  }
0x9e: {  	[sflag:s12] =	ssyncset.done $0x0  }
0x9f: {  	[sflag:s12] =	ssyncadd.s32 $0xFFFFFFD8  }
0xa0: {  	[tilespmem:s30], [sflag:$0x1] =	stream.indirect.gather [hbm4b:s0+s13], $0x80, s16, s13, $0xb8;
	[tilespmem:$0x1BB00] =	vst v63  }
0xa1: {  	s10 =	simm.s32 $0xE;
	s9 =	simm.s32 $0x300;
	s7 =	rddreg [dreg:$0x10]  }
0xa2: {  	[tilespmem:s9], [sflag:$0x4] =	stream.linear.gather [hbm4b:s7+s16], $0x1400, $0x38;
	[tilespmem:$0x1BB00] =	vst v63  }
0xa3: {  	_ =	swait.ge [sflag:s10], $0x28  }
0xa4: {  	[sflag:s10] =	ssyncset.done $0x0  }
0xa5: {  	s20 =	simm.s32 $0x5300;
	[sflag:s10] =	ssyncadd.s32 $0xFFFFFFD8  }
0xa6: {  	[tilespmem:s20], [sflag:$0x2] =	stream.indirect.gather [hbm4b:s0+s13], $0x80, s4, s13, $0xb8;
	[tilespmem:$0x1BB00] =	vst v63  }
0xa7: {  	s31 =	simm.s32 $0x1700;
	s25 =	rddreg [dreg:$0x11]  }
0xa8: {  	[tilespmem:s31], [sflag:$0x5] =	stream.linear.gather [hbm4b:s25+s16], $0x1400, $0x38;
	[tilespmem:$0x1BB00] =	vst v63  }
.LBB2_4:
0xa9: {  	_ =	swait.ge [sflag:s17], $0x1400  }
0xaa: {  	[sflag:s17] =	ssyncset.done $0x0  }
0xab: {  	[sflag:s17] =	ssyncadd.s32 $0xFFFFEC00  }
0xac: {  	s9 =	smul.u32 $0x78, s16;
	_ =	swait.ge [sflag:s18], $0x1400  }
0xad: {  	s3 =	rddreg [dreg:$0x1c]  }
0xae: {  	s7 =	sadd.s32 s9, s3  }
0xaf: {  	[sflag:s18] =	ssyncset.done $0x0;
	s3 =	sshrl.u32 s7, $0x3  }
0xb0: {  	s20 =	rddreg [dreg:$0x7];
	[sflag:s18] =	ssyncadd.s32 $0xFFFFEC00;
	s3 =	sadd.s32 s1, s3  }
0xb1: {  	[tilespmem:s6], [sflag:$0xD] =	stream.linear.gather [hbm4b:s3+s6], $0x28, $0x38;
	[tilespmem:$0x1BB00] =	vst v63  }
0xb2: {  	s3 =	sadd.s32 s20, s9  }
0xb3: {  	s3 =	sshrl.u32 s3, $0x3  }
0xb4: {  	p0 =	seq.s32 s16, $0x0;
	s3 =	sadd.s32 s2, s3  }
0xb5: {  	[tilespmem:s19], [sflag:$0xA] =	stream.linear.gather [hbm4b:s3+s6], $0x28, $0x38;
	[tilespmem:$0x1BB00] =	vst v63  }
0xb6: {  	s3 =	simm.s32 @p0 $0xF  }
0xb7: {  	_ =	swait.ge @p0 [sflag:s3], $0x28  }
0xb8: {  	s4 =	simm.s32 @p0 $0x100;
	[sflag:s3] =	ssyncset.done @p0 $0x0  }
0xb9: {  	s10 =	simm.s32 @p0 $0x6700;
	[sflag:s3] =	ssyncadd.s32 @p0 $0xFFFFFFD8;
	s3 =	simm.s32 @p0 $0x28  }
0xba: {  	[tilespmem:s10], [sflag:$0x3] =	stream.indirect.gather @p0 [hbm4b:s0+s3], $0x80, s4, s3, $0xb8;
	[tilespmem:$0x1BB00] =	vst v63  }
0xbb: {  	s3 =	simm.s32 @!p0 $0x9  }
0xbc: {  	_ =	swait.ge @!p0 [sflag:s3], $0x1400  }
0xbd: {  	[sflag:s3] =	ssyncset.done @!p0 $0x0  }
0xbe: {  	[sflag:s3] =	ssyncadd.s32 @!p0 $0xFFFFEC00;
	s3 =	simm.s32 @!p0 $0xF  }
0xbf: {  	_ =	swait.ge @!p0 [sflag:s3], $0x28  }
0xc0: {  	s4 =	simm.s32 @!p0 $0x100;
	[sflag:s3] =	ssyncset.done @!p0 $0x0  }
0xc1: {  	s10 =	simm.s32 @!p0 $0x6700;
	[sflag:s3] =	ssyncadd.s32 @!p0 $0xFFFFFFD8;
	s3 =	simm.s32 @!p0 $0x28  }
0xc2: {  	[tilespmem:s10], [sflag:$0x3] =	stream.indirect.gather @!p0 [hbm4b:s0+s3], $0x80, s4, s3, $0xb8;
	[tilespmem:$0x1BB00] =	vst v63  }
0xc3: {  	s3 =	sadd.s32 @!p0 s9, s11  }
0xc4: {  	s4 =	rddreg [dreg:$0x12];
	s3 =	sshll.u32 @!p0 s3, $0x4  }
0xc5: {  	s3 =	smov.u32 @p0 s4  }
0xc6: {  	s25 =	simm.s32 $0x2B00;
	s4 =	simm.s32 $0x380;
	s3 =	sadd.s32 s8, s3  }
0xc7: {  	[tilespmem:s25], [sflag:$0x6] =	stream.linear.gather [hbm4b:s3+s6], $0x1400, $0x38;
	[tilespmem:$0x1BB00] =	vst v63  }
0xc8: {  	s20 =	simm.s32 $0x3F80;
	v1 =	vld [tilespmem:s4+$0x0]  }
0xc9: {  	v2 =	vld [tilespmem:s20+$0x0]  }
0xca: {  	v3 =	vld [tilespmem:s20+$0x10];
	_ =	sdelay $0x2  }
0xcb: {  	v4 =	vshll.u32 v1, $0x10  }
0xcc: {  	v5 =	vld [tilespmem:s4+$0xFFFFFF80];
	v1 =	vand.u32 $0xFFFF0000, v1;
	v2 =	vadd.f32 v4, v2  }
0xcd: {  	v4 =	vld [tilespmem:s20+$0xFFFFFF80];
	v1 =	vadd.f32 v1, v3  }
0xce: {  	v3 =	vld [tilespmem:s20+$0xFFFFFF90];
	v2 =	vmax.f32 v2, $0.0e+00  }
0xcf: {  	v1 =	vmax.f32 v1, $0.0e+00;
	[tilespmem:s20+$0x0] =	vst v2  }
0xd0: {  	[tilespmem:s20+$0x10] =	vst v1  }
0xd1: {  	v1 =	vshll.u32 v5, $0x10;
	v6 =	vld [tilespmem:s4+$0x10]  }
0xd2: {  	v5 =	vand.u32 $0xFFFF0000, v5;
	v1 =	vadd.f32 v1, v4;
	v4 =	vld [tilespmem:s20+$0x20]  }
0xd3: {  	v3 =	vadd.f32 v5, v3;
	v5 =	vld [tilespmem:s20+$0x30]  }
0xd4: {  	v7 =	vld [tilespmem:s20+$0xFFFFFFB0];
	v1 =	vmax.f32 v1, $0.0e+00  }
0xd5: {  	v8 =	vld [tilespmem:s20+$0x60];
	[tilespmem:s20+$0xFFFFFF80] =	vst v1;
	v1 =	vmax.f32 v3, $0.0e+00  }
0xd6: {  	s10 =	simm.s32 $0x480;
	v10 =	vld [tilespmem:s20+$0x50];
	[tilespmem:s20+$0xFFFFFF90] =	vst v1;
	v1 =	vshll.u32 v6, $0x10  }
0xd7: {  	s25 =	simm.s32 $0x4080;
	v11 =	vld [tilespmem:s10+$0x0];
	v6 =	vand.u32 $0xFFFF0000, v6;
	v1 =	vadd.f32 v1, v4  }
0xd8: {  	v13 =	vld [tilespmem:s25+$0x0];
	v5 =	vadd.f32 v6, v5  }
0xd9: {  	v3 =	vld [tilespmem:s4+$0xFFFFFF90];
	v1 =	vmax.f32 v1, $0.0e+00  }
0xda: {  	v2 =	vld [tilespmem:s20+$0xFFFFFFA0];
	v5 =	vmax.f32 v5, $0.0e+00;
	[tilespmem:s20+$0x20] =	vst v1  }
0xdb: {  	v14 =	vld [tilespmem:s25+$0x10];
	[tilespmem:s20+$0x30] =	vst v5  }
0xdc: {  	v9 =	vld [tilespmem:s4+$0x20]  }
0xdd: {  	v5 =	vld [tilespmem:s20+$0x40]  }
0xde: {  	v15 =	vld [tilespmem:s10+$0xFFFFFF80];
	v12 =	vshll.u32 v3, $0x10;
	v3 =	vand.u32 $0xFFFF0000, v3  }
0xdf: {  	v4 =	vld [tilespmem:s20+$0xFFFFFFC0];
	v12 =	vadd.f32 v12, v2;
	v3 =	vadd.f32 v3, v7  }
0xe0: {  	v6 =	vld [tilespmem:s20+$0xFFFFFFD0]  }
0xe1: {  	v1 =	vld [tilespmem:s20+$0xFFFFFFE0];
	v12 =	vmax.f32 v12, $0.0e+00;
	v3 =	vmax.f32 v3, $0.0e+00;
	v7 =	vshll.u32 v9, $0x10  }
0xe2: {  	v2 =	vld [tilespmem:s20+$0xFFFFFFF0];
	v9 =	vand.u32 $0xFFFF0000, v9;
	[tilespmem:s20+$0xFFFFFFA0] =	vst v12;
	v12 =	vshll.u32 v11, $0x10;
	v5 =	vadd.f32 v7, v5  }
0xe3: {  	[tilespmem:s20+$0xFFFFFFB0] =	vst v3;
	v3 =	vld [tilespmem:s25+$0xFFFFFF90];
	v9 =	vadd.f32 v9, v10;
	v10 =	vand.u32 $0xFFFF0000, v11;
	v11 =	vadd.f32 v12, v13  }
0xe4: {  	v7 =	vld [tilespmem:s25+$0xFFFFFF80];
	v5 =	vmax.f32 v5, $0.0e+00  }
0xe5: {  	v12 =	vld [tilespmem:s25+$0xFFFFFFA0];
	v10 =	vadd.f32 v10, v14;
	v11 =	vmax.f32 v11, $0.0e+00;
	[tilespmem:s20+$0x40] =	vst v5  }
0xe6: {  	v13 =	vld [tilespmem:s4+$0xFFFFFFA0];
	v5 =	vmax.f32 v9, $0.0e+00;
	[tilespmem:s25+$0x0] =	vst v11  }
0xe7: {  	v14 =	vld [tilespmem:s25+$0x30];
	v10 =	vmax.f32 v10, $0.0e+00;
	v11 =	vand.u32 $0xFFFF0000, v15;
	[tilespmem:s20+$0x50] =	vst v5  }
0xe8: {  	v9 =	vld [tilespmem:s25+$0xFFFFFFB0];
	v5 =	vshll.u32 v15, $0x10;
	[tilespmem:s25+$0x10] =	vst v10;
	v3 =	vadd.f32 v11, v3  }
0xe9: {  	v5 =	vadd.f32 v5, v7;
	v10 =	vld [tilespmem:s10+$0x10]  }
0xea: {  	v11 =	vld [tilespmem:s25+$0x20];
	v3 =	vmax.f32 v3, $0.0e+00  }
0xeb: {  	v7 =	vld [tilespmem:s4+$0x30];
	v5 =	vmax.f32 v5, $0.0e+00;
	[tilespmem:s25+$0xFFFFFF90] =	vst v3  }
0xec: {  	v15 =	vld [tilespmem:s20+$0x70];
	v3 =	vshll.u32 v13, $0x10;
	[tilespmem:s25+$0xFFFFFF80] =	vst v5  }
0xed: {  	v5 =	vand.u32 $0xFFFF0000, v13;
	v3 =	vadd.f32 v3, v4;
	v13 =	vld [tilespmem:s10+$0xFFFFFF90]  }
0xee: {  	v4 =	vld [tilespmem:s25+$0xFFFFFFC0];
	v6 =	vadd.f32 v5, v6;
	v16 =	vshll.u32 v10, $0x10  }
0xef: {  	v5 =	vld [tilespmem:s25+$0xFFFFFFD0];
	v3 =	vmax.f32 v3, $0.0e+00;
	v10 =	vand.u32 $0xFFFF0000, v10;
	v11 =	vadd.f32 v16, v11  }
0xf0: {  	v63 =	vand.u32 $0xFFFF0000, v7;
	v17 =	vmax.f32 v6, $0.0e+00;
	v6 =	vld [tilespmem:s25+$0xFFFFFFE0];
	[tilespmem:s20+$0xFFFFFFC0] =	vst v3;
	v10 =	vadd.f32 v10, v14  }
0xf1: {  	v14 =	vshll.u32 v7, $0x10;
	v15 =	vadd.f32 v63, v15;
	v3 =	vld [tilespmem:s25+$0x60];
	[tilespmem:s20+$0xFFFFFFD0] =	vst v17;
	v11 =	vmax.f32 v11, $0.0e+00  }
0xf2: {  	v7 =	vld [tilespmem:s25+$0xFFFFFFF0];
	v14 =	vadd.f32 v14, v8;
	v10 =	vmax.f32 v10, $0.0e+00;
	v8 =	vshll.u32 v13, $0x10;
	[tilespmem:s25+$0x20] =	vst v11  }
0xf3: {  	v11 =	vmax.f32 v15, $0.0e+00;
	v13 =	vand.u32 $0xFFFF0000, v13;
	[tilespmem:s25+$0x30] =	vst v10;
	v12 =	vadd.f32 v8, v12;
	v8 =	vld [tilespmem:s4+$0xFFFFFFB0]  }
0xf4: {  	[tilespmem:s20+$0x70] =	vst v11;
	v11 =	vadd.f32 v13, v9;
	v9 =	vld [tilespmem:s25+$0x40];
	v13 =	vmax.f32 v14, $0.0e+00  }
0xf5: {  	v10 =	vld [tilespmem:s10+$0x20];
	[tilespmem:s20+$0x60] =	vst v13;
	v14 =	vmax.f32 v12, $0.0e+00  }
0xf6: {  	s31 =	simm.s32 $0x2;
	s3 =	simm.s32 $0x580;
	s4 =	simm.s32 $0x4080;
	v12 =	vmax.f32 v11, $0.0e+00;
	v11 =	vld [tilespmem:s25+$0x50];
	[tilespmem:s25+$0xFFFFFFA0] =	vst v14  }
.LBB2_5:
0xf7: {  	v13 =	vld [tilespmem:s3+$0x0];
	[tilespmem:s25+$0xFFFFFFB0] =	vst v12;
	s4 =	sadd.s32 $0x100, s4  }
0xf8: {  	v12 =	vld [tilespmem:s4+$0x0];
	v14 =	vshll.u32 v8, $0x10;
	v8 =	vand.u32 $0xFFFF0000, v8  }
0xf9: {  	v15 =	vld [tilespmem:s4+$0x10];
	v14 =	vadd.f32 v14, v1;
	v8 =	vadd.f32 v8, v2;
	v1 =	vmovc v6;
	v2 =	vmov v7  }
0xfa: {  	s31 =	sadd.s32 $0x2, s31;
	v6 =	vld [tilespmem:s3+$0xFFFFFF80];
	v7 =	vshll.u32 v10, $0x10  }
0xfb: {  	p0 =	slt.u32 s31, $0x26;
	v10 =	vand.u32 $0xFFFF0000, v10;
	v16 =	vld [tilespmem:s4+$0xFFFFFF80];
	v7 =	vadd.f32 v7, v9;
	v9 =	vmax.f32 v14, $0.0e+00  }
0xfc: {  	v10 =	vadd.f32 v10, v11;
	v8 =	vmax.f32 v8, $0.0e+00;
	v14 =	vld [tilespmem:s4+$0xFFFFFF90];
	v17 =	vshll.u32 v13, $0x10;
	[tilespmem:s20+$0xFFFFFFE0] =	vst v9  }
0xfd: {  	v11 =	vand.u32 $0xFFFF0000, v13;
	v9 =	vld [tilespmem:s4+$0xFFFFFFA0];
	v12 =	vadd.f32 v17, v12;
	v7 =	vmax.f32 v7, $0.0e+00;
	[tilespmem:s20+$0xFFFFFFF0] =	vst v8;
	s20 =	smov.u32 s25;
	s25 =	smov.u32 s4  }
0xfe: {  	v8 =	vld [tilespmem:s4+$0xFFFFFFB0];
	v11 =	vadd.f32 v11, v15;
	[tilespmem:s20+$0x40] =	vst v7;
	v7 =	vmax.f32 v10, $0.0e+00  }
0xff: {  	v10 =	vshll.u32 v6, $0x10;
	v6 =	vand.u32 $0xFFFF0000, v6;
	v12 =	vmax.f32 v12, $0.0e+00;
	v13 =	vld [tilespmem:s10+$0xFFFFFFA0];
	[tilespmem:s20+$0x50] =	vst v7  }
0x100: {  	v7 =	vadd.f32 v10, v16;
	[tilespmem:s4+$0x0] =	vst v12;
	v10 =	vmax.f32 v11, $0.0e+00;
	v11 =	vld [tilespmem:s10+$0x30]  }
0x101: {  	v6 =	vadd.f32 v6, v14;
	[tilespmem:s4+$0x10] =	vst v10;
	v10 =	vld [tilespmem:s20+$0x70]  }
0x102: {  	v7 =	vmax.f32 v7, $0.0e+00;
	v12 =	vld [tilespmem:s3+$0x10]  }
0x103: {  	[tilespmem:s4+$0xFFFFFF80] =	vst v7;
	v6 =	vmax.f32 v6, $0.0e+00;
	v7 =	vld [tilespmem:s4+$0x20]  }
0x104: {  	[tilespmem:s4+$0xFFFFFF90] =	vst v6;
	v14 =	vld [tilespmem:s4+$0x30];
	v6 =	vshll.u32 v13, $0x10;
	v13 =	vand.u32 $0xFFFF0000, v13  }
0x105: {  	v15 =	vld [tilespmem:s3+$0xFFFFFF90];
	v6 =	vadd.f32 v6, v4;
	v13 =	vadd.f32 v13, v5;
	v5 =	vand.u32 $0xFFFF0000, v11  }
0x106: {  	v11 =	vshll.u32 v11, $0x10;
	v4 =	vld [tilespmem:s4+$0xFFFFFFC0];
	v10 =	vadd.f32 v5, v10  }
0x107: {  	v5 =	vld [tilespmem:s4+$0xFFFFFFD0];
	v16 =	vshll.u32 v12, $0x10;
	v17 =	vmax.f32 v6, $0.0e+00;
	v13 =	vmax.f32 v13, $0.0e+00  }
0x108: {  	v12 =	vand.u32 $0xFFFF0000, v12;
	v6 =	vld [tilespmem:s4+$0xFFFFFFE0];
	v16 =	vadd.f32 v16, v7;
	[tilespmem:s20+$0xFFFFFFC0] =	vst v17;
	v10 =	vmax.f32 v10, $0.0e+00  }
0x109: {  	v11 =	vadd.f32 v11, v3;
	v7 =	vld [tilespmem:s4+$0xFFFFFFF0];
	v12 =	vadd.f32 v12, v14;
	[tilespmem:s20+$0x70] =	vst v10  }
.Ltmp1:
0x10a: {  	v10 =	vshll.u32 v15, $0x10;
	v14 =	vand.u32 $0xFFFF0000, v15;
	v15 =	vmax.f32 v16, $0.0e+00;
	v3 =	vld [tilespmem:s4+$0x60];
	[tilespmem:s20+$0xFFFFFFD0] =	vst v13;
	(pc) =	sbr.rel @p0 .LBB2_5-.Ltmp1, $4  }
0x10b: {  	v10 =	vadd.f32 v10, v9;
	v13 =	vadd.f32 v14, v8;
	[tilespmem:s4+$0x20] =	vst v15;
	v9 =	vmax.f32 v12, $0.0e+00;
	v8 =	vld [tilespmem:s10+$0xFFFFFFB0];
	s10 =	smov.u32 s3  }
0x10c: {  	v11 =	vmax.f32 v11, $0.0e+00;
	[tilespmem:s4+$0x30] =	vst v9;
	v9 =	vld [tilespmem:s4+$0x40]  }
0x10d: {  	v14 =	vmax.f32 v10, $0.0e+00;
	v12 =	vmax.f32 v13, $0.0e+00;
	v10 =	vld [tilespmem:s3+$0x20];
	[tilespmem:s20+$0x60] =	vst v11  }
0x10e: {  	s3 =	sadd.s32 $0x100, s3;
	[tilespmem:s4+$0xFFFFFFA0] =	vst v14;
	v11 =	vld [tilespmem:s4+$0x50]  }
0x10f: {  	[tilespmem:s25+$0xFFFFFFB0] =	vst v12  }
0x110: {  	v12 =	vld [tilespmem:s10+$0xFFFFFFA0];
	_ =	sdelay $0x2  }
0x111: {  	v13 =	vshll.u32 v10, $0x10  }
0x112: {  	v10 =	vand.u32 $0xFFFF0000, v10;
	v9 =	vadd.f32 v13, v9  }
0x113: {  	v10 =	vadd.f32 v10, v11;
	v11 =	vshll.u32 v12, $0x10  }
0x114: {  	v9 =	vmax.f32 v9, $0.0e+00;
	v12 =	vand.u32 $0xFFFF0000, v12;
	v4 =	vadd.f32 v11, v4  }
0x115: {  	[tilespmem:s25+$0x40] =	vst v9;
	v9 =	vmax.f32 v10, $0.0e+00;
	v5 =	vadd.f32 v12, v5  }
0x116: {  	[tilespmem:s25+$0x50] =	vst v9;
	v4 =	vmax.f32 v4, $0.0e+00  }
0x117: {  	v9 =	vld [tilespmem:s10+$0x30];
	v5 =	vmax.f32 v5, $0.0e+00;
	[tilespmem:s25+$0xFFFFFFC0] =	vst v4  }
0x118: {  	v4 =	vld [tilespmem:s25+$0x70];
	[tilespmem:s25+$0xFFFFFFD0] =	vst v5  }
0x119: {  	v5 =	vld [tilespmem:s10+$0xFFFFFFB0]  }
0x11a: {  	v10 =	vshll.u32 v8, $0x10  }
0x11b: {  	v8 =	vand.u32 $0xFFFF0000, v8;
	v1 =	vadd.f32 v10, v1  }
0x11c: {  	v2 =	vadd.f32 v8, v2;
	v8 =	vand.u32 $0xFFFF0000, v9  }
0x11d: {  	v1 =	vmax.f32 v1, $0.0e+00;
	v9 =	vshll.u32 v9, $0x10;
	v4 =	vadd.f32 v8, v4  }
0x11e: {  	[tilespmem:s20+$0xFFFFFFE0] =	vst v1;
	v1 =	vmax.f32 v2, $0.0e+00;
	v2 =	vadd.f32 v9, v3;
	v3 =	vshll.u32 v5, $0x10  }
0x11f: {  	[tilespmem:s20+$0xFFFFFFF0] =	vst v1;
	v1 =	vmax.f32 v4, $0.0e+00;
	v4 =	vand.u32 $0xFFFF0000, v5;
	v3 =	vadd.f32 v3, v6  }
0x120: {  	[tilespmem:s25+$0x70] =	vst v1;
	v1 =	vmax.f32 v2, $0.0e+00;
	v2 =	vadd.f32 v4, v7  }
0x121: {  	[tilespmem:s25+$0x60] =	vst v1;
	v1 =	vmax.f32 v3, $0.0e+00  }
0x122: {  	[tilespmem:s25+$0xFFFFFFE0] =	vst v1;
	v1 =	vmax.f32 v2, $0.0e+00  }
0x123: {  	[tilespmem:s25+$0xFFFFFFF0] =	vst v1  }
0x124: {  	_ =	swait.ge [sflag:s22], $0x28  }
0x125: {  	[sflag:s22] =	ssyncset.done $0x0  }
0x126: {  	[sflag:s22] =	ssyncadd.s32 $0xFFFFFFD8  }
0x127: {  	[spmem:s5] =	stream.indirect.scatter.add.f32 [tilespmem:s30], [sflag:$0x7], $0x80, s19, s13, $0xb8;
	[tilespmem:$0x1BB00] =	vst v63  }
0x128: {  	_ =	swait.ge [sflag:s23], $0x1400  }
0x129: {  	[sflag:s23] =	ssyncset.done $0x0  }
0x12a: {  	[sflag:s23] =	ssyncadd.s32 $0xFFFFEC00  }
0x12b: {  	_ =	swait.ge [sflag:s26], $0x1400  }
0x12c: {  	p0 =	seq.s32 s16, $0x52;
	s3 =	rddreg [dreg:$0x1d]  }
0x12d: {  	s20 =	sadd.s32 @!p0 s9, s3  }
0x12e: {  	s4 =	simm.s32 @!p0 $0x0;
	[sflag:s26] =	ssyncset.done $0x0;
	s3 =	sshrl.u32 @!p0 s20, $0x3  }
0x12f: {  	s10 =	simm.s32 @!p0 $0x80;
	[sflag:s26] =	ssyncadd.s32 $0xFFFFEC00;
	s3 =	sadd.s32 @!p0 s1, s3  }
0x130: {  	[tilespmem:s10], [sflag:$0xE] =	stream.linear.gather @!p0 [hbm4b:s3+s4], $0x28, $0x38;
	[tilespmem:$0x1BB00] =	vst v63  }
0x131: {  	s4 =	rddreg [dreg:$0x8]  }
0x132: {  	s3 =	sadd.s32 s9, s4  }
0x133: {  	s3 =	sshrl.u32 s3, $0x3  }
0x134: {  	s3 =	sadd.s32 s2, s3  }
0x135: {  	[tilespmem:s28], [sflag:$0xB] =	stream.linear.gather [hbm4b:s3+s6], $0x28, $0x38;
	[tilespmem:$0x1BB00] =	vst v63  }
0x136: {  	_ =	swait.ge [sflag:s29], $0x1400  }
0x137: {  	[sflag:s29] =	ssyncset.done $0x0  }
0x138: {  	[sflag:s29] =	ssyncadd.s32 $0xFFFFEC00  }
0x139: {  	_ =	swait.ge [sflag:s12], $0x28  }
0x13a: {  	[sflag:s12] =	ssyncset.done $0x0  }
0x13b: {  	s10 =	sshll.u32 s7, $0x4;
	[sflag:s12] =	ssyncadd.s32 $0xFFFFFFD8  }
0x13c: {  	[tilespmem:s30], [sflag:$0x1] =	stream.indirect.gather [hbm4b:s0+s13], $0x80, s6, s13, $0xb8;
	[tilespmem:$0x1BB00] =	vst v63  }
0x13d: {  	s25 =	simm.s32 $0x300;
	s4 =	simm.s32 $0x1780;
	s3 =	sadd.s32 s8, s10  }
0x13e: {  	[tilespmem:s25], [sflag:$0x4] =	stream.linear.gather [hbm4b:s3+s6], $0x1400, $0x38;
	[tilespmem:$0x1BB00] =	vst v63  }
0x13f: {  	s7 =	simm.s32 $0x5380;
	v1 =	vld [tilespmem:s4+$0x0]  }
0x140: {  	v2 =	vld [tilespmem:s7+$0x0]  }
0x141: {  	v3 =	vld [tilespmem:s7+$0x10];
	_ =	sdelay $0x2  }
0x142: {  	v4 =	vshll.u32 v1, $0x10  }
0x143: {  	v5 =	vld [tilespmem:s4+$0xFFFFFF80];
	v1 =	vand.u32 $0xFFFF0000, v1;
	v2 =	vadd.f32 v4, v2  }
0x144: {  	v4 =	vld [tilespmem:s7+$0xFFFFFF80];
	v1 =	vadd.f32 v1, v3  }
0x145: {  	v3 =	vld [tilespmem:s7+$0xFFFFFF90];
	v2 =	vmax.f32 v2, $0.0e+00  }
0x146: {  	v1 =	vmax.f32 v1, $0.0e+00;
	[tilespmem:s7+$0x0] =	vst v2  }
0x147: {  	[tilespmem:s7+$0x10] =	vst v1  }
0x148: {  	v1 =	vshll.u32 v5, $0x10;
	v6 =	vld [tilespmem:s4+$0x10]  }
0x149: {  	v5 =	vand.u32 $0xFFFF0000, v5;
	v1 =	vadd.f32 v1, v4;
	v4 =	vld [tilespmem:s7+$0x20]  }
0x14a: {  	v3 =	vadd.f32 v5, v3;
	v5 =	vld [tilespmem:s7+$0x30]  }
0x14b: {  	v7 =	vld [tilespmem:s7+$0xFFFFFFB0];
	v1 =	vmax.f32 v1, $0.0e+00  }
0x14c: {  	v8 =	vld [tilespmem:s7+$0x60];
	[tilespmem:s7+$0xFFFFFF80] =	vst v1;
	v1 =	vmax.f32 v3, $0.0e+00  }
0x14d: {  	s10 =	simm.s32 $0x1880;
	v10 =	vld [tilespmem:s7+$0x50];
	[tilespmem:s7+$0xFFFFFF90] =	vst v1;
	v1 =	vshll.u32 v6, $0x10  }
0x14e: {  	s25 =	simm.s32 $0x5480;
	v11 =	vld [tilespmem:s10+$0x0];
	v6 =	vand.u32 $0xFFFF0000, v6;
	v1 =	vadd.f32 v1, v4  }
0x14f: {  	v13 =	vld [tilespmem:s25+$0x0];
	v5 =	vadd.f32 v6, v5  }
0x150: {  	v3 =	vld [tilespmem:s4+$0xFFFFFF90];
	v1 =	vmax.f32 v1, $0.0e+00  }
0x151: {  	v2 =	vld [tilespmem:s7+$0xFFFFFFA0];
	v5 =	vmax.f32 v5, $0.0e+00;
	[tilespmem:s7+$0x20] =	vst v1  }
0x152: {  	v14 =	vld [tilespmem:s25+$0x10];
	[tilespmem:s7+$0x30] =	vst v5  }
0x153: {  	v9 =	vld [tilespmem:s4+$0x20]  }
0x154: {  	v5 =	vld [tilespmem:s7+$0x40]  }
0x155: {  	v15 =	vld [tilespmem:s10+$0xFFFFFF80];
	v12 =	vshll.u32 v3, $0x10;
	v3 =	vand.u32 $0xFFFF0000, v3  }
0x156: {  	v4 =	vld [tilespmem:s7+$0xFFFFFFC0];
	v12 =	vadd.f32 v12, v2;
	v3 =	vadd.f32 v3, v7  }
0x157: {  	v6 =	vld [tilespmem:s7+$0xFFFFFFD0]  }
0x158: {  	v1 =	vld [tilespmem:s7+$0xFFFFFFE0];
	v12 =	vmax.f32 v12, $0.0e+00;
	v3 =	vmax.f32 v3, $0.0e+00;
	v7 =	vshll.u32 v9, $0x10  }
0x159: {  	v2 =	vld [tilespmem:s7+$0xFFFFFFF0];
	v9 =	vand.u32 $0xFFFF0000, v9;
	[tilespmem:s7+$0xFFFFFFA0] =	vst v12;
	v12 =	vshll.u32 v11, $0x10;
	v5 =	vadd.f32 v7, v5  }
0x15a: {  	[tilespmem:s7+$0xFFFFFFB0] =	vst v3;
	v3 =	vld [tilespmem:s25+$0xFFFFFF90];
	v9 =	vadd.f32 v9, v10;
	v10 =	vand.u32 $0xFFFF0000, v11;
	v11 =	vadd.f32 v12, v13  }
0x15b: {  	v7 =	vld [tilespmem:s25+$0xFFFFFF80];
	v5 =	vmax.f32 v5, $0.0e+00  }
0x15c: {  	v12 =	vld [tilespmem:s25+$0xFFFFFFA0];
	v10 =	vadd.f32 v10, v14;
	v11 =	vmax.f32 v11, $0.0e+00;
	[tilespmem:s7+$0x40] =	vst v5  }
0x15d: {  	v13 =	vld [tilespmem:s4+$0xFFFFFFA0];
	v5 =	vmax.f32 v9, $0.0e+00;
	[tilespmem:s25+$0x0] =	vst v11  }
0x15e: {  	v14 =	vld [tilespmem:s25+$0x30];
	v10 =	vmax.f32 v10, $0.0e+00;
	v11 =	vand.u32 $0xFFFF0000, v15;
	[tilespmem:s7+$0x50] =	vst v5  }
0x15f: {  	v9 =	vld [tilespmem:s25+$0xFFFFFFB0];
	v5 =	vshll.u32 v15, $0x10;
	[tilespmem:s25+$0x10] =	vst v10;
	v3 =	vadd.f32 v11, v3  }
0x160: {  	v5 =	vadd.f32 v5, v7;
	v10 =	vld [tilespmem:s10+$0x10]  }
0x161: {  	v11 =	vld [tilespmem:s25+$0x20];
	v3 =	vmax.f32 v3, $0.0e+00  }
0x162: {  	v7 =	vld [tilespmem:s4+$0x30];
	v5 =	vmax.f32 v5, $0.0e+00;
	[tilespmem:s25+$0xFFFFFF90] =	vst v3  }
0x163: {  	v15 =	vld [tilespmem:s7+$0x70];
	v3 =	vshll.u32 v13, $0x10;
	[tilespmem:s25+$0xFFFFFF80] =	vst v5  }
0x164: {  	v5 =	vand.u32 $0xFFFF0000, v13;
	v3 =	vadd.f32 v3, v4;
	v13 =	vld [tilespmem:s10+$0xFFFFFF90]  }
0x165: {  	v4 =	vld [tilespmem:s25+$0xFFFFFFC0];
	v6 =	vadd.f32 v5, v6;
	v16 =	vshll.u32 v10, $0x10  }
0x166: {  	v5 =	vld [tilespmem:s25+$0xFFFFFFD0];
	v3 =	vmax.f32 v3, $0.0e+00;
	v10 =	vand.u32 $0xFFFF0000, v10;
	v11 =	vadd.f32 v16, v11  }
0x167: {  	v63 =	vand.u32 $0xFFFF0000, v7;
	v17 =	vmax.f32 v6, $0.0e+00;
	v6 =	vld [tilespmem:s25+$0xFFFFFFE0];
	[tilespmem:s7+$0xFFFFFFC0] =	vst v3;
	v10 =	vadd.f32 v10, v14  }
0x168: {  	v14 =	vshll.u32 v7, $0x10;
	v15 =	vadd.f32 v63, v15;
	v3 =	vld [tilespmem:s25+$0x60];
	[tilespmem:s7+$0xFFFFFFD0] =	vst v17;
	v11 =	vmax.f32 v11, $0.0e+00  }
0x169: {  	v7 =	vld [tilespmem:s25+$0xFFFFFFF0];
	v14 =	vadd.f32 v14, v8;
	v10 =	vmax.f32 v10, $0.0e+00;
	v8 =	vshll.u32 v13, $0x10;
	[tilespmem:s25+$0x20] =	vst v11  }
0x16a: {  	v11 =	vmax.f32 v15, $0.0e+00;
	v13 =	vand.u32 $0xFFFF0000, v13;
	[tilespmem:s25+$0x30] =	vst v10;
	v12 =	vadd.f32 v8, v12;
	v8 =	vld [tilespmem:s4+$0xFFFFFFB0]  }
0x16b: {  	[tilespmem:s7+$0x70] =	vst v11;
	v11 =	vadd.f32 v13, v9;
	v9 =	vld [tilespmem:s25+$0x40];
	v13 =	vmax.f32 v14, $0.0e+00  }
0x16c: {  	v10 =	vld [tilespmem:s10+$0x20];
	[tilespmem:s7+$0x60] =	vst v13;
	v14 =	vmax.f32 v12, $0.0e+00  }
0x16d: {  	s31 =	simm.s32 $0x2;
	s3 =	simm.s32 $0x1980;
	s4 =	simm.s32 $0x5480;
	v12 =	vmax.f32 v11, $0.0e+00;
	v11 =	vld [tilespmem:s25+$0x50];
	[tilespmem:s25+$0xFFFFFFA0] =	vst v14  }
.LBB2_7:
0x16e: {  	v13 =	vld [tilespmem:s3+$0x0];
	[tilespmem:s25+$0xFFFFFFB0] =	vst v12;
	s4 =	sadd.s32 $0x100, s4  }
0x16f: {  	v12 =	vld [tilespmem:s4+$0x0];
	v14 =	vshll.u32 v8, $0x10;
	v8 =	vand.u32 $0xFFFF0000, v8  }
0x170: {  	v15 =	vld [tilespmem:s4+$0x10];
	v14 =	vadd.f32 v14, v1;
	v8 =	vadd.f32 v8, v2;
	v1 =	vmovc v6;
	v2 =	vmov v7  }
0x171: {  	s31 =	sadd.s32 $0x2, s31;
	v6 =	vld [tilespmem:s3+$0xFFFFFF80];
	v7 =	vshll.u32 v10, $0x10  }
0x172: {  	p1 =	slt.u32 s31, $0x26;
	v10 =	vand.u32 $0xFFFF0000, v10;
	v16 =	vld [tilespmem:s4+$0xFFFFFF80];
	v7 =	vadd.f32 v7, v9;
	v9 =	vmax.f32 v14, $0.0e+00  }
0x173: {  	v10 =	vadd.f32 v10, v11;
	v8 =	vmax.f32 v8, $0.0e+00;
	v14 =	vld [tilespmem:s4+$0xFFFFFF90];
	v17 =	vshll.u32 v13, $0x10;
	[tilespmem:s7+$0xFFFFFFE0] =	vst v9  }
0x174: {  	v11 =	vand.u32 $0xFFFF0000, v13;
	v9 =	vld [tilespmem:s4+$0xFFFFFFA0];
	v12 =	vadd.f32 v17, v12;
	v7 =	vmax.f32 v7, $0.0e+00;
	[tilespmem:s7+$0xFFFFFFF0] =	vst v8;
	s7 =	smov.u32 s25;
	s25 =	smov.u32 s4  }
0x175: {  	v8 =	vld [tilespmem:s4+$0xFFFFFFB0];
	v11 =	vadd.f32 v11, v15;
	[tilespmem:s7+$0x40] =	vst v7;
	v7 =	vmax.f32 v10, $0.0e+00  }
0x176: {  	v10 =	vshll.u32 v6, $0x10;
	v6 =	vand.u32 $0xFFFF0000, v6;
	v12 =	vmax.f32 v12, $0.0e+00;
	v13 =	vld [tilespmem:s10+$0xFFFFFFA0];
	[tilespmem:s7+$0x50] =	vst v7  }
0x177: {  	v7 =	vadd.f32 v10, v16;
	[tilespmem:s4+$0x0] =	vst v12;
	v10 =	vmax.f32 v11, $0.0e+00;
	v11 =	vld [tilespmem:s10+$0x30]  }
0x178: {  	v6 =	vadd.f32 v6, v14;
	[tilespmem:s4+$0x10] =	vst v10;
	v10 =	vld [tilespmem:s7+$0x70]  }
0x179: {  	v7 =	vmax.f32 v7, $0.0e+00;
	v12 =	vld [tilespmem:s3+$0x10]  }
0x17a: {  	[tilespmem:s4+$0xFFFFFF80] =	vst v7;
	v6 =	vmax.f32 v6, $0.0e+00;
	v7 =	vld [tilespmem:s4+$0x20]  }
0x17b: {  	[tilespmem:s4+$0xFFFFFF90] =	vst v6;
	v14 =	vld [tilespmem:s4+$0x30];
	v6 =	vshll.u32 v13, $0x10;
	v13 =	vand.u32 $0xFFFF0000, v13  }
0x17c: {  	v15 =	vld [tilespmem:s3+$0xFFFFFF90];
	v6 =	vadd.f32 v6, v4;
	v13 =	vadd.f32 v13, v5;
	v5 =	vand.u32 $0xFFFF0000, v11  }
0x17d: {  	v11 =	vshll.u32 v11, $0x10;
	v4 =	vld [tilespmem:s4+$0xFFFFFFC0];
	v10 =	vadd.f32 v5, v10  }
0x17e: {  	v5 =	vld [tilespmem:s4+$0xFFFFFFD0];
	v16 =	vshll.u32 v12, $0x10;
	v17 =	vmax.f32 v6, $0.0e+00;
	v13 =	vmax.f32 v13, $0.0e+00  }
0x17f: {  	v12 =	vand.u32 $0xFFFF0000, v12;
	v6 =	vld [tilespmem:s4+$0xFFFFFFE0];
	v16 =	vadd.f32 v16, v7;
	[tilespmem:s7+$0xFFFFFFC0] =	vst v17;
	v10 =	vmax.f32 v10, $0.0e+00  }
0x180: {  	v11 =	vadd.f32 v11, v3;
	v7 =	vld [tilespmem:s4+$0xFFFFFFF0];
	v12 =	vadd.f32 v12, v14;
	[tilespmem:s7+$0x70] =	vst v10  }
.Ltmp2:
0x181: {  	v10 =	vshll.u32 v15, $0x10;
	v14 =	vand.u32 $0xFFFF0000, v15;
	v15 =	vmax.f32 v16, $0.0e+00;
	v3 =	vld [tilespmem:s4+$0x60];
	[tilespmem:s7+$0xFFFFFFD0] =	vst v13;
	(pc) =	sbr.rel @p1 .LBB2_7-.Ltmp2, $4  }
0x182: {  	v10 =	vadd.f32 v10, v9;
	v13 =	vadd.f32 v14, v8;
	[tilespmem:s4+$0x20] =	vst v15;
	v9 =	vmax.f32 v12, $0.0e+00;
	v8 =	vld [tilespmem:s10+$0xFFFFFFB0];
	s10 =	smov.u32 s3  }
0x183: {  	v11 =	vmax.f32 v11, $0.0e+00;
	[tilespmem:s4+$0x30] =	vst v9;
	v9 =	vld [tilespmem:s4+$0x40]  }
0x184: {  	v14 =	vmax.f32 v10, $0.0e+00;
	v12 =	vmax.f32 v13, $0.0e+00;
	v10 =	vld [tilespmem:s3+$0x20];
	[tilespmem:s7+$0x60] =	vst v11  }
0x185: {  	s3 =	sadd.s32 $0x100, s3;
	[tilespmem:s4+$0xFFFFFFA0] =	vst v14;
	v11 =	vld [tilespmem:s4+$0x50]  }
0x186: {  	[tilespmem:s25+$0xFFFFFFB0] =	vst v12  }
0x187: {  	v12 =	vld [tilespmem:s10+$0xFFFFFFA0];
	_ =	sdelay $0x2  }
0x188: {  	v13 =	vshll.u32 v10, $0x10  }
0x189: {  	v10 =	vand.u32 $0xFFFF0000, v10;
	v9 =	vadd.f32 v13, v9  }
0x18a: {  	v10 =	vadd.f32 v10, v11;
	v11 =	vshll.u32 v12, $0x10  }
0x18b: {  	v9 =	vmax.f32 v9, $0.0e+00;
	v12 =	vand.u32 $0xFFFF0000, v12;
	v4 =	vadd.f32 v11, v4  }
0x18c: {  	[tilespmem:s25+$0x40] =	vst v9;
	v9 =	vmax.f32 v10, $0.0e+00;
	v5 =	vadd.f32 v12, v5  }
0x18d: {  	[tilespmem:s25+$0x50] =	vst v9;
	v4 =	vmax.f32 v4, $0.0e+00  }
0x18e: {  	v9 =	vld [tilespmem:s10+$0x30];
	v5 =	vmax.f32 v5, $0.0e+00;
	[tilespmem:s25+$0xFFFFFFC0] =	vst v4  }
0x18f: {  	v4 =	vld [tilespmem:s25+$0x70];
	[tilespmem:s25+$0xFFFFFFD0] =	vst v5  }
0x190: {  	v5 =	vld [tilespmem:s10+$0xFFFFFFB0]  }
0x191: {  	v10 =	vshll.u32 v8, $0x10  }
0x192: {  	v8 =	vand.u32 $0xFFFF0000, v8;
	v1 =	vadd.f32 v10, v1  }
0x193: {  	v2 =	vadd.f32 v8, v2;
	v8 =	vand.u32 $0xFFFF0000, v9  }
0x194: {  	v1 =	vmax.f32 v1, $0.0e+00;
	v9 =	vshll.u32 v9, $0x10;
	v4 =	vadd.f32 v8, v4  }
0x195: {  	[tilespmem:s7+$0xFFFFFFE0] =	vst v1;
	v1 =	vmax.f32 v2, $0.0e+00;
	v2 =	vadd.f32 v9, v3;
	v3 =	vshll.u32 v5, $0x10  }
0x196: {  	[tilespmem:s7+$0xFFFFFFF0] =	vst v1;
	v1 =	vmax.f32 v4, $0.0e+00;
	v4 =	vand.u32 $0xFFFF0000, v5;
	v3 =	vadd.f32 v3, v6  }
0x197: {  	[tilespmem:s25+$0x70] =	vst v1;
	v1 =	vmax.f32 v2, $0.0e+00;
	v2 =	vadd.f32 v4, v7  }
0x198: {  	[tilespmem:s25+$0x60] =	vst v1;
	v1 =	vmax.f32 v3, $0.0e+00  }
0x199: {  	[tilespmem:s25+$0xFFFFFFE0] =	vst v1;
	v1 =	vmax.f32 v2, $0.0e+00  }
0x19a: {  	[tilespmem:s25+$0xFFFFFFF0] =	vst v1  }
0x19b: {  	_ =	swait.ge [sflag:s15], $0x28  }
0x19c: {  	[sflag:s15] =	ssyncset.done $0x0  }
0x19d: {  	s3 =	simm.s32 $0x5300;
	[sflag:s15] =	ssyncadd.s32 $0xFFFFFFD8  }
0x19e: {  	[spmem:s5] =	stream.indirect.scatter.add.f32 [tilespmem:s3], [sflag:$0x8], $0x80, s28, s13, $0xb8;
	[tilespmem:$0x1BB00] =	vst v63  }
0x19f: {  	_ =	swait.ge [sflag:s24], $0x1400  }
0x1a0: {  	[sflag:s24] =	ssyncset.done $0x0  }
0x1a1: {  	[sflag:s24] =	ssyncadd.s32 $0xFFFFEC00  }
0x1a2: {  	_ =	swait.ge [sflag:s21], $0x1400  }
0x1a3: {  	s4 =	simm.s32 @p0 $0x280;
	[sflag:s21] =	ssyncset.done $0x0  }
0x1a4: {  	s3 =	simm.s32 @p0 $0x0;
	s7 =	rddreg [dreg:$0x17];
	[sflag:s21] =	ssyncadd.s32 $0xFFFFEC00  }
0x1a5: {  	[tilespmem:s4], [sflag:$0xC] =	stream.linear.gather @p0 [hbm4b:s7+s3], $0x28, $0x38;
	[tilespmem:$0x1BB00] =	vst v63  }
0x1a6: {  	s3 =	rddreg [dreg:$0x1e]  }
0x1a7: {  	s3 =	sadd.s32 @!p0 s9, s3  }
0x1a8: {  	s3 =	sshrl.u32 @!p0 s3, $0x3  }
0x1a9: {  	s4 =	simm.s32 @!p0 $0x0;
	s7 =	simm.s32 @!p0 $0x100;
	s3 =	sadd.s32 @!p0 s1, s3  }
0x1aa: {  	[tilespmem:s7], [sflag:$0xF] =	stream.linear.gather @!p0 [hbm4b:s3+s4], $0x28, $0x38;
	[tilespmem:$0x1BB00] =	vst v63  }
0x1ab: {  	s3 =	sadd.s32 @!p0 s9, s11  }
0x1ac: {  	s3 =	sshrl.u32 @!p0 s3, $0x3  }
0x1ad: {  	s7 =	simm.s32 @!p0 $0x280;
	s3 =	sadd.s32 @!p0 s2, s3  }
0x1ae: {  	[tilespmem:s7], [sflag:$0xC] =	stream.linear.gather @!p0 [hbm4b:s3+s4], $0x28, $0x38;
	[tilespmem:$0x1BB00] =	vst v63  }
0x1af: {  	s3 =	simm.s32 @!p0 $0x8  }
0x1b0: {  	_ =	swait.ge @!p0 [sflag:s3], $0x1400  }
0x1b1: {  	[sflag:s3] =	ssyncset.done @!p0 $0x0  }
0x1b2: {  	[sflag:s3] =	ssyncadd.s32 @!p0 $0xFFFFEC00;
	s3 =	simm.s32 @!p0 $0xE  }
0x1b3: {  	_ =	swait.ge @!p0 [sflag:s3], $0x28  }
0x1b4: {  	s9 =	simm.s32 @!p0 $0x5300;
	[sflag:s3] =	ssyncset.done @!p0 $0x0  }
0x1b5: {  	s7 =	simm.s32 @!p0 $0x80;
	[sflag:s3] =	ssyncadd.s32 @!p0 $0xFFFFFFD8;
	s3 =	simm.s32 @!p0 $0x28  }
0x1b6: {  	[tilespmem:s9], [sflag:$0x2] =	stream.indirect.gather @!p0 [hbm4b:s0+s3], $0x80, s7, s3, $0xb8;
	[tilespmem:$0x1BB00] =	vst v63  }
0x1b7: {  	s3 =	sshll.u32 @!p0 s20, $0x4  }
0x1b8: {  	s31 =	simm.s32 $0x2B80;
	s7 =	simm.s32 @!p0 $0x1700;
	s3 =	sadd.s32 @!p0 s8, s3  }
0x1b9: {  	[tilespmem:s7], [sflag:$0x5] =	stream.linear.gather @!p0 [hbm4b:s3+s4], $0x1400, $0x38;
	[tilespmem:$0x1BB00] =	vst v63  }
0x1ba: {  	s7 =	simm.s32 $0x6780;
	v1 =	vld [tilespmem:s31+$0x0]  }
0x1bb: {  	v2 =	vld [tilespmem:s7+$0x0]  }
0x1bc: {  	v3 =	vld [tilespmem:s7+$0x10];
	_ =	sdelay $0x2  }
0x1bd: {  	v4 =	vshll.u32 v1, $0x10  }
0x1be: {  	v5 =	vld [tilespmem:s31+$0xFFFFFF80];
	v1 =	vand.u32 $0xFFFF0000, v1;
	v2 =	vadd.f32 v4, v2  }
0x1bf: {  	v4 =	vld [tilespmem:s7+$0xFFFFFF80];
	v1 =	vadd.f32 v1, v3  }
0x1c0: {  	v3 =	vld [tilespmem:s7+$0xFFFFFF90];
	v2 =	vmax.f32 v2, $0.0e+00  }
0x1c1: {  	v1 =	vmax.f32 v1, $0.0e+00;
	[tilespmem:s7+$0x0] =	vst v2  }
0x1c2: {  	[tilespmem:s7+$0x10] =	vst v1  }
0x1c3: {  	v1 =	vshll.u32 v5, $0x10;
	v6 =	vld [tilespmem:s31+$0x10]  }
0x1c4: {  	v5 =	vand.u32 $0xFFFF0000, v5;
	v1 =	vadd.f32 v1, v4;
	v4 =	vld [tilespmem:s7+$0x20]  }
0x1c5: {  	v3 =	vadd.f32 v5, v3;
	v5 =	vld [tilespmem:s7+$0x30]  }
0x1c6: {  	v7 =	vld [tilespmem:s7+$0xFFFFFFB0];
	v1 =	vmax.f32 v1, $0.0e+00  }
0x1c7: {  	v8 =	vld [tilespmem:s7+$0x60];
	[tilespmem:s7+$0xFFFFFF80] =	vst v1;
	v1 =	vmax.f32 v3, $0.0e+00  }
0x1c8: {  	s10 =	simm.s32 $0x2C80;
	v10 =	vld [tilespmem:s7+$0x50];
	[tilespmem:s7+$0xFFFFFF90] =	vst v1;
	v1 =	vshll.u32 v6, $0x10  }
0x1c9: {  	s9 =	simm.s32 $0x6880;
	v11 =	vld [tilespmem:s10+$0x0];
	v6 =	vand.u32 $0xFFFF0000, v6;
	v1 =	vadd.f32 v1, v4  }
0x1ca: {  	v13 =	vld [tilespmem:s9+$0x0];
	v5 =	vadd.f32 v6, v5  }
0x1cb: {  	v3 =	vld [tilespmem:s31+$0xFFFFFF90];
	v1 =	vmax.f32 v1, $0.0e+00  }
0x1cc: {  	v2 =	vld [tilespmem:s7+$0xFFFFFFA0];
	v5 =	vmax.f32 v5, $0.0e+00;
	[tilespmem:s7+$0x20] =	vst v1  }
0x1cd: {  	v14 =	vld [tilespmem:s9+$0x10];
	[tilespmem:s7+$0x30] =	vst v5  }
0x1ce: {  	v9 =	vld [tilespmem:s31+$0x20]  }
0x1cf: {  	v5 =	vld [tilespmem:s7+$0x40]  }
0x1d0: {  	v15 =	vld [tilespmem:s10+$0xFFFFFF80];
	v12 =	vshll.u32 v3, $0x10;
	v3 =	vand.u32 $0xFFFF0000, v3  }
0x1d1: {  	v4 =	vld [tilespmem:s7+$0xFFFFFFC0];
	v12 =	vadd.f32 v12, v2;
	v3 =	vadd.f32 v3, v7  }
0x1d2: {  	v6 =	vld [tilespmem:s7+$0xFFFFFFD0]  }
0x1d3: {  	v1 =	vld [tilespmem:s7+$0xFFFFFFE0];
	v12 =	vmax.f32 v12, $0.0e+00;
	v3 =	vmax.f32 v3, $0.0e+00;
	v7 =	vshll.u32 v9, $0x10  }
0x1d4: {  	v2 =	vld [tilespmem:s7+$0xFFFFFFF0];
	v9 =	vand.u32 $0xFFFF0000, v9;
	[tilespmem:s7+$0xFFFFFFA0] =	vst v12;
	v12 =	vshll.u32 v11, $0x10;
	v5 =	vadd.f32 v7, v5  }
0x1d5: {  	[tilespmem:s7+$0xFFFFFFB0] =	vst v3;
	v3 =	vld [tilespmem:s9+$0xFFFFFF90];
	v9 =	vadd.f32 v9, v10;
	v10 =	vand.u32 $0xFFFF0000, v11;
	v11 =	vadd.f32 v12, v13  }
0x1d6: {  	v7 =	vld [tilespmem:s9+$0xFFFFFF80];
	v5 =	vmax.f32 v5, $0.0e+00  }
0x1d7: {  	v12 =	vld [tilespmem:s9+$0xFFFFFFA0];
	v10 =	vadd.f32 v10, v14;
	v11 =	vmax.f32 v11, $0.0e+00;
	[tilespmem:s7+$0x40] =	vst v5  }
0x1d8: {  	v13 =	vld [tilespmem:s31+$0xFFFFFFA0];
	v5 =	vmax.f32 v9, $0.0e+00;
	[tilespmem:s9+$0x0] =	vst v11  }
0x1d9: {  	v14 =	vld [tilespmem:s9+$0x30];
	v10 =	vmax.f32 v10, $0.0e+00;
	v11 =	vand.u32 $0xFFFF0000, v15;
	[tilespmem:s7+$0x50] =	vst v5  }
0x1da: {  	v9 =	vld [tilespmem:s9+$0xFFFFFFB0];
	v5 =	vshll.u32 v15, $0x10;
	[tilespmem:s9+$0x10] =	vst v10;
	v3 =	vadd.f32 v11, v3  }
0x1db: {  	v5 =	vadd.f32 v5, v7;
	v10 =	vld [tilespmem:s10+$0x10]  }
0x1dc: {  	v11 =	vld [tilespmem:s9+$0x20];
	v3 =	vmax.f32 v3, $0.0e+00  }
0x1dd: {  	v7 =	vld [tilespmem:s31+$0x30];
	v5 =	vmax.f32 v5, $0.0e+00;
	[tilespmem:s9+$0xFFFFFF90] =	vst v3  }
0x1de: {  	v15 =	vld [tilespmem:s7+$0x70];
	v3 =	vshll.u32 v13, $0x10;
	[tilespmem:s9+$0xFFFFFF80] =	vst v5  }
0x1df: {  	v5 =	vand.u32 $0xFFFF0000, v13;
	v3 =	vadd.f32 v3, v4;
	v13 =	vld [tilespmem:s10+$0xFFFFFF90]  }
0x1e0: {  	v4 =	vld [tilespmem:s9+$0xFFFFFFC0];
	v6 =	vadd.f32 v5, v6;
	v16 =	vshll.u32 v10, $0x10  }
0x1e1: {  	v5 =	vld [tilespmem:s9+$0xFFFFFFD0];
	v3 =	vmax.f32 v3, $0.0e+00;
	v10 =	vand.u32 $0xFFFF0000, v10;
	v11 =	vadd.f32 v16, v11  }
0x1e2: {  	v63 =	vand.u32 $0xFFFF0000, v7;
	v17 =	vmax.f32 v6, $0.0e+00;
	v6 =	vld [tilespmem:s9+$0xFFFFFFE0];
	[tilespmem:s7+$0xFFFFFFC0] =	vst v3;
	v10 =	vadd.f32 v10, v14  }
0x1e3: {  	v14 =	vshll.u32 v7, $0x10;
	v15 =	vadd.f32 v63, v15;
	v3 =	vld [tilespmem:s9+$0x60];
	[tilespmem:s7+$0xFFFFFFD0] =	vst v17;
	v11 =	vmax.f32 v11, $0.0e+00  }
0x1e4: {  	v7 =	vld [tilespmem:s9+$0xFFFFFFF0];
	v14 =	vadd.f32 v14, v8;
	v10 =	vmax.f32 v10, $0.0e+00;
	v8 =	vshll.u32 v13, $0x10;
	[tilespmem:s9+$0x20] =	vst v11  }
0x1e5: {  	v11 =	vmax.f32 v15, $0.0e+00;
	v13 =	vand.u32 $0xFFFF0000, v13;
	[tilespmem:s9+$0x30] =	vst v10;
	v12 =	vadd.f32 v8, v12;
	v8 =	vld [tilespmem:s31+$0xFFFFFFB0]  }
0x1e6: {  	[tilespmem:s7+$0x70] =	vst v11;
	v11 =	vadd.f32 v13, v9;
	v9 =	vld [tilespmem:s9+$0x40];
	v13 =	vmax.f32 v14, $0.0e+00  }
0x1e7: {  	v10 =	vld [tilespmem:s10+$0x20];
	[tilespmem:s7+$0x60] =	vst v13;
	v14 =	vmax.f32 v12, $0.0e+00  }
0x1e8: {  	s20 =	simm.s32 $0x2;
	s3 =	simm.s32 $0x2D80;
	s4 =	simm.s32 $0x6880;
	v12 =	vmax.f32 v11, $0.0e+00;
	v11 =	vld [tilespmem:s9+$0x50];
	[tilespmem:s9+$0xFFFFFFA0] =	vst v14  }
.LBB2_9:
0x1e9: {  	v13 =	vld [tilespmem:s3+$0x0];
	[tilespmem:s9+$0xFFFFFFB0] =	vst v12;
	s4 =	sadd.s32 $0x100, s4  }
0x1ea: {  	v12 =	vld [tilespmem:s4+$0x0];
	v14 =	vshll.u32 v8, $0x10;
	v8 =	vand.u32 $0xFFFF0000, v8  }
0x1eb: {  	v15 =	vld [tilespmem:s4+$0x10];
	v14 =	vadd.f32 v14, v1;
	v8 =	vadd.f32 v8, v2;
	v1 =	vmovc v6;
	v2 =	vmov v7  }
0x1ec: {  	s20 =	sadd.s32 $0x2, s20;
	v6 =	vld [tilespmem:s3+$0xFFFFFF80];
	v7 =	vshll.u32 v10, $0x10  }
0x1ed: {  	p0 =	slt.u32 s20, $0x26;
	v10 =	vand.u32 $0xFFFF0000, v10;
	v16 =	vld [tilespmem:s4+$0xFFFFFF80];
	v7 =	vadd.f32 v7, v9;
	v9 =	vmax.f32 v14, $0.0e+00  }
0x1ee: {  	v10 =	vadd.f32 v10, v11;
	v8 =	vmax.f32 v8, $0.0e+00;
	v14 =	vld [tilespmem:s4+$0xFFFFFF90];
	v17 =	vshll.u32 v13, $0x10;
	[tilespmem:s7+$0xFFFFFFE0] =	vst v9  }
0x1ef: {  	v11 =	vand.u32 $0xFFFF0000, v13;
	v9 =	vld [tilespmem:s4+$0xFFFFFFA0];
	v12 =	vadd.f32 v17, v12;
	v7 =	vmax.f32 v7, $0.0e+00;
	[tilespmem:s7+$0xFFFFFFF0] =	vst v8;
	s7 =	smov.u32 s9;
	s9 =	smov.u32 s4  }
0x1f0: {  	v8 =	vld [tilespmem:s4+$0xFFFFFFB0];
	v11 =	vadd.f32 v11, v15;
	[tilespmem:s7+$0x40] =	vst v7;
	v7 =	vmax.f32 v10, $0.0e+00  }
0x1f1: {  	v10 =	vshll.u32 v6, $0x10;
	v6 =	vand.u32 $0xFFFF0000, v6;
	v12 =	vmax.f32 v12, $0.0e+00;
	v13 =	vld [tilespmem:s10+$0xFFFFFFA0];
	[tilespmem:s7+$0x50] =	vst v7  }
0x1f2: {  	v7 =	vadd.f32 v10, v16;
	[tilespmem:s4+$0x0] =	vst v12;
	v10 =	vmax.f32 v11, $0.0e+00;
	v11 =	vld [tilespmem:s10+$0x30]  }
0x1f3: {  	v6 =	vadd.f32 v6, v14;
	[tilespmem:s4+$0x10] =	vst v10;
	v10 =	vld [tilespmem:s7+$0x70]  }
0x1f4: {  	v7 =	vmax.f32 v7, $0.0e+00;
	v12 =	vld [tilespmem:s3+$0x10]  }
0x1f5: {  	[tilespmem:s4+$0xFFFFFF80] =	vst v7;
	v6 =	vmax.f32 v6, $0.0e+00;
	v7 =	vld [tilespmem:s4+$0x20]  }
0x1f6: {  	[tilespmem:s4+$0xFFFFFF90] =	vst v6;
	v14 =	vld [tilespmem:s4+$0x30];
	v6 =	vshll.u32 v13, $0x10;
	v13 =	vand.u32 $0xFFFF0000, v13  }
0x1f7: {  	v15 =	vld [tilespmem:s3+$0xFFFFFF90];
	v6 =	vadd.f32 v6, v4;
	v13 =	vadd.f32 v13, v5;
	v5 =	vand.u32 $0xFFFF0000, v11  }
0x1f8: {  	v11 =	vshll.u32 v11, $0x10;
	v4 =	vld [tilespmem:s4+$0xFFFFFFC0];
	v10 =	vadd.f32 v5, v10  }
0x1f9: {  	v5 =	vld [tilespmem:s4+$0xFFFFFFD0];
	v16 =	vshll.u32 v12, $0x10;
	v17 =	vmax.f32 v6, $0.0e+00;
	v13 =	vmax.f32 v13, $0.0e+00  }
0x1fa: {  	v12 =	vand.u32 $0xFFFF0000, v12;
	v6 =	vld [tilespmem:s4+$0xFFFFFFE0];
	v16 =	vadd.f32 v16, v7;
	[tilespmem:s7+$0xFFFFFFC0] =	vst v17;
	v10 =	vmax.f32 v10, $0.0e+00  }
0x1fb: {  	v11 =	vadd.f32 v11, v3;
	v7 =	vld [tilespmem:s4+$0xFFFFFFF0];
	v12 =	vadd.f32 v12, v14;
	[tilespmem:s7+$0x70] =	vst v10  }
.Ltmp3:
0x1fc: {  	v10 =	vshll.u32 v15, $0x10;
	v14 =	vand.u32 $0xFFFF0000, v15;
	v15 =	vmax.f32 v16, $0.0e+00;
	v3 =	vld [tilespmem:s4+$0x60];
	[tilespmem:s7+$0xFFFFFFD0] =	vst v13;
	(pc) =	sbr.rel @p0 .LBB2_9-.Ltmp3, $4  }
0x1fd: {  	v10 =	vadd.f32 v10, v9;
	v13 =	vadd.f32 v14, v8;
	[tilespmem:s4+$0x20] =	vst v15;
	v9 =	vmax.f32 v12, $0.0e+00;
	v8 =	vld [tilespmem:s10+$0xFFFFFFB0];
	s10 =	smov.u32 s3  }
0x1fe: {  	v11 =	vmax.f32 v11, $0.0e+00;
	[tilespmem:s4+$0x30] =	vst v9;
	v9 =	vld [tilespmem:s4+$0x40]  }
0x1ff: {  	v14 =	vmax.f32 v10, $0.0e+00;
	v12 =	vmax.f32 v13, $0.0e+00;
	v10 =	vld [tilespmem:s3+$0x20];
	[tilespmem:s7+$0x60] =	vst v11  }
0x200: {  	s3 =	sadd.s32 $0x100, s3;
	[tilespmem:s4+$0xFFFFFFA0] =	vst v14;
	v11 =	vld [tilespmem:s4+$0x50]  }
0x201: {  	[tilespmem:s9+$0xFFFFFFB0] =	vst v12  }
0x202: {  	v12 =	vld [tilespmem:s10+$0xFFFFFFA0];
	_ =	sdelay $0x2  }
0x203: {  	v13 =	vshll.u32 v10, $0x10  }
0x204: {  	v56 =	vand.u32 $0xFFFF0000, v10;
	v9 =	vadd.f32 v13, v9  }
0x205: {  	v10 =	vadd.f32 v56, v11;
	v57 =	vshll.u32 v12, $0x10  }
0x206: {  	v9 =	vmax.f32 v9, $0.0e+00;
	v12 =	vand.u32 $0xFFFF0000, v12;
	v4 =	vadd.f32 v57, v4  }
0x207: {  	v58 =	vmax.f32 v10, $0.0e+00;
	[tilespmem:s9+$0x40] =	vst v9;
	v5 =	vadd.f32 v12, v5  }
0x208: {  	[tilespmem:s9+$0x50] =	vst v58;
	v4 =	vmax.f32 v4, $0.0e+00  }
0x209: {  	v9 =	vld [tilespmem:s10+$0x30];
	v5 =	vmax.f32 v5, $0.0e+00;
	[tilespmem:s9+$0xFFFFFFC0] =	vst v4  }
0x20a: {  	v59 =	vld [tilespmem:s9+$0x70];
	[tilespmem:s9+$0xFFFFFFD0] =	vst v5  }
0x20b: {  	v5 =	vld [tilespmem:s10+$0xFFFFFFB0]  }
0x20c: {  	v60 =	vshll.u32 v8, $0x10  }
0x20d: {  	v61 =	vand.u32 $0xFFFF0000, v8;
	v1 =	vadd.f32 v60, v1  }
0x20e: {  	v2 =	vadd.f32 v61, v2;
	v62 =	vand.u32 $0xFFFF0000, v9  }
0x20f: {  	v1 =	vmax.f32 v1, $0.0e+00;
	v9 =	vshll.u32 v9, $0x10;
	v4 =	vadd.f32 v62, v59  }
0x210: {  	[tilespmem:s7+$0xFFFFFFE0] =	vst v1;
	v1 =	vmax.f32 v2, $0.0e+00;
	v2 =	vadd.f32 v9, v3;
	v3 =	vshll.u32 v5, $0x10  }
0x211: {  	[tilespmem:s7+$0xFFFFFFF0] =	vst v1;
	v1 =	vmax.f32 v4, $0.0e+00;
	v63 =	vand.u32 $0xFFFF0000, v5;
	v3 =	vadd.f32 v3, v6  }
0x212: {  	[tilespmem:s9+$0x70] =	vst v1;
	v1 =	vmax.f32 v2, $0.0e+00;
	v2 =	vadd.f32 v63, v7  }
0x213: {  	s16 =	sadd.s32 $0x1, s16;
	[tilespmem:s9+$0x60] =	vst v1;
	v1 =	vmax.f32 v3, $0.0e+00  }
0x214: {  	p0 =	sne.s32 s16, $0x53;
	[tilespmem:s9+$0xFFFFFFE0] =	vst v1;
	v1 =	vmax.f32 v2, $0.0e+00  }
.Ltmp4:
0x215: {  	[tilespmem:s9+$0xFFFFFFF0] =	vst v1;
	(pc) =	sbr.rel @p0 .LBB2_4-.Ltmp4, $4  }
0x216: {  	_ =	swait.ge [sflag:s14], $0x28  }
0x217: {  	[sflag:s14] =	ssyncset.done $0x0  }
0x218: {  	s3 =	simm.s32 $0x280;
	s4 =	simm.s32 $0x6700;
	[sflag:s14] =	ssyncadd.s32 $0xFFFFFFD8  }
0x219: {  	[spmem:s5] =	stream.indirect.scatter.add.f32 [tilespmem:s4], [sflag:$0x9], $0x80, s3, s13, $0xb8;
	[tilespmem:$0x1BB00] =	vst v63  }
0x21a: {  	_ =	swait.ge [sflag:s17], $0x1400  }
0x21b: {  	[sflag:s17] =	ssyncset.done $0x0  }
0x21c: {  	[sflag:s17] =	ssyncadd.s32 $0xFFFFEC00  }
0x21d: {  	_ =	swait.ge [sflag:s18], $0x1400  }
0x21e: {  	[sflag:s18] =	ssyncset.done $0x0  }
0x21f: {  	s25 =	simm.s32 $0x9;
	s3 =	rddreg [dreg:$0x13];
	[sflag:s18] =	ssyncadd.s32 $0xFFFFEC00  }
0x220: {  	[tilespmem:s19], [sflag:$0xA] =	stream.linear.gather [hbm4b:s3+s6], $0x28, $0x38;
	[tilespmem:$0x1BB00] =	vst v63  }
0x221: {  	_ =	swait.ge [sflag:s25], $0x1400  }
0x222: {  	[sflag:s25] =	ssyncset.done $0x0  }
0x223: {  	s31 =	simm.s32 $0x380;
	[sflag:s25] =	ssyncadd.s32 $0xFFFFEC00  }
0x224: {  	s7 =	simm.s32 $0x3F80;
	v1 =	vld [tilespmem:s31+$0x0]  }
0x225: {  	v2 =	vld [tilespmem:s7+$0x0]  }
0x226: {  	v3 =	vld [tilespmem:s7+$0x10];
	_ =	sdelay $0x2  }
0x227: {  	v4 =	vshll.u32 v1, $0x10  }
0x228: {  	v5 =	vld [tilespmem:s31+$0xFFFFFF80];
	v1 =	vand.u32 $0xFFFF0000, v1;
	v2 =	vadd.f32 v4, v2  }
0x229: {  	v4 =	vld [tilespmem:s7+$0xFFFFFF80];
	v1 =	vadd.f32 v1, v3  }
0x22a: {  	v3 =	vld [tilespmem:s7+$0xFFFFFF90];
	v2 =	vmax.f32 v2, $0.0e+00  }
0x22b: {  	v1 =	vmax.f32 v1, $0.0e+00;
	[tilespmem:s7+$0x0] =	vst v2  }
0x22c: {  	[tilespmem:s7+$0x10] =	vst v1  }
0x22d: {  	v1 =	vshll.u32 v5, $0x10;
	v6 =	vld [tilespmem:s31+$0x10]  }
0x22e: {  	v5 =	vand.u32 $0xFFFF0000, v5;
	v1 =	vadd.f32 v1, v4;
	v4 =	vld [tilespmem:s7+$0x20]  }
0x22f: {  	v3 =	vadd.f32 v5, v3;
	v5 =	vld [tilespmem:s7+$0x30]  }
0x230: {  	v7 =	vld [tilespmem:s7+$0xFFFFFFB0];
	v1 =	vmax.f32 v1, $0.0e+00  }
0x231: {  	v8 =	vld [tilespmem:s7+$0x60];
	[tilespmem:s7+$0xFFFFFF80] =	vst v1;
	v1 =	vmax.f32 v3, $0.0e+00  }
0x232: {  	s10 =	simm.s32 $0x480;
	v10 =	vld [tilespmem:s7+$0x50];
	[tilespmem:s7+$0xFFFFFF90] =	vst v1;
	v1 =	vshll.u32 v6, $0x10  }
0x233: {  	s9 =	simm.s32 $0x4080;
	v11 =	vld [tilespmem:s10+$0x0];
	v6 =	vand.u32 $0xFFFF0000, v6;
	v1 =	vadd.f32 v1, v4  }
0x234: {  	v13 =	vld [tilespmem:s9+$0x0];
	v5 =	vadd.f32 v6, v5  }
0x235: {  	v3 =	vld [tilespmem:s31+$0xFFFFFF90];
	v1 =	vmax.f32 v1, $0.0e+00  }
0x236: {  	v2 =	vld [tilespmem:s7+$0xFFFFFFA0];
	v5 =	vmax.f32 v5, $0.0e+00;
	[tilespmem:s7+$0x20] =	vst v1  }
0x237: {  	v14 =	vld [tilespmem:s9+$0x10];
	[tilespmem:s7+$0x30] =	vst v5  }
0x238: {  	v9 =	vld [tilespmem:s31+$0x20]  }
0x239: {  	v5 =	vld [tilespmem:s7+$0x40]  }
0x23a: {  	v15 =	vld [tilespmem:s10+$0xFFFFFF80];
	v12 =	vshll.u32 v3, $0x10;
	v3 =	vand.u32 $0xFFFF0000, v3  }
0x23b: {  	v4 =	vld [tilespmem:s7+$0xFFFFFFC0];
	v12 =	vadd.f32 v12, v2;
	v3 =	vadd.f32 v3, v7  }
0x23c: {  	v6 =	vld [tilespmem:s7+$0xFFFFFFD0]  }
0x23d: {  	v1 =	vld [tilespmem:s7+$0xFFFFFFE0];
	v12 =	vmax.f32 v12, $0.0e+00;
	v3 =	vmax.f32 v3, $0.0e+00;
	v7 =	vshll.u32 v9, $0x10  }
0x23e: {  	v2 =	vld [tilespmem:s7+$0xFFFFFFF0];
	v9 =	vand.u32 $0xFFFF0000, v9;
	[tilespmem:s7+$0xFFFFFFA0] =	vst v12;
	v12 =	vshll.u32 v11, $0x10;
	v5 =	vadd.f32 v7, v5  }
0x23f: {  	[tilespmem:s7+$0xFFFFFFB0] =	vst v3;
	v3 =	vld [tilespmem:s9+$0xFFFFFF90];
	v9 =	vadd.f32 v9, v10;
	v10 =	vand.u32 $0xFFFF0000, v11;
	v11 =	vadd.f32 v12, v13  }
0x240: {  	v7 =	vld [tilespmem:s9+$0xFFFFFF80];
	v5 =	vmax.f32 v5, $0.0e+00  }
0x241: {  	v12 =	vld [tilespmem:s9+$0xFFFFFFA0];
	v10 =	vadd.f32 v10, v14;
	v11 =	vmax.f32 v11, $0.0e+00;
	[tilespmem:s7+$0x40] =	vst v5  }
0x242: {  	v13 =	vld [tilespmem:s31+$0xFFFFFFA0];
	v5 =	vmax.f32 v9, $0.0e+00;
	[tilespmem:s9+$0x0] =	vst v11  }
0x243: {  	v14 =	vld [tilespmem:s9+$0x30];
	v10 =	vmax.f32 v10, $0.0e+00;
	v11 =	vand.u32 $0xFFFF0000, v15;
	[tilespmem:s7+$0x50] =	vst v5  }
0x244: {  	v9 =	vld [tilespmem:s9+$0xFFFFFFB0];
	v5 =	vshll.u32 v15, $0x10;
	[tilespmem:s9+$0x10] =	vst v10;
	v3 =	vadd.f32 v11, v3  }
0x245: {  	v5 =	vadd.f32 v5, v7;
	v10 =	vld [tilespmem:s10+$0x10]  }
0x246: {  	v11 =	vld [tilespmem:s9+$0x20];
	v3 =	vmax.f32 v3, $0.0e+00  }
0x247: {  	v7 =	vld [tilespmem:s31+$0x30];
	v5 =	vmax.f32 v5, $0.0e+00;
	[tilespmem:s9+$0xFFFFFF90] =	vst v3  }
0x248: {  	v15 =	vld [tilespmem:s7+$0x70];
	v3 =	vshll.u32 v13, $0x10;
	[tilespmem:s9+$0xFFFFFF80] =	vst v5  }
0x249: {  	v5 =	vand.u32 $0xFFFF0000, v13;
	v3 =	vadd.f32 v3, v4;
	v13 =	vld [tilespmem:s10+$0xFFFFFF90]  }
0x24a: {  	v4 =	vld [tilespmem:s9+$0xFFFFFFC0];
	v6 =	vadd.f32 v5, v6;
	v16 =	vshll.u32 v10, $0x10  }
0x24b: {  	v5 =	vld [tilespmem:s9+$0xFFFFFFD0];
	v3 =	vmax.f32 v3, $0.0e+00;
	v10 =	vand.u32 $0xFFFF0000, v10;
	v11 =	vadd.f32 v16, v11  }
0x24c: {  	v63 =	vand.u32 $0xFFFF0000, v7;
	v17 =	vmax.f32 v6, $0.0e+00;
	v6 =	vld [tilespmem:s9+$0xFFFFFFE0];
	[tilespmem:s7+$0xFFFFFFC0] =	vst v3;
	v10 =	vadd.f32 v10, v14  }
0x24d: {  	v14 =	vshll.u32 v7, $0x10;
	v15 =	vadd.f32 v63, v15;
	v3 =	vld [tilespmem:s9+$0x60];
	[tilespmem:s7+$0xFFFFFFD0] =	vst v17;
	v11 =	vmax.f32 v11, $0.0e+00  }
0x24e: {  	v7 =	vld [tilespmem:s9+$0xFFFFFFF0];
	v14 =	vadd.f32 v14, v8;
	v10 =	vmax.f32 v10, $0.0e+00;
	v8 =	vshll.u32 v13, $0x10;
	[tilespmem:s9+$0x20] =	vst v11  }
0x24f: {  	v11 =	vmax.f32 v15, $0.0e+00;
	v13 =	vand.u32 $0xFFFF0000, v13;
	[tilespmem:s9+$0x30] =	vst v10;
	v12 =	vadd.f32 v8, v12;
	v8 =	vld [tilespmem:s31+$0xFFFFFFB0]  }
0x250: {  	[tilespmem:s7+$0x70] =	vst v11;
	v11 =	vadd.f32 v13, v9;
	v9 =	vld [tilespmem:s9+$0x40];
	v13 =	vmax.f32 v14, $0.0e+00  }
0x251: {  	v10 =	vld [tilespmem:s10+$0x20];
	[tilespmem:s7+$0x60] =	vst v13;
	v14 =	vmax.f32 v12, $0.0e+00  }
0x252: {  	s16 =	simm.s32 $0x2;
	s4 =	simm.s32 $0x4080;
	s3 =	simm.s32 $0x580;
	v12 =	vmax.f32 v11, $0.0e+00;
	v11 =	vld [tilespmem:s9+$0x50];
	[tilespmem:s9+$0xFFFFFFA0] =	vst v14  }
.LBB2_12:
0x253: {  	v13 =	vld [tilespmem:s3+$0x0];
	[tilespmem:s9+$0xFFFFFFB0] =	vst v12;
	s4 =	sadd.s32 $0x100, s4  }
0x254: {  	v12 =	vld [tilespmem:s4+$0x0];
	v14 =	vshll.u32 v8, $0x10;
	v8 =	vand.u32 $0xFFFF0000, v8  }
0x255: {  	v15 =	vld [tilespmem:s4+$0x10];
	v14 =	vadd.f32 v14, v1;
	v8 =	vadd.f32 v8, v2;
	v1 =	vmovc v6;
	v2 =	vmov v7  }
0x256: {  	s16 =	sadd.s32 $0x2, s16;
	v6 =	vld [tilespmem:s3+$0xFFFFFF80];
	v7 =	vshll.u32 v10, $0x10  }
0x257: {  	p0 =	slt.u32 s16, $0x26;
	v10 =	vand.u32 $0xFFFF0000, v10;
	v16 =	vld [tilespmem:s4+$0xFFFFFF80];
	v7 =	vadd.f32 v7, v9;
	v9 =	vmax.f32 v14, $0.0e+00  }
0x258: {  	v10 =	vadd.f32 v10, v11;
	v8 =	vmax.f32 v8, $0.0e+00;
	v14 =	vld [tilespmem:s4+$0xFFFFFF90];
	v17 =	vshll.u32 v13, $0x10;
	[tilespmem:s7+$0xFFFFFFE0] =	vst v9  }
0x259: {  	v11 =	vand.u32 $0xFFFF0000, v13;
	v9 =	vld [tilespmem:s4+$0xFFFFFFA0];
	v12 =	vadd.f32 v17, v12;
	v7 =	vmax.f32 v7, $0.0e+00;
	[tilespmem:s7+$0xFFFFFFF0] =	vst v8;
	s7 =	smov.u32 s9;
	s9 =	smov.u32 s4  }
0x25a: {  	v8 =	vld [tilespmem:s4+$0xFFFFFFB0];
	v11 =	vadd.f32 v11, v15;
	[tilespmem:s7+$0x40] =	vst v7;
	v7 =	vmax.f32 v10, $0.0e+00  }
0x25b: {  	v10 =	vshll.u32 v6, $0x10;
	v6 =	vand.u32 $0xFFFF0000, v6;
	v12 =	vmax.f32 v12, $0.0e+00;
	v13 =	vld [tilespmem:s10+$0xFFFFFFA0];
	[tilespmem:s7+$0x50] =	vst v7  }
0x25c: {  	v7 =	vadd.f32 v10, v16;
	[tilespmem:s4+$0x0] =	vst v12;
	v10 =	vmax.f32 v11, $0.0e+00;
	v11 =	vld [tilespmem:s10+$0x30]  }
0x25d: {  	v6 =	vadd.f32 v6, v14;
	[tilespmem:s4+$0x10] =	vst v10;
	v10 =	vld [tilespmem:s7+$0x70]  }
0x25e: {  	v7 =	vmax.f32 v7, $0.0e+00;
	v12 =	vld [tilespmem:s3+$0x10]  }
0x25f: {  	[tilespmem:s4+$0xFFFFFF80] =	vst v7;
	v6 =	vmax.f32 v6, $0.0e+00;
	v7 =	vld [tilespmem:s4+$0x20]  }
0x260: {  	[tilespmem:s4+$0xFFFFFF90] =	vst v6;
	v14 =	vld [tilespmem:s4+$0x30];
	v6 =	vshll.u32 v13, $0x10;
	v13 =	vand.u32 $0xFFFF0000, v13  }
0x261: {  	v15 =	vld [tilespmem:s3+$0xFFFFFF90];
	v6 =	vadd.f32 v6, v4;
	v13 =	vadd.f32 v13, v5;
	v5 =	vand.u32 $0xFFFF0000, v11  }
0x262: {  	v11 =	vshll.u32 v11, $0x10;
	v4 =	vld [tilespmem:s4+$0xFFFFFFC0];
	v10 =	vadd.f32 v5, v10  }
0x263: {  	v5 =	vld [tilespmem:s4+$0xFFFFFFD0];
	v16 =	vshll.u32 v12, $0x10;
	v17 =	vmax.f32 v6, $0.0e+00;
	v13 =	vmax.f32 v13, $0.0e+00  }
0x264: {  	v12 =	vand.u32 $0xFFFF0000, v12;
	v6 =	vld [tilespmem:s4+$0xFFFFFFE0];
	v16 =	vadd.f32 v16, v7;
	[tilespmem:s7+$0xFFFFFFC0] =	vst v17;
	v10 =	vmax.f32 v10, $0.0e+00  }
0x265: {  	v11 =	vadd.f32 v11, v3;
	v7 =	vld [tilespmem:s4+$0xFFFFFFF0];
	v12 =	vadd.f32 v12, v14;
	[tilespmem:s7+$0x70] =	vst v10  }
.Ltmp5:
0x266: {  	v10 =	vshll.u32 v15, $0x10;
	v14 =	vand.u32 $0xFFFF0000, v15;
	v15 =	vmax.f32 v16, $0.0e+00;
	v3 =	vld [tilespmem:s4+$0x60];
	[tilespmem:s7+$0xFFFFFFD0] =	vst v13;
	(pc) =	sbr.rel @p0 .LBB2_12-.Ltmp5, $4  }
0x267: {  	v10 =	vadd.f32 v10, v9;
	v13 =	vadd.f32 v14, v8;
	[tilespmem:s4+$0x20] =	vst v15;
	v9 =	vmax.f32 v12, $0.0e+00;
	v8 =	vld [tilespmem:s10+$0xFFFFFFB0];
	s10 =	smov.u32 s3  }
0x268: {  	v11 =	vmax.f32 v11, $0.0e+00;
	[tilespmem:s4+$0x30] =	vst v9;
	v9 =	vld [tilespmem:s4+$0x40]  }
0x269: {  	v14 =	vmax.f32 v10, $0.0e+00;
	v12 =	vmax.f32 v13, $0.0e+00;
	v10 =	vld [tilespmem:s3+$0x20];
	[tilespmem:s7+$0x60] =	vst v11  }
0x26a: {  	s3 =	sadd.s32 $0x100, s3;
	[tilespmem:s4+$0xFFFFFFA0] =	vst v14;
	v11 =	vld [tilespmem:s4+$0x50]  }
0x26b: {  	[tilespmem:s9+$0xFFFFFFB0] =	vst v12  }
0x26c: {  	v12 =	vld [tilespmem:s10+$0xFFFFFFA0];
	_ =	sdelay $0x2  }
0x26d: {  	v13 =	vshll.u32 v10, $0x10  }
0x26e: {  	v56 =	vand.u32 $0xFFFF0000, v10;
	v9 =	vadd.f32 v13, v9  }
0x26f: {  	v10 =	vadd.f32 v56, v11;
	v57 =	vshll.u32 v12, $0x10  }
0x270: {  	v9 =	vmax.f32 v9, $0.0e+00;
	v12 =	vand.u32 $0xFFFF0000, v12;
	v4 =	vadd.f32 v57, v4  }
0x271: {  	v58 =	vmax.f32 v10, $0.0e+00;
	[tilespmem:s9+$0x40] =	vst v9;
	v5 =	vadd.f32 v12, v5  }
0x272: {  	[tilespmem:s9+$0x50] =	vst v58;
	v4 =	vmax.f32 v4, $0.0e+00  }
0x273: {  	v9 =	vld [tilespmem:s10+$0x30];
	v5 =	vmax.f32 v5, $0.0e+00;
	[tilespmem:s9+$0xFFFFFFC0] =	vst v4  }
0x274: {  	v59 =	vld [tilespmem:s9+$0x70];
	[tilespmem:s9+$0xFFFFFFD0] =	vst v5  }
0x275: {  	v5 =	vld [tilespmem:s10+$0xFFFFFFB0]  }
0x276: {  	v60 =	vshll.u32 v8, $0x10  }
0x277: {  	v61 =	vand.u32 $0xFFFF0000, v8;
	v1 =	vadd.f32 v60, v1  }
0x278: {  	v2 =	vadd.f32 v61, v2;
	v62 =	vand.u32 $0xFFFF0000, v9  }
0x279: {  	v1 =	vmax.f32 v1, $0.0e+00;
	v9 =	vshll.u32 v9, $0x10;
	v4 =	vadd.f32 v62, v59  }
0x27a: {  	[tilespmem:s7+$0xFFFFFFE0] =	vst v1;
	v1 =	vmax.f32 v2, $0.0e+00;
	v2 =	vadd.f32 v9, v3;
	v3 =	vshll.u32 v5, $0x10  }
0x27b: {  	[tilespmem:s7+$0xFFFFFFF0] =	vst v1;
	v1 =	vmax.f32 v4, $0.0e+00;
	v63 =	vand.u32 $0xFFFF0000, v5;
	v3 =	vadd.f32 v3, v6  }
0x27c: {  	[tilespmem:s9+$0x70] =	vst v1;
	v1 =	vmax.f32 v2, $0.0e+00;
	v2 =	vadd.f32 v63, v7  }
0x27d: {  	[tilespmem:s9+$0x60] =	vst v1;
	v1 =	vmax.f32 v3, $0.0e+00  }
0x27e: {  	[tilespmem:s9+$0xFFFFFFE0] =	vst v1;
	v1 =	vmax.f32 v2, $0.0e+00  }
0x27f: {  	[tilespmem:s9+$0xFFFFFFF0] =	vst v1  }
0x280: {  	_ =	swait.ge [sflag:s22], $0x28  }
0x281: {  	[sflag:s22] =	ssyncset.done $0x0  }
0x282: {  	s3 =	simm.s32 $0x8;
	[sflag:s22] =	ssyncadd.s32 $0xFFFFFFD8  }
0x283: {  	[spmem:s5] =	stream.indirect.scatter.add.f32 [tilespmem:s30], [sflag:$0x7], $0x80, s19, s13, $0xb8;
	[tilespmem:$0x1BB00] =	vst v63  }
0x284: {  	_ =	swait.ge [sflag:s3], $0x1400  }
0x285: {  	[sflag:s3] =	ssyncset.done $0x0  }
0x286: {  	[sflag:s3] =	ssyncadd.s32 $0xFFFFEC00  }
0x287: {  	_ =	swait.ge [sflag:s29], $0x1400  }
0x288: {  	[sflag:s29] =	ssyncset.done $0x0  }
0x289: {  	[sflag:s29] =	ssyncadd.s32 $0xFFFFEC00  }
0x28a: {  	s16 =	stileid.u32;
	[bflag:$0x0] =	sbarrier.arrive $0xFFFF  }
0x28b: {  	s9 =	simm.s32 $0x10;
	s3 =	sshll.u32 s16, $0x6;
	s16 =	rddreg [dreg:$0x16]  }
0x28c: {  	s3 =	sor.u32 $0x1C10, s3;
	s20 =	rddreg [dreg:$0xb];
	s4 =	sshrl.u32 s16, $0x3  }
0x28d: {  	[hbm:s20], [sflag:s3] =	dma.local [spmem:s4], $0x800  }
0x28e: {  	_ =	swait.ge [sflag:s9], $0x800  }
0x28f: {  	[sflag:s9] =	ssyncset.done $0x0;
	s25 =	rddreg [dreg:$0xc]  }
0x290: {  	s31 =	rddreg [dreg:$0x18];
	[sflag:s9] =	ssyncadd.s32 $0xFFFFF800  }
0x291: {  	[hbm:s25], [sflag:s3] =	dma.local [spmem:s31], $0x800  }
0x292: {  	_ =	swait.ge [sflag:s9], $0x800  }
0x293: {  	[sflag:s9] =	ssyncset.done $0x0;
	s10 =	rddreg [dreg:$0xd]  }
0x294: {  	s20 =	rddreg [dreg:$0x19];
	[sflag:s9] =	ssyncadd.s32 $0xFFFFF800  }
0x295: {  	[hbm:s10], [sflag:s3] =	dma.local [spmem:s20], $0x800  }
0x296: {  	_ =	swait.ge [sflag:s9], $0x800  }
0x297: {  	[sflag:s9] =	ssyncset.done $0x0;
	s25 =	rddreg [dreg:$0xe]  }
0x298: {  	s31 =	rddreg [dreg:$0x1a];
	[sflag:s9] =	ssyncadd.s32 $0xFFFFF800  }
0x299: {  	[hbm:s25], [sflag:s3] =	dma.local [spmem:s31], $0x800  }
0x29a: {  	_ =	swait.ge [sflag:s9], $0x800  }
0x29b: {  	[sflag:s9] =	ssyncset.done $0x0;
	s10 =	rddreg [dreg:$0xf]  }
0x29c: {  	s20 =	rddreg [dreg:$0x1b];
	[sflag:s9] =	ssyncadd.s32 $0xFFFFF800  }
0x29d: {  	[hbm:s10], [sflag:s3] =	dma.local [spmem:s20], $0x800  }
0x29e: {  	_ =	swait.ge [sflag:s9], $0x800  }
0x29f: {  	s25 =	sld [smem:$0x7EF];
	_ =	sdelay $0x2  }
0x2a0: {  	s31 =	rddreg [dreg:$0x15];
	s4 =	sadd.s32 $0x1, s25  }
0x2a1: {  	p0 =	sne.s32 s4, s31  }
.Ltmp6:
0x2a2: {  	_ = 	snop;
	(pc) =	sbr.rel @p0 .LBB2_1-.Ltmp6, $3  }
0x2a3: {  	_ =	sdelay $0x1  }
0x2a4: {  	[sflag:s9] =	ssyncset.done $0x0  }
0x2a5: {  	[sflag:s9] =	ssyncadd.s32 $0xFFFFF800  }
0x2a6: {  	_ =	sfence.sel $0x180000  }
0x2a7: {  	[bflag:$0x0] =	sbarrier.arrive $0xFFFF  }
0x2a8: {  	_ =	strace $0x90000047  }
0x2a9: {  	s0 =	stileid.u32;
	[bflag:$0x2] =	sbarrier.arrive $0xFFFF  }
0x2aa: {  	p0 =	sne.s32 s0, $0x0;
	s0 =	rddreg [dreg:$0x6]  }
0x2ab: {  	s0 =	sadd.s32 @!p0 $0x100000, s0  }
0x2ac: {  	[sflag:s0] =	ssyncadd.tile.s32 @!p0 $0x1;
	_ =	shalt  }
.Lfunc_end2:
_tile_overlayer_lowered:
.L_overlay_start_2:
0x2ad: {  	(tag) =	ssettag $0x2  }
0x2ae: {  	s0 =	rddreg [dreg:$0x0];
	s2 =	stileid.u32  }
0x2af: {  	s1 =	rddreg [dreg:$0x1];
	p0 =	sne.s32 s2, $0x0  }
0x2b0: {  	s3 =	rddreg [dreg:$0x2];
	[bflag:$0x3] =	sbarrier.arrive $0xFFFF;
	s2 =	simm.s32 @!p0 $0x1C10  }
0x2b1: {  	[timem:s3], [sflag:s2] =	dma.local @!p0 [hbm:s0], s1  }
0x2b2: {  	s0 =	simm.s32 @!p0 $0x10  }
0x2b3: {  	_ =	swait.ge @!p0 [sflag:s0], s1  }
0x2b4: {  	s1 =	ssub.s32 @!p0 $0x0, s1;
	[sflag:s0] =	ssyncset.done @!p0 $0x0  }
0x2b5: {  	[sflag:s0] =	ssyncadd.s32 @!p0 s1  }
0x2b6: {  	[bflag:$0x3] =	sbarrier.arrive $0xFFFF  }
0x2b7: {  	_ =	shalt  }

</sc_bundles>
